<compile_context>
chip_gen: v7x
topology: tpu7x:2x2x1
jax: 0.10.2.dev20260603
libtpu: 0.0.44.dev20260713+nightly
codegen_flags: <defaults>
</compile_context>

<pallas_src>
import functools

import jax
import jax.numpy as jnp
from jax import lax
from jax.experimental import pallas as pl
from jax.experimental.pallas import tpu as pltpu
from jax.experimental.pallas import tpu_sc as plsc

N_NODES = 10000
D_FEAT = 128
N_PAD = 10240
ROWS_PER_TILE = N_PAD // 16
E_EDGES = 320000
CHUNK = 128
E_ROWS = 2560
E_PAD = E_ROWS * CHUNK
TILE_CHUNKS = E_ROWS // 32
BR = 400
NB = N_NODES // BR

_mesh = plsc.VectorSubcoreMesh(core_axis_name="c", subcore_axis_name="s")


@functools.partial(
    pl.kernel,
    out_type=jax.ShapeDtypeStruct((2 * N_PAD, D_FEAT), jnp.float32),
    mesh=_mesh,
    scratch_types=[
        pltpu.VMEM((TILE_CHUNKS, CHUNK), jnp.int32),
        pltpu.VMEM((CHUNK, D_FEAT), jnp.float32),
        pltpu.VMEM_SHARED((N_PAD, D_FEAT), jnp.float32),
        pltpu.SemaphoreType.DMA,
    ],
)
def _deg_kernel(dst_hbm, out_hbm, dst_v, ones_v, acc, sem):
    c = lax.axis_index("c")
    s = lax.axis_index("s")
    zero16 = jnp.zeros((16,), jnp.float32)
    one16 = jnp.full((16,), 1.0, jnp.float32)

    def zfill(r, _):
        for k in range(D_FEAT // 16):
            ones_v[r, pl.ds(k * 16, 16)] = zero16
        return 0

    lax.fori_loop(0, CHUNK, zfill, 0)
    zds = [
        pltpu.async_copy(
            ones_v, acc.at[pl.ds(s * ROWS_PER_TILE + b * CHUNK, CHUNK)], sem)
        for b in range(ROWS_PER_TILE // CHUNK)
    ]
    for d_ in zds:
        d_.wait()

    def ofill(r, _):
        for k in range(D_FEAT // 16):
            ones_v[r, pl.ds(k * 16, 16)] = one16
        return 0

    lax.fori_loop(0, CHUNK, ofill, 0)
    row_base = (c * 16 + s) * TILE_CHUNKS
    pltpu.sync_copy(dst_hbm.at[pl.ds(row_base, TILE_CHUNKS)], dst_v)
    plsc.subcore_barrier()

    def body(j, _):
        pltpu.async_copy(ones_v, acc.at[dst_v.at[j]], sem, add=True)
        return 0

    lax.fori_loop(0, TILE_CHUNKS, body, 0)

    def drain(j, _):
        pltpu.make_async_copy(ones_v, acc.at[dst_v.at[0]], sem).wait()
        return 0

    lax.fori_loop(0, TILE_CHUNKS, drain, 0)
    plsc.subcore_barrier()
    out_base = c * N_PAD + s * ROWS_PER_TILE
    pltpu.sync_copy(
        acc.at[pl.ds(s * ROWS_PER_TILE, ROWS_PER_TILE)],
        out_hbm.at[pl.ds(out_base, ROWS_PER_TILE)],
    )


NBUF = 2
HCHUNK = 128
H_ROWS = E_PAD // HCHUNK
H_TILE = H_ROWS // 32
H_PART = H_TILE // 2


@functools.partial(
    pl.kernel,
    out_type=jax.ShapeDtypeStruct((2 * N_PAD, D_FEAT), jnp.float32),
    mesh=_mesh,
    scratch_types=[
        pltpu.VMEM((H_PART, HCHUNK), jnp.int32),
        pltpu.VMEM((H_PART, HCHUNK), jnp.int32),
        pltpu.VMEM((NBUF, HCHUNK, D_FEAT), jnp.float32),
        pltpu.VMEM_SHARED((N_PAD, D_FEAT), jnp.float32),
        [pltpu.SemaphoreType.DMA] * NBUF,
        [pltpu.SemaphoreType.DMA] * NBUF,
    ],
)
def _hop_kernel(y_hbm, src_hbm, dst_hbm, out_hbm,
                src_v, dst_v, rows_v, acc, gsems, ssems):
    c = lax.axis_index("c")
    s = lax.axis_index("s")
    zero16 = jnp.zeros((16,), jnp.float32)

    def zfill(r, _):
        for k in range(D_FEAT // 16):
            rows_v[0, r, pl.ds(k * 16, 16)] = zero16
        return 0

    lax.fori_loop(0, HCHUNK, zfill, 0)
    zds = [
        pltpu.async_copy(
            rows_v.at[0],
            acc.at[pl.ds(s * ROWS_PER_TILE + b * HCHUNK, HCHUNK)], gsems[0])
        for b in range(ROWS_PER_TILE // HCHUNK)
    ]
    for d_ in zds:
        d_.wait()

    row_base = (c * 16 + s) * H_TILE
    plsc.subcore_barrier()

    def g_start(j, b):
        pltpu.async_copy(y_hbm.at[src_v.at[j]], rows_v.at[b], gsems[b])

    def g_wait(j, b):
        pltpu.make_async_copy(y_hbm.at[src_v.at[j]], rows_v.at[b], gsems[b]).wait()

    def s_start(j, b):
        pltpu.async_copy(rows_v.at[b], acc.at[dst_v.at[j]], ssems[b], add=True)

    def s_wait(j, b):
        pltpu.make_async_copy(rows_v.at[b], acc.at[dst_v.at[j]], ssems[b]).wait()

    def pair_body(i, _):
        a = 2 * i
        b = a + 1

        @pl.when(i > 0)
        def _():
            s_wait(b, 1)

        g_start(b, 1)
        g_wait(a, 0)
        s_start(a, 0)
        g_wait(b, 1)
        s_wait(a, 0)

        @pl.when(a + 2 < H_PART)
        def _():
            g_start(a + 2, 0)

        s_start(b, 1)
        return 0

    for part in range(2):
        pltpu.sync_copy(
            src_hbm.at[pl.ds(row_base + part * H_PART, H_PART)], src_v)
        pltpu.sync_copy(
            dst_hbm.at[pl.ds(row_base + part * H_PART, H_PART)], dst_v)
        g_start(0, 0)
        lax.fori_loop(0, H_PART // 2, pair_body, 0)
        s_wait(1, 1)
    plsc.subcore_barrier()
    out_base = c * N_PAD + s * ROWS_PER_TILE
    pltpu.sync_copy(
        acc.at[pl.ds(s * ROWS_PER_TILE, ROWS_PER_TILE)],
        out_hbm.at[pl.ds(out_base, ROWS_PER_TILE)],
    )


def _scale0_body(x_ref, dlo_ref, dhi_ref, o_ref, d_ref):
    deg = jnp.maximum(dlo_ref[0, :, :1] + dhi_ref[0, :, :1], 1.0)
    o_ref[...] = x_ref[...] * lax.rsqrt(deg)
    d_ref[...] = jnp.broadcast_to(deg, (BR, 8))


def _scale_mid_body(zlo_ref, zhi_ref, d_ref, o_ref):
    o_ref[...] = (zlo_ref[0] + zhi_ref[0]) / d_ref[:, :1]


def _final_body(zlo_ref, zhi_ref, d_ref, w0_ref, b0_ref, w1_ref,
                b1_ref, o_ref):
    norm = lax.rsqrt(d_ref[:, :1])
    feat = (zlo_ref[0] + zhi_ref[0]) * norm
    h = lax.dot_general(feat, w0_ref[...], (((1,), (1,)), ((), ())),
                        preferred_element_type=jnp.float32) + b0_ref[...]
    h = jnp.maximum(h, 0.0)
    o_ref[...] = lax.dot_general(h, w1_ref[...], (((1,), (1,)), ((), ())),
                                 preferred_element_type=jnp.float32) + b1_ref[...]


def _scale0(x, deg2r):
    return pl.pallas_call(
        _scale0_body,
        grid=(NB,),
        in_specs=[
            pl.BlockSpec((BR, D_FEAT), lambda i: (i, 0)),
            pl.BlockSpec((1, BR, D_FEAT), lambda i: (0, i, 0)),
            pl.BlockSpec((1, BR, D_FEAT), lambda i: (1, i, 0)),
        ],
        out_specs=[
            pl.BlockSpec((BR, D_FEAT), lambda i: (i, 0)),
            pl.BlockSpec((BR, 8), lambda i: (i, 0)),
        ],
        out_shape=[
            jax.ShapeDtypeStruct((N_PAD, D_FEAT), jnp.float32),
            jax.ShapeDtypeStruct((N_PAD, 8), jnp.float32),
        ],
    )(x, deg2r, deg2r)


def _scale_mid(zr, dsum):
    return pl.pallas_call(
        _scale_mid_body,
        grid=(NB,),
        in_specs=[
            pl.BlockSpec((1, BR, D_FEAT), lambda i: (0, i, 0)),
            pl.BlockSpec((1, BR, D_FEAT), lambda i: (1, i, 0)),
            pl.BlockSpec((BR, 8), lambda i: (i, 0)),
        ],
        out_specs=pl.BlockSpec((BR, D_FEAT), lambda i: (i, 0)),
        out_shape=jax.ShapeDtypeStruct((N_PAD, D_FEAT), jnp.float32),
    )(zr, zr, dsum)


def _final(zr, dsum, W0, b0, W1, b1):
    return pl.pallas_call(
        _final_body,
        grid=(NB,),
        in_specs=[
            pl.BlockSpec((1, BR, D_FEAT), lambda i: (0, i, 0)),
            pl.BlockSpec((1, BR, D_FEAT), lambda i: (1, i, 0)),
            pl.BlockSpec((BR, 8), lambda i: (i, 0)),
            pl.BlockSpec((D_FEAT, D_FEAT), lambda i: (0, 0)),
            pl.BlockSpec((1, D_FEAT), lambda i: (0, 0)),
            pl.BlockSpec((D_FEAT, D_FEAT), lambda i: (0, 0)),
            pl.BlockSpec((1, D_FEAT), lambda i: (0, 0)),
        ],
        out_specs=pl.BlockSpec((BR, D_FEAT), lambda i: (i, 0)),
        out_shape=jax.ShapeDtypeStruct((N_NODES, D_FEAT), jnp.float32),
    )(zr, zr, dsum, W0, b0.reshape(1, D_FEAT), W1, b1.reshape(1, D_FEAT))


def kernel(x, edge_index, W0, b0, W1, b1):
    src = edge_index[0].astype(jnp.int32)
    dst = edge_index[1].astype(jnp.int32)
    pad = E_PAD - E_EDGES
    pad_rows = N_NODES + (jnp.arange(pad, dtype=jnp.int32) % (N_PAD - N_NODES))
    src_p = jnp.concatenate([src, pad_rows])
    dst_p = jnp.concatenate([dst, pad_rows])
    dst2d = dst_p.reshape(E_ROWS, CHUNK)
    src64 = src_p.reshape(H_ROWS, HCHUNK)
    dst64 = dst_p.reshape(H_ROWS, HCHUNK)

    deg2 = _deg_kernel(dst2d)
    y0, dsum = _scale0(x, deg2.reshape(2, N_PAD, D_FEAT))
    z1 = _hop_kernel(y0, src64, dst64)
    y1 = _scale_mid(z1.reshape(2, N_PAD, D_FEAT), dsum)
    z2 = _hop_kernel(y1, src64, dst64)
    return _final(z2.reshape(2, N_PAD, D_FEAT), dsum, W0, b0, W1, b1)

# --- scband reference (transcript-rebuilt; emitter-appended) ---
"""Pipeline reference for scband-sgc-37529424233052 (READ-ONLY COPY).

The authoritative reference and input builder live on the scoring server;
editing this copy changes nothing except your own understanding.
"""

import jax, jax.numpy as jnp
import numpy as np

N_NODES = 10000
N_EDGES = 320000
D_FEAT = 128
K_HOPS = 2
H_DIM = 128


def setup_inputs(seed: int = 0) -> dict:
    key = jax.random.key(seed)
    k1, k2, k3, k4, k5, k6 = jax.random.split(key, 6)
    x = jax.random.normal(k1, (N_NODES, D_FEAT), dtype=jnp.float32)
    edge_index = jax.random.randint(k2, (2, N_EDGES), 0, N_NODES, dtype=jnp.int64)
    # MLP params: Linear(d_data -> h_dims[0]) then final Linear(h_dims[-1] -> h_dims[-1])
    lim0 = 1.0 / np.sqrt(D_FEAT)
    W0 = jax.random.uniform(k3, (H_DIM, D_FEAT), dtype=jnp.float32, minval=-lim0, maxval=lim0)
    b0 = jax.random.uniform(k4, (H_DIM,), dtype=jnp.float32, minval=-lim0, maxval=lim0)
    lim1 = 1.0 / np.sqrt(H_DIM)
    W1 = jax.random.uniform(k5, (H_DIM, H_DIM), dtype=jnp.float32, minval=-lim1, maxval=lim1)
    b1 = jax.random.uniform(k6, (H_DIM,), dtype=jnp.float32, minval=-lim1, maxval=lim1)
    return {"x": x, "edge_index": edge_index, "W0": W0, "b0": b0, "W1": W1, "b1": b1}


def reference(x, edge_index, W0, b0, W1, b1):
    src = edge_index[0]
    dst = edge_index[1]
    n = x.shape[0]
    # in-degrees (messages flow src -> dst, summed at dst)
    deg = jax.ops.segment_sum(jnp.ones((src.shape[0],), dtype=jnp.float32), dst, num_segments=n)
    norm = jnp.power(jnp.clip(deg, 1.0, None), -0.5)[:, None]
    feat = x
    for _ in range(K_HOPS):
        feat = feat * norm
        # copy_u('h','m') + sum('m','h'): gather from src, scatter-add to dst
        feat = jax.ops.segment_sum(feat[src], dst, num_segments=n)
        feat = feat * norm
    # feat_trans: hidden layers with ReLU (bn=False, dropout inactive in eval), then final linear
    h = feat @ W0.T + b0
    h = jax.nn.relu(h)
    logits = h @ W1.T + b1
    return logits

if __name__ == "__main__":
    import jax
    _d = setup_inputs()
    print(jax.jit(kernel)(*tuple(_d.values())))

</pallas_src>

<mosaic_0001>
#map = affine_map<(d0, d1) -> (0, 0)>
module attributes {stable_mosaic.version = 14 : i64} {
  func.func @_deg_kernel(%arg0: i32, %arg1: i32, %arg2: memref<2560x128xi32, #tpu.memory_space<hbm>>, %arg3: memref<20480x128xf32, #tpu.memory_space<hbm>>, %arg4: memref<80x128xi32, #tpu.memory_space<vmem>>, %arg5: memref<128x128xf32, #tpu.memory_space<vmem>>, %arg6: memref<10240x128xf32, #tpu.memory_space<vmem_shared>>, %arg7: memref<!tpu.dma_semaphore, #tpu.memory_space<semaphore_mem>>) attributes {dimension_semantics = [#tpu.dimension_semantics<core_parallel>, #tpu.dimension_semantics<subcore_parallel>], iteration_bounds = array<i64: 2, 16>, scalar_prefetch = 0 : i64, scratch_operands = 4 : i64, tpu.core_type = #tpu.core_type<sc_vector_subcore>, window_params = [{transform_indices = #map}, {transform_indices = #map}]} {
    %broadcast_in_dim3A = arith.constant 0.000000e+00 : f32
    %broadcast_in_dim3A_0 = vector.broadcast %broadcast_in_dim3A : f32 to vector<16xf32>
    %broadcast_in_dim3A_1 = arith.constant 1.000000e+00 : f32
    %broadcast_in_dim3A_2 = vector.broadcast %broadcast_in_dim3A_1 : f32 to vector<16xf32>
    %scan3A = arith.constant 0 : i32
    %scan3A_3 = arith.constant 0 : i32
    %scan3A_4 = arith.constant 128 : i32
    %scan3A_5 = arith.addi %scan3A_3, %scan3A_4 : i32
    %scan3A_6 = arith.constant 1 : i32
    %scan3A_7 = scf.for %scan3A_99 = %scan3A_3 to %scan3A_5 step %scan3A_6 iter_args(%scan3A_100 = %scan3A) -> (i32)  : i32 {
      %swap3A = arith.index_cast %scan3A_99 : i32 to index
      %swap3A_101 = arith.constant 0 : index
      %swap3A_102 = tpu.vector_load %arg5[%swap3A, %swap3A_101] {strides = array<i32>} : memref<128x128xf32, #tpu.memory_space<vmem>>, vector<1x16xf32>,
      %swap3A_103 = vector.shape_cast %swap3A_102 : vector<1x16xf32> to vector<16xf32>
      %swap3A_104 = vector.shape_cast %broadcast_in_dim3A_0 : vector<16xf32> to vector<1x16xf32>
      tpu.vector_store %arg5[%swap3A, %swap3A_101], %swap3A_104 {strides = array<i32>} : memref<128x128xf32, #tpu.memory_space<vmem>>, vector<1x16xf32>,
      %swap3A_105 = arith.index_cast %scan3A_99 : i32 to index
      %swap3A_106 = arith.constant 16 : index
      %swap3A_107 = tpu.vector_load %arg5[%swap3A_105, %swap3A_106] {strides = array<i32>} : memref<128x128xf32, #tpu.memory_space<vmem>>, vector<1x16xf32>,
      %swap3A_108 = vector.shape_cast %swap3A_107 : vector<1x16xf32> to vector<16xf32>
      %swap3A_109 = vector.shape_cast %broadcast_in_dim3A_0 : vector<16xf32> to vector<1x16xf32>
      tpu.vector_store %arg5[%swap3A_105, %swap3A_106], %swap3A_109 {strides = array<i32>} : memref<128x128xf32, #tpu.memory_space<vmem>>, vector<1x16xf32>,
      %swap3A_110 = arith.index_cast %scan3A_99 : i32 to index
      %swap3A_111 = arith.constant 32 : index
      %swap3A_112 = tpu.vector_load %arg5[%swap3A_110, %swap3A_111] {strides = array<i32>} : memref<128x128xf32, #tpu.memory_space<vmem>>, vector<1x16xf32>,
      %swap3A_113 = vector.shape_cast %swap3A_112 : vector<1x16xf32> to vector<16xf32>
      %swap3A_114 = vector.shape_cast %broadcast_in_dim3A_0 : vector<16xf32> to vector<1x16xf32>
      tpu.vector_store %arg5[%swap3A_110, %swap3A_111], %swap3A_114 {strides = array<i32>} : memref<128x128xf32, #tpu.memory_space<vmem>>, vector<1x16xf32>,
      %swap3A_115 = arith.index_cast %scan3A_99 : i32 to index
      %swap3A_116 = arith.constant 48 : index
      %swap3A_117 = tpu.vector_load %arg5[%swap3A_115, %swap3A_116] {strides = array<i32>} : memref<128x128xf32, #tpu.memory_space<vmem>>, vector<1x16xf32>,
      %swap3A_118 = vector.shape_cast %swap3A_117 : vector<1x16xf32> to vector<16xf32>
      %swap3A_119 = vector.shape_cast %broadcast_in_dim3A_0 : vector<16xf32> to vector<1x16xf32>
      tpu.vector_store %arg5[%swap3A_115, %swap3A_116], %swap3A_119 {strides = array<i32>} : memref<128x128xf32, #tpu.memory_space<vmem>>, vector<1x16xf32>,
      %swap3A_120 = arith.index_cast %scan3A_99 : i32 to index
      %swap3A_121 = arith.constant 64 : index
      %swap3A_122 = tpu.vector_load %arg5[%swap3A_120, %swap3A_121] {strides = array<i32>} : memref<128x128xf32, #tpu.memory_space<vmem>>, vector<1x16xf32>,
      %swap3A_123 = vector.shape_cast %swap3A_122 : vector<1x16xf32> to vector<16xf32>
      %swap3A_124 = vector.shape_cast %broadcast_in_dim3A_0 : vector<16xf32> to vector<1x16xf32>
      tpu.vector_store %arg5[%swap3A_120, %swap3A_121], %swap3A_124 {strides = array<i32>} : memref<128x128xf32, #tpu.memory_space<vmem>>, vector<1x16xf32>,
      %swap3A_125 = arith.index_cast %scan3A_99 : i32 to index
      %swap3A_126 = arith.constant 80 : index
      %swap3A_127 = tpu.vector_load %arg5[%swap3A_125, %swap3A_126] {strides = array<i32>} : memref<128x128xf32, #tpu.memory_space<vmem>>, vector<1x16xf32>,
      %swap3A_128 = vector.shape_cast %swap3A_127 : vector<1x16xf32> to vector<16xf32>
      %swap3A_129 = vector.shape_cast %broadcast_in_dim3A_0 : vector<16xf32> to vector<1x16xf32>
      tpu.vector_store %arg5[%swap3A_125, %swap3A_126], %swap3A_129 {strides = array<i32>} : memref<128x128xf32, #tpu.memory_space<vmem>>, vector<1x16xf32>,
      %swap3A_130 = arith.index_cast %scan3A_99 : i32 to index
      %swap3A_131 = arith.constant 96 : index
      %swap3A_132 = tpu.vector_load %arg5[%swap3A_130, %swap3A_131] {strides = array<i32>} : memref<128x128xf32, #tpu.memory_space<vmem>>, vector<1x16xf32>,
      %swap3A_133 = vector.shape_cast %swap3A_132 : vector<1x16xf32> to vector<16xf32>
      %swap3A_134 = vector.shape_cast %broadcast_in_dim3A_0 : vector<16xf32> to vector<1x16xf32>
      tpu.vector_store %arg5[%swap3A_130, %swap3A_131], %swap3A_134 {strides = array<i32>} : memref<128x128xf32, #tpu.memory_space<vmem>>, vector<1x16xf32>,
      %swap3A_135 = arith.index_cast %scan3A_99 : i32 to index
      %swap3A_136 = arith.constant 112 : index
      %swap3A_137 = tpu.vector_load %arg5[%swap3A_135, %swap3A_136] {strides = array<i32>} : memref<128x128xf32, #tpu.memory_space<vmem>>, vector<1x16xf32>,
      %swap3A_138 = vector.shape_cast %swap3A_137 : vector<1x16xf32> to vector<16xf32>
      %swap3A_139 = vector.shape_cast %broadcast_in_dim3A_0 : vector<16xf32> to vector<1x16xf32>
      tpu.vector_store %arg5[%swap3A_135, %swap3A_136], %swap3A_139 {strides = array<i32>} : memref<128x128xf32, #tpu.memory_space<vmem>>, vector<1x16xf32>,
      %scan3A_140 = arith.constant 0 : i32
      scf.yield %scan3A_140 : i32
    }
    %scan3A_8 = arith.constant 128 : i32
    %mul3A = arith.constant 640 : i32
    %mul3A_9 = arith.muli %arg1, %mul3A : i32
    %add3A = arith.constant 0 : i32
    %add3A_10 = arith.addi %mul3A_9, %add3A : i32
    %dma_start3A = arith.constant 0 : i32
    %dma_start3A_11 = tpu.memref_slice %arg6[%add3A_10, %dma_start3A] : memref<10240x128xf32, #tpu.memory_space<vmem_shared>> -> memref<128x128xf32, #tpu.memory_space<vmem_shared>>
    %dma_start3A_12 = arith.constant 0 : i32
    %dma_start3A_13 = tpu.memref_slice %arg6[%add3A_10, %dma_start3A_12] : memref<10240x128xf32, #tpu.memory_space<vmem_shared>> -> memref<128x128xf32, #tpu.memory_space<vmem_shared>>
    tpu.enqueue_dma source(%arg5 : memref<128x128xf32, #tpu.memory_space<vmem>>) target(%dma_start3A_13 : memref<128x128xf32, #tpu.memory_space<vmem_shared>>) target_semaphore(%arg7 : memref<!tpu.dma_semaphore, #tpu.memory_space<semaphore_mem>>)
    %mul3A_14 = arith.constant 640 : i32
    %mul3A_15 = arith.muli %arg1, %mul3A_14 : i32
    %add3A_16 = arith.constant 128 : i32
    %add3A_17 = arith.addi %mul3A_15, %add3A_16 : i32
    %dma_start3A_18 = arith.constant 0 : i32
    %dma_start3A_19 = tpu.memref_slice %arg6[%add3A_17, %dma_start3A_18] : memref<10240x128xf32, #tpu.memory_space<vmem_shared>> -> memref<128x128xf32, #tpu.memory_space<vmem_shared>>
    %dma_start3A_20 = arith.constant 0 : i32
    %dma_start3A_21 = tpu.memref_slice %arg6[%add3A_17, %dma_start3A_20] : memref<10240x128xf32, #tpu.memory_space<vmem_shared>> -> memref<128x128xf32, #tpu.memory_space<vmem_shared>>
    tpu.enqueue_dma source(%arg5 : memref<128x128xf32, #tpu.memory_space<vmem>>) target(%dma_start3A_21 : memref<128x128xf32, #tpu.memory_space<vmem_shared>>) target_semaphore(%arg7 : memref<!tpu.dma_semaphore, #tpu.memory_space<semaphore_mem>>)
    %mul3A_22 = arith.constant 640 : i32
    %mul3A_23 = arith.muli %arg1, %mul3A_22 : i32
    %add3A_24 = arith.constant 256 : i32
    %add3A_25 = arith.addi %mul3A_23, %add3A_24 : i32
    %dma_start3A_26 = arith.constant 0 : i32
    %dma_start3A_27 = tpu.memref_slice %arg6[%add3A_25, %dma_start3A_26] : memref<10240x128xf32, #tpu.memory_space<vmem_shared>> -> memref<128x128xf32, #tpu.memory_space<vmem_shared>>
    %dma_start3A_28 = arith.constant 0 : i32
    %dma_start3A_29 = tpu.memref_slice %arg6[%add3A_25, %dma_start3A_28] : memref<10240x128xf32, #tpu.memory_space<vmem_shared>> -> memref<128x128xf32, #tpu.memory_space<vmem_shared>>
    tpu.enqueue_dma source(%arg5 : memref<128x128xf32, #tpu.memory_space<vmem>>) target(%dma_start3A_29 : memref<128x128xf32, #tpu.memory_space<vmem_shared>>) target_semaphore(%arg7 : memref<!tpu.dma_semaphore, #tpu.memory_space<semaphore_mem>>)
    %mul3A_30 = arith.constant 640 : i32
    %mul3A_31 = arith.muli %arg1, %mul3A_30 : i32
    %add3A_32 = arith.constant 384 : i32
    %add3A_33 = arith.addi %mul3A_31, %add3A_32 : i32
    %dma_start3A_34 = arith.constant 0 : i32
    %dma_start3A_35 = tpu.memref_slice %arg6[%add3A_33, %dma_start3A_34] : memref<10240x128xf32, #tpu.memory_space<vmem_shared>> -> memref<128x128xf32, #tpu.memory_space<vmem_shared>>
    %dma_start3A_36 = arith.constant 0 : i32
    %dma_start3A_37 = tpu.memref_slice %arg6[%add3A_33, %dma_start3A_36] : memref<10240x128xf32, #tpu.memory_space<vmem_shared>> -> memref<128x128xf32, #tpu.memory_space<vmem_shared>>
    tpu.enqueue_dma source(%arg5 : memref<128x128xf32, #tpu.memory_space<vmem>>) target(%dma_start3A_37 : memref<128x128xf32, #tpu.memory_space<vmem_shared>>) target_semaphore(%arg7 : memref<!tpu.dma_semaphore, #tpu.memory_space<semaphore_mem>>)
    %mul3A_38 = arith.constant 640 : i32
    %mul3A_39 = arith.muli %arg1, %mul3A_38 : i32
    %add3A_40 = arith.constant 512 : i32
    %add3A_41 = arith.addi %mul3A_39, %add3A_40 : i32
    %dma_start3A_42 = arith.constant 0 : i32
    %dma_start3A_43 = tpu.memref_slice %arg6[%add3A_41, %dma_start3A_42] : memref<10240x128xf32, #tpu.memory_space<vmem_shared>> -> memref<128x128xf32, #tpu.memory_space<vmem_shared>>
    %dma_start3A_44 = arith.constant 0 : i32
    %dma_start3A_45 = tpu.memref_slice %arg6[%add3A_41, %dma_start3A_44] : memref<10240x128xf32, #tpu.memory_space<vmem_shared>> -> memref<128x128xf32, #tpu.memory_space<vmem_shared>>
    tpu.enqueue_dma source(%arg5 : memref<128x128xf32, #tpu.memory_space<vmem>>) target(%dma_start3A_45 : memref<128x128xf32, #tpu.memory_space<vmem_shared>>) target_semaphore(%arg7 : memref<!tpu.dma_semaphore, #tpu.memory_space<semaphore_mem>>)
    %dma_wait3A = arith.constant 0 : i32
    %dma_wait3A_46 = tpu.memref_slice %arg6[%add3A_10, %dma_wait3A] : memref<10240x128xf32, #tpu.memory_space<vmem_shared>> -> memref<128x128xf32, #tpu.memory_space<vmem_shared>>
    %dma_wait3A_47 = arith.constant 0 : i32
    %dma_wait3A_48 = tpu.memref_slice %arg6[%add3A_10, %dma_wait3A_47] : memref<10240x128xf32, #tpu.memory_space<vmem_shared>> -> memref<128x128xf32, #tpu.memory_space<vmem_shared>>
    tpu.wait_dma2 semaphore(%arg7 : memref<!tpu.dma_semaphore, #tpu.memory_space<semaphore_mem>>) src(%arg5 : memref<128x128xf32, #tpu.memory_space<vmem>>) dst(%dma_wait3A_48 : memref<128x128xf32, #tpu.memory_space<vmem_shared>>)
    %dma_wait3A_49 = arith.constant 0 : i32
    %dma_wait3A_50 = tpu.memref_slice %arg6[%add3A_17, %dma_wait3A_49] : memref<10240x128xf32, #tpu.memory_space<vmem_shared>> -> memref<128x128xf32, #tpu.memory_space<vmem_shared>>
    %dma_wait3A_51 = arith.constant 0 : i32
    %dma_wait3A_52 = tpu.memref_slice %arg6[%add3A_17, %dma_wait3A_51] : memref<10240x128xf32, #tpu.memory_space<vmem_shared>> -> memref<128x128xf32, #tpu.memory_space<vmem_shared>>
    tpu.wait_dma2 semaphore(%arg7 : memref<!tpu.dma_semaphore, #tpu.memory_space<semaphore_mem>>) src(%arg5 : memref<128x128xf32, #tpu.memory_space<vmem>>) dst(%dma_wait3A_52 : memref<128x128xf32, #tpu.memory_space<vmem_shared>>)
    %dma_wait3A_53 = arith.constant 0 : i32
    %dma_wait3A_54 = tpu.memref_slice %arg6[%add3A_25, %dma_wait3A_53] : memref<10240x128xf32, #tpu.memory_space<vmem_shared>> -> memref<128x128xf32, #tpu.memory_space<vmem_shared>>
    %dma_wait3A_55 = arith.constant 0 : i32
    %dma_wait3A_56 = tpu.memref_slice %arg6[%add3A_25, %dma_wait3A_55] : memref<10240x128xf32, #tpu.memory_space<vmem_shared>> -> memref<128x128xf32, #tpu.memory_space<vmem_shared>>
    tpu.wait_dma2 semaphore(%arg7 : memref<!tpu.dma_semaphore, #tpu.memory_space<semaphore_mem>>) src(%arg5 : memref<128x128xf32, #tpu.memory_space<vmem>>) dst(%dma_wait3A_56 : memref<128x128xf32, #tpu.memory_space<vmem_shared>>)
    %dma_wait3A_57 = arith.constant 0 : i32
    %dma_wait3A_58 = tpu.memref_slice %arg6[%add3A_33, %dma_wait3A_57] : memref<10240x128xf32, #tpu.memory_space<vmem_shared>> -> memref<128x128xf32, #tpu.memory_space<vmem_shared>>
    %dma_wait3A_59 = arith.constant 0 : i32
    %dma_wait3A_60 = tpu.memref_slice %arg6[%add3A_33, %dma_wait3A_59] : memref<10240x128xf32, #tpu.memory_space<vmem_shared>> -> memref<128x128xf32, #tpu.memory_space<vmem_shared>>
    tpu.wait_dma2 semaphore(%arg7 : memref<!tpu.dma_semaphore, #tpu.memory_space<semaphore_mem>>) src(%arg5 : memref<128x128xf32, #tpu.memory_space<vmem>>) dst(%dma_wait3A_60 : memref<128x128xf32, #tpu.memory_space<vmem_shared>>)
    %dma_wait3A_61 = arith.constant 0 : i32
    %dma_wait3A_62 = tpu.memref_slice %arg6[%add3A_41, %dma_wait3A_61] : memref<10240x128xf32, #tpu.memory_space<vmem_shared>> -> memref<128x128xf32, #tpu.memory_space<vmem_shared>>
    %dma_wait3A_63 = arith.constant 0 : i32
    %dma_wait3A_64 = tpu.memref_slice %arg6[%add3A_41, %dma_wait3A_63] : memref<10240x128xf32, #tpu.memory_space<vmem_shared>> -> memref<128x128xf32, #tpu.memory_space<vmem_shared>>
    tpu.wait_dma2 semaphore(%arg7 : memref<!tpu.dma_semaphore, #tpu.memory_space<semaphore_mem>>) src(%arg5 : memref<128x128xf32, #tpu.memory_space<vmem>>) dst(%dma_wait3A_64 : memref<128x128xf32, #tpu.memory_space<vmem_shared>>)
    %scan3A_65 = arith.constant 0 : i32
    %scan3A_66 = arith.constant 0 : i32
    %scan3A_67 = arith.constant 128 : i32
    %scan3A_68 = arith.addi %scan3A_66, %scan3A_67 : i32
    %scan3A_69 = arith.constant 1 : i32
    %scan3A_70 = scf.for %scan3A_99 = %scan3A_66 to %scan3A_68 step %scan3A_69 iter_args(%scan3A_100 = %scan3A_65) -> (i32)  : i32 {
      %swap3A = arith.index_cast %scan3A_99 : i32 to index
      %swap3A_101 = arith.constant 0 : index
      %swap3A_102 = tpu.vector_load %arg5[%swap3A, %swap3A_101] {strides = array<i32>} : memref<128x128xf32, #tpu.memory_space<vmem>>, vector<1x16xf32>,
      %swap3A_103 = vector.shape_cast %swap3A_102 : vector<1x16xf32> to vector<16xf32>
      %swap3A_104 = vector.shape_cast %broadcast_in_dim3A_2 : vector<16xf32> to vector<1x16xf32>
      tpu.vector_store %arg5[%swap3A, %swap3A_101], %swap3A_104 {strides = array<i32>} : memref<128x128xf32, #tpu.memory_space<vmem>>, vector<1x16xf32>,
      %swap3A_105 = arith.index_cast %scan3A_99 : i32 to index
      %swap3A_106 = arith.constant 16 : index
      %swap3A_107 = tpu.vector_load %arg5[%swap3A_105, %swap3A_106] {strides = array<i32>} : memref<128x128xf32, #tpu.memory_space<vmem>>, vector<1x16xf32>,
      %swap3A_108 = vector.shape_cast %swap3A_107 : vector<1x16xf32> to vector<16xf32>
      %swap3A_109 = vector.shape_cast %broadcast_in_dim3A_2 : vector<16xf32> to vector<1x16xf32>
      tpu.vector_store %arg5[%swap3A_105, %swap3A_106], %swap3A_109 {strides = array<i32>} : memref<128x128xf32, #tpu.memory_space<vmem>>, vector<1x16xf32>,
      %swap3A_110 = arith.index_cast %scan3A_99 : i32 to index
      %swap3A_111 = arith.constant 32 : index
      %swap3A_112 = tpu.vector_load %arg5[%swap3A_110, %swap3A_111] {strides = array<i32>} : memref<128x128xf32, #tpu.memory_space<vmem>>, vector<1x16xf32>,
      %swap3A_113 = vector.shape_cast %swap3A_112 : vector<1x16xf32> to vector<16xf32>
      %swap3A_114 = vector.shape_cast %broadcast_in_dim3A_2 : vector<16xf32> to vector<1x16xf32>
      tpu.vector_store %arg5[%swap3A_110, %swap3A_111], %swap3A_114 {strides = array<i32>} : memref<128x128xf32, #tpu.memory_space<vmem>>, vector<1x16xf32>,
      %swap3A_115 = arith.index_cast %scan3A_99 : i32 to index
      %swap3A_116 = arith.constant 48 : index
      %swap3A_117 = tpu.vector_load %arg5[%swap3A_115, %swap3A_116] {strides = array<i32>} : memref<128x128xf32, #tpu.memory_space<vmem>>, vector<1x16xf32>,
      %swap3A_118 = vector.shape_cast %swap3A_117 : vector<1x16xf32> to vector<16xf32>
      %swap3A_119 = vector.shape_cast %broadcast_in_dim3A_2 : vector<16xf32> to vector<1x16xf32>
      tpu.vector_store %arg5[%swap3A_115, %swap3A_116], %swap3A_119 {strides = array<i32>} : memref<128x128xf32, #tpu.memory_space<vmem>>, vector<1x16xf32>,
      %swap3A_120 = arith.index_cast %scan3A_99 : i32 to index
      %swap3A_121 = arith.constant 64 : index
      %swap3A_122 = tpu.vector_load %arg5[%swap3A_120, %swap3A_121] {strides = array<i32>} : memref<128x128xf32, #tpu.memory_space<vmem>>, vector<1x16xf32>,
      %swap3A_123 = vector.shape_cast %swap3A_122 : vector<1x16xf32> to vector<16xf32>
      %swap3A_124 = vector.shape_cast %broadcast_in_dim3A_2 : vector<16xf32> to vector<1x16xf32>
      tpu.vector_store %arg5[%swap3A_120, %swap3A_121], %swap3A_124 {strides = array<i32>} : memref<128x128xf32, #tpu.memory_space<vmem>>, vector<1x16xf32>,
      %swap3A_125 = arith.index_cast %scan3A_99 : i32 to index
      %swap3A_126 = arith.constant 80 : index
      %swap3A_127 = tpu.vector_load %arg5[%swap3A_125, %swap3A_126] {strides = array<i32>} : memref<128x128xf32, #tpu.memory_space<vmem>>, vector<1x16xf32>,
      %swap3A_128 = vector.shape_cast %swap3A_127 : vector<1x16xf32> to vector<16xf32>
      %swap3A_129 = vector.shape_cast %broadcast_in_dim3A_2 : vector<16xf32> to vector<1x16xf32>
      tpu.vector_store %arg5[%swap3A_125, %swap3A_126], %swap3A_129 {strides = array<i32>} : memref<128x128xf32, #tpu.memory_space<vmem>>, vector<1x16xf32>,
      %swap3A_130 = arith.index_cast %scan3A_99 : i32 to index
      %swap3A_131 = arith.constant 96 : index
      %swap3A_132 = tpu.vector_load %arg5[%swap3A_130, %swap3A_131] {strides = array<i32>} : memref<128x128xf32, #tpu.memory_space<vmem>>, vector<1x16xf32>,
      %swap3A_133 = vector.shape_cast %swap3A_132 : vector<1x16xf32> to vector<16xf32>
      %swap3A_134 = vector.shape_cast %broadcast_in_dim3A_2 : vector<16xf32> to vector<1x16xf32>
      tpu.vector_store %arg5[%swap3A_130, %swap3A_131], %swap3A_134 {strides = array<i32>} : memref<128x128xf32, #tpu.memory_space<vmem>>, vector<1x16xf32>,
      %swap3A_135 = arith.index_cast %scan3A_99 : i32 to index
      %swap3A_136 = arith.constant 112 : index
      %swap3A_137 = tpu.vector_load %arg5[%swap3A_135, %swap3A_136] {strides = array<i32>} : memref<128x128xf32, #tpu.memory_space<vmem>>, vector<1x16xf32>,
      %swap3A_138 = vector.shape_cast %swap3A_137 : vector<1x16xf32> to vector<16xf32>
      %swap3A_139 = vector.shape_cast %broadcast_in_dim3A_2 : vector<16xf32> to vector<1x16xf32>
      tpu.vector_store %arg5[%swap3A_135, %swap3A_136], %swap3A_139 {strides = array<i32>} : memref<128x128xf32, #tpu.memory_space<vmem>>, vector<1x16xf32>,
      %scan3A_140 = arith.constant 0 : i32
      scf.yield %scan3A_140 : i32
    }
    %scan3A_71 = arith.constant 128 : i32
    %mul3A_72 = arith.constant 16 : i32
    %mul3A_73 = arith.muli %arg0, %mul3A_72 : i32
    %add3A_74 = arith.addi %mul3A_73, %arg1 : i32
    %mul3A_75 = arith.constant 80 : i32
    %mul3A_76 = arith.muli %add3A_74, %mul3A_75 : i32
    "tpu.region"() ({
      %run_scoped3A = tpu.sem_alloc : memref<!tpu.dma_semaphore, #tpu.memory_space<semaphore_mem>>
      %dma_start3A_99 = arith.constant 0 : i32
      %dma_start3A_100 = tpu.memref_slice %arg2[%mul3A_76, %dma_start3A_99] : memref<2560x128xi32, #tpu.memory_space<hbm>> -> memref<80x128xi32, #tpu.memory_space<hbm>>
      %dma_start3A_101 = arith.constant 0 : i32
      %dma_start3A_102 = tpu.memref_slice %arg2[%mul3A_76, %dma_start3A_101] : memref<2560x128xi32, #tpu.memory_space<hbm>> -> memref<80x128xi32, #tpu.memory_space<hbm>>
      tpu.enqueue_dma source(%dma_start3A_102 : memref<80x128xi32, #tpu.memory_space<hbm>>) target(%arg4 : memref<80x128xi32, #tpu.memory_space<vmem>>) target_semaphore(%run_scoped3A : memref<!tpu.dma_semaphore, #tpu.memory_space<semaphore_mem>>)
      %dma_wait3A_103 = arith.constant 0 : i32
      %dma_wait3A_104 = tpu.memref_slice %arg2[%mul3A_76, %dma_wait3A_103] : memref<2560x128xi32, #tpu.memory_space<hbm>> -> memref<80x128xi32, #tpu.memory_space<hbm>>
      %dma_wait3A_105 = arith.constant 0 : i32
      %dma_wait3A_106 = tpu.memref_slice %arg2[%mul3A_76, %dma_wait3A_105] : memref<2560x128xi32, #tpu.memory_space<hbm>> -> memref<80x128xi32, #tpu.memory_space<hbm>>
      tpu.wait_dma2 semaphore(%run_scoped3A : memref<!tpu.dma_semaphore, #tpu.memory_space<semaphore_mem>>) src(%dma_wait3A_106 : memref<80x128xi32, #tpu.memory_space<hbm>>) dst(%arg4 : memref<80x128xi32, #tpu.memory_space<vmem>>)
      tpu.yield
    }) : () -> ()
    %barrier3A = arith.constant 0 : index
    tpu.barrier barrier_id(%barrier3A)
    %scan3A_77 = arith.constant 0 : i32
    %scan3A_78 = arith.constant 0 : i32
    %scan3A_79 = arith.constant 80 : i32
    %scan3A_80 = arith.addi %scan3A_78, %scan3A_79 : i32
    %scan3A_81 = arith.constant 1 : i32
    %scan3A_82 = scf.for %scan3A_99 = %scan3A_78 to %scan3A_80 step %scan3A_81 iter_args(%scan3A_100 = %scan3A_77) -> (i32)  : i32 {
      %dma_start3A_101 = arith.constant 0 : i32
      %dma_start3A_102 = tpu.memref_slice %arg4[%scan3A_99, %dma_start3A_101] : memref<80x128xi32, #tpu.memory_space<vmem>> -> memref<1x128xi32, #tpu.memory_space<vmem>>
      %dma_start3A_103 = tpu.memref_squeeze %dma_start3A_102 : memref<1x128xi32, #tpu.memory_space<vmem>> -> memref<128xi32, #tpu.memory_space<vmem>>
      %dma_start3A_104 = arith.constant 0 : i32
      %dma_start3A_105 = arith.constant 0 : i32
      %dma_start3A_106 = tpu.memref_slice %arg6[%dma_start3A_104, %dma_start3A_105] : memref<10240x128xf32, #tpu.memory_space<vmem_shared>> -> memref<10240x128xf32, #tpu.memory_space<vmem_shared>>
      tpu.enqueue_indirect_dma source(%arg5 : memref<128x128xf32, #tpu.memory_space<vmem>>) target(%dma_start3A_106 : memref<10240x128xf32, #tpu.memory_space<vmem_shared>>) offsets(%dma_start3A_103 : memref<128xi32, #tpu.memory_space<vmem>>) semaphore(%arg7 : memref<!tpu.dma_semaphore, #tpu.memory_space<semaphore_mem>>) {add = true}
      %scan3A_107 = arith.constant 0 : i32
      scf.yield %scan3A_107 : i32
    }
    %scan3A_83 = arith.constant 80 : i32
    %scan3A_84 = arith.constant 0 : i32
    %scan3A_85 = arith.constant 0 : i32
    %scan3A_86 = arith.constant 80 : i32
    %scan3A_87 = arith.addi %scan3A_85, %scan3A_86 : i32
    %scan3A_88 = arith.constant 1 : i32
    %scan3A_89 = scf.for %scan3A_99 = %scan3A_85 to %scan3A_87 step %scan3A_88 iter_args(%scan3A_100 = %scan3A_84) -> (i32)  : i32 {
      %dma_wait3A_101 = arith.constant 0 : i32
      %dma_wait3A_102 = arith.constant 0 : i32
      %dma_wait3A_103 = tpu.memref_slice %arg4[%dma_wait3A_101, %dma_wait3A_102] : memref<80x128xi32, #tpu.memory_space<vmem>> -> memref<1x128xi32, #tpu.memory_space<vmem>>
      %dma_wait3A_104 = tpu.memref_squeeze %dma_wait3A_103 : memref<1x128xi32, #tpu.memory_space<vmem>> -> memref<128xi32, #tpu.memory_space<vmem>>
      %dma_wait3A_105 = arith.constant 0 : i32
      %dma_wait3A_106 = arith.constant 0 : i32
      %dma_wait3A_107 = tpu.memref_slice %arg6[%dma_wait3A_105, %dma_wait3A_106] : memref<10240x128xf32, #tpu.memory_space<vmem_shared>> -> memref<10240x128xf32, #tpu.memory_space<vmem_shared>>
      tpu.wait_indirect_dma semaphore(%arg7 : memref<!tpu.dma_semaphore, #tpu.memory_space<semaphore_mem>>) src(%arg5 : memref<128x128xf32, #tpu.memory_space<vmem>>) dst(%dma_wait3A_107 : memref<10240x128xf32, #tpu.memory_space<vmem_shared>>)
      %scan3A_108 = arith.constant 0 : i32
      scf.yield %scan3A_108 : i32
    }
    %scan3A_90 = arith.constant 80 : i32
    %barrier3A_91 = arith.constant 0 : index
    tpu.barrier barrier_id(%barrier3A_91)
    %mul3A_92 = arith.constant 10240 : i32
    %mul3A_93 = arith.muli %arg0, %mul3A_92 : i32
    %mul3A_94 = arith.constant 640 : i32
    %mul3A_95 = arith.muli %arg1, %mul3A_94 : i32
    %add3A_96 = arith.addi %mul3A_93, %mul3A_95 : i32
    %mul3A_97 = arith.constant 640 : i32
    %mul3A_98 = arith.muli %arg1, %mul3A_97 : i32
    "tpu.region"() ({
      %run_scoped3A = tpu.sem_alloc : memref<!tpu.dma_semaphore, #tpu.memory_space<semaphore_mem>>
      %dma_start3A_99 = arith.constant 0 : i32
      %dma_start3A_100 = tpu.memref_slice %arg3[%add3A_96, %dma_start3A_99] : memref<20480x128xf32, #tpu.memory_space<hbm>> -> memref<640x128xf32, #tpu.memory_space<hbm>>
      %dma_start3A_101 = arith.constant 0 : i32
      %dma_start3A_102 = tpu.memref_slice %arg6[%mul3A_98, %dma_start3A_101] : memref<10240x128xf32, #tpu.memory_space<vmem_shared>> -> memref<640x128xf32, #tpu.memory_space<vmem_shared>>
      tpu.enqueue_dma source(%dma_start3A_102 : memref<640x128xf32, #tpu.memory_space<vmem_shared>>) target(%dma_start3A_100 : memref<640x128xf32, #tpu.memory_space<hbm>>) target_semaphore(%run_scoped3A : memref<!tpu.dma_semaphore, #tpu.memory_space<semaphore_mem>>)
      %dma_wait3A_103 = arith.constant 0 : i32
      %dma_wait3A_104 = tpu.memref_slice %arg3[%add3A_96, %dma_wait3A_103] : memref<20480x128xf32, #tpu.memory_space<hbm>> -> memref<640x128xf32, #tpu.memory_space<hbm>>
      %dma_wait3A_105 = arith.constant 0 : i32
      %dma_wait3A_106 = tpu.memref_slice %arg6[%mul3A_98, %dma_wait3A_105] : memref<10240x128xf32, #tpu.memory_space<vmem_shared>> -> memref<640x128xf32, #tpu.memory_space<vmem_shared>>
      tpu.wait_dma2 semaphore(%run_scoped3A : memref<!tpu.dma_semaphore, #tpu.memory_space<semaphore_mem>>) src(%dma_wait3A_106 : memref<640x128xf32, #tpu.memory_space<vmem_shared>>) dst(%dma_wait3A_104 : memref<640x128xf32, #tpu.memory_space<hbm>>)
      tpu.yield
    }) : () -> ()
    return
  }
}

#map = affine_map<(d0, d1) -> (0, 0)>
module attributes {stable_mosaic.version = 14 : i64} {
  func.func @_hop_kernel(%arg0: i32, %arg1: i32, %arg2: memref<10240x128xf32, #tpu.memory_space<hbm>>, %arg3: memref<2560x128xi32, #tpu.memory_space<hbm>>, %arg4: memref<2560x128xi32, #tpu.memory_space<hbm>>, %arg5: memref<20480x128xf32, #tpu.memory_space<hbm>>, %arg6: memref<40x128xi32, #tpu.memory_space<vmem>>, %arg7: memref<40x128xi32, #tpu.memory_space<vmem>>, %arg8: memref<2x128x128xf32, #tpu.memory_space<vmem>>, %arg9: memref<10240x128xf32, #tpu.memory_space<vmem_shared>>, %arg10: memref<!tpu.dma_semaphore, #tpu.memory_space<semaphore_mem>>, %arg11: memref<!tpu.dma_semaphore, #tpu.memory_space<semaphore_mem>>, %arg12: memref<!tpu.dma_semaphore, #tpu.memory_space<semaphore_mem>>, %arg13: memref<!tpu.dma_semaphore, #tpu.memory_space<semaphore_mem>>) attributes {dimension_semantics = [#tpu.dimension_semantics<core_parallel>, #tpu.dimension_semantics<subcore_parallel>], iteration_bounds = array<i64: 2, 16>, scalar_prefetch = 0 : i64, scratch_operands = 8 : i64, tpu.core_type = #tpu.core_type<sc_vector_subcore>, window_params = [{transform_indices = #map}, {transform_indices = #map}, {transform_indices = #map}, {transform_indices = #map}]} {
    %broadcast_in_dim3A = arith.constant 0.000000e+00 : f32
    %broadcast_in_dim3A_0 = vector.broadcast %broadcast_in_dim3A : f32 to vector<16xf32>
    %scan3A = arith.constant 0 : i32
    %scan3A_1 = arith.constant 0 : i32
    %scan3A_2 = arith.constant 128 : i32
    %scan3A_3 = arith.addi %scan3A_1, %scan3A_2 : i32
    %scan3A_4 = arith.constant 1 : i32
    %scan3A_5 = scf.for %scan3A_236 = %scan3A_1 to %scan3A_3 step %scan3A_4 iter_args(%scan3A_237 = %scan3A) -> (i32)  : i32 {
      %swap3A = arith.constant 0 : i32
      %swap3A_238 = arith.index_cast %swap3A : i32 to index
      %swap3A_239 = arith.index_cast %scan3A_236 : i32 to index
      %swap3A_240 = arith.constant 0 : index
      %swap3A_241 = tpu.vector_load %arg8[%swap3A_238, %swap3A_239, %swap3A_240] {strides = array<i32>} : memref<2x128x128xf32, #tpu.memory_space<vmem>>, vector<1x1x16xf32>,
      %swap3A_242 = vector.shape_cast %swap3A_241 : vector<1x1x16xf32> to vector<16xf32>
      %swap3A_243 = vector.shape_cast %broadcast_in_dim3A_0 : vector<16xf32> to vector<1x1x16xf32>
      tpu.vector_store %arg8[%swap3A_238, %swap3A_239, %swap3A_240], %swap3A_243 {strides = array<i32>} : memref<2x128x128xf32, #tpu.memory_space<vmem>>, vector<1x1x16xf32>,
      %swap3A_244 = arith.constant 0 : i32
      %swap3A_245 = arith.index_cast %swap3A_244 : i32 to index
      %swap3A_246 = arith.index_cast %scan3A_236 : i32 to index
      %swap3A_247 = arith.constant 16 : index
      %swap3A_248 = tpu.vector_load %arg8[%swap3A_245, %swap3A_246, %swap3A_247] {strides = array<i32>} : memref<2x128x128xf32, #tpu.memory_space<vmem>>, vector<1x1x16xf32>,
      %swap3A_249 = vector.shape_cast %swap3A_248 : vector<1x1x16xf32> to vector<16xf32>
      %swap3A_250 = vector.shape_cast %broadcast_in_dim3A_0 : vector<16xf32> to vector<1x1x16xf32>
      tpu.vector_store %arg8[%swap3A_245, %swap3A_246, %swap3A_247], %swap3A_250 {strides = array<i32>} : memref<2x128x128xf32, #tpu.memory_space<vmem>>, vector<1x1x16xf32>,
      %swap3A_251 = arith.constant 0 : i32
      %swap3A_252 = arith.index_cast %swap3A_251 : i32 to index
      %swap3A_253 = arith.index_cast %scan3A_236 : i32 to index
      %swap3A_254 = arith.constant 32 : index
      %swap3A_255 = tpu.vector_load %arg8[%swap3A_252, %swap3A_253, %swap3A_254] {strides = array<i32>} : memref<2x128x128xf32, #tpu.memory_space<vmem>>, vector<1x1x16xf32>,
      %swap3A_256 = vector.shape_cast %swap3A_255 : vector<1x1x16xf32> to vector<16xf32>
      %swap3A_257 = vector.shape_cast %broadcast_in_dim3A_0 : vector<16xf32> to vector<1x1x16xf32>
      tpu.vector_store %arg8[%swap3A_252, %swap3A_253, %swap3A_254], %swap3A_257 {strides = array<i32>} : memref<2x128x128xf32, #tpu.memory_space<vmem>>, vector<1x1x16xf32>,
      %swap3A_258 = arith.constant 0 : i32
      %swap3A_259 = arith.index_cast %swap3A_258 : i32 to index
      %swap3A_260 = arith.index_cast %scan3A_236 : i32 to index
      %swap3A_261 = arith.constant 48 : index
      %swap3A_262 = tpu.vector_load %arg8[%swap3A_259, %swap3A_260, %swap3A_261] {strides = array<i32>} : memref<2x128x128xf32, #tpu.memory_space<vmem>>, vector<1x1x16xf32>,
      %swap3A_263 = vector.shape_cast %swap3A_262 : vector<1x1x16xf32> to vector<16xf32>
      %swap3A_264 = vector.shape_cast %broadcast_in_dim3A_0 : vector<16xf32> to vector<1x1x16xf32>
      tpu.vector_store %arg8[%swap3A_259, %swap3A_260, %swap3A_261], %swap3A_264 {strides = array<i32>} : memref<2x128x128xf32, #tpu.memory_space<vmem>>, vector<1x1x16xf32>,
      %swap3A_265 = arith.constant 0 : i32
      %swap3A_266 = arith.index_cast %swap3A_265 : i32 to index
      %swap3A_267 = arith.index_cast %scan3A_236 : i32 to index
      %swap3A_268 = arith.constant 64 : index
      %swap3A_269 = tpu.vector_load %arg8[%swap3A_266, %swap3A_267, %swap3A_268] {strides = array<i32>} : memref<2x128x128xf32, #tpu.memory_space<vmem>>, vector<1x1x16xf32>,
      %swap3A_270 = vector.shape_cast %swap3A_269 : vector<1x1x16xf32> to vector<16xf32>
      %swap3A_271 = vector.shape_cast %broadcast_in_dim3A_0 : vector<16xf32> to vector<1x1x16xf32>
      tpu.vector_store %arg8[%swap3A_266, %swap3A_267, %swap3A_268], %swap3A_271 {strides = array<i32>} : memref<2x128x128xf32, #tpu.memory_space<vmem>>, vector<1x1x16xf32>,
      %swap3A_272 = arith.constant 0 : i32
      %swap3A_273 = arith.index_cast %swap3A_272 : i32 to index
      %swap3A_274 = arith.index_cast %scan3A_236 : i32 to index
      %swap3A_275 = arith.constant 80 : index
      %swap3A_276 = tpu.vector_load %arg8[%swap3A_273, %swap3A_274, %swap3A_275] {strides = array<i32>} : memref<2x128x128xf32, #tpu.memory_space<vmem>>, vector<1x1x16xf32>,
      %swap3A_277 = vector.shape_cast %swap3A_276 : vector<1x1x16xf32> to vector<16xf32>
      %swap3A_278 = vector.shape_cast %broadcast_in_dim3A_0 : vector<16xf32> to vector<1x1x16xf32>
      tpu.vector_store %arg8[%swap3A_273, %swap3A_274, %swap3A_275], %swap3A_278 {strides = array<i32>} : memref<2x128x128xf32, #tpu.memory_space<vmem>>, vector<1x1x16xf32>,
      %swap3A_279 = arith.constant 0 : i32
      %swap3A_280 = arith.index_cast %swap3A_279 : i32 to index
      %swap3A_281 = arith.index_cast %scan3A_236 : i32 to index
      %swap3A_282 = arith.constant 96 : index
      %swap3A_283 = tpu.vector_load %arg8[%swap3A_280, %swap3A_281, %swap3A_282] {strides = array<i32>} : memref<2x128x128xf32, #tpu.memory_space<vmem>>, vector<1x1x16xf32>,
      %swap3A_284 = vector.shape_cast %swap3A_283 : vector<1x1x16xf32> to vector<16xf32>
      %swap3A_285 = vector.shape_cast %broadcast_in_dim3A_0 : vector<16xf32> to vector<1x1x16xf32>
      tpu.vector_store %arg8[%swap3A_280, %swap3A_281, %swap3A_282], %swap3A_285 {strides = array<i32>} : memref<2x128x128xf32, #tpu.memory_space<vmem>>, vector<1x1x16xf32>,
      %swap3A_286 = arith.constant 0 : i32
      %swap3A_287 = arith.index_cast %swap3A_286 : i32 to index
      %swap3A_288 = arith.index_cast %scan3A_236 : i32 to index
      %swap3A_289 = arith.constant 112 : index
      %swap3A_290 = tpu.vector_load %arg8[%swap3A_287, %swap3A_288, %swap3A_289] {strides = array<i32>} : memref<2x128x128xf32, #tpu.memory_space<vmem>>, vector<1x1x16xf32>,
      %swap3A_291 = vector.shape_cast %swap3A_290 : vector<1x1x16xf32> to vector<16xf32>
      %swap3A_292 = vector.shape_cast %broadcast_in_dim3A_0 : vector<16xf32> to vector<1x1x16xf32>
      tpu.vector_store %arg8[%swap3A_287, %swap3A_288, %swap3A_289], %swap3A_292 {strides = array<i32>} : memref<2x128x128xf32, #tpu.memory_space<vmem>>, vector<1x1x16xf32>,
      %scan3A_293 = arith.constant 0 : i32
      scf.yield %scan3A_293 : i32
    }
    %scan3A_6 = arith.constant 128 : i32
    %mul3A = arith.constant 640 : i32
    %mul3A_7 = arith.muli %arg1, %mul3A : i32
    %add3A = arith.constant 0 : i32
    %add3A_8 = arith.addi %mul3A_7, %add3A : i32
    %dma_start3A = arith.constant 0 : i32
    %dma_start3A_9 = arith.constant 0 : i32
    %dma_start3A_10 = arith.constant 0 : i32
    %dma_start3A_11 = tpu.memref_slice %arg8[%dma_start3A, %dma_start3A_9, %dma_start3A_10] : memref<2x128x128xf32, #tpu.memory_space<vmem>> -> memref<1x128x128xf32, #tpu.memory_space<vmem>>
    %dma_start3A_12 = tpu.memref_squeeze %dma_start3A_11 : memref<1x128x128xf32, #tpu.memory_space<vmem>> -> memref<128x128xf32, #tpu.memory_space<vmem>>
    %dma_start3A_13 = arith.constant 0 : i32
    %dma_start3A_14 = tpu.memref_slice %arg9[%add3A_8, %dma_start3A_13] : memref<10240x128xf32, #tpu.memory_space<vmem_shared>> -> memref<128x128xf32, #tpu.memory_space<vmem_shared>>
    %dma_start3A_15 = arith.constant 0 : i32
    %dma_start3A_16 = tpu.memref_slice %arg9[%add3A_8, %dma_start3A_15] : memref<10240x128xf32, #tpu.memory_space<vmem_shared>> -> memref<128x128xf32, #tpu.memory_space<vmem_shared>>
    %dma_start3A_17 = arith.constant 0 : i32
    %dma_start3A_18 = arith.constant 0 : i32
    %dma_start3A_19 = tpu.memref_slice %arg8[%dma_start3A, %dma_start3A_17, %dma_start3A_18] : memref<2x128x128xf32, #tpu.memory_space<vmem>> -> memref<1x128x128xf32, #tpu.memory_space<vmem>>
    %dma_start3A_20 = tpu.memref_squeeze %dma_start3A_19 : memref<1x128x128xf32, #tpu.memory_space<vmem>> -> memref<128x128xf32, #tpu.memory_space<vmem>>
    tpu.enqueue_dma source(%dma_start3A_20 : memref<128x128xf32, #tpu.memory_space<vmem>>) target(%dma_start3A_16 : memref<128x128xf32, #tpu.memory_space<vmem_shared>>) target_semaphore(%arg10 : memref<!tpu.dma_semaphore, #tpu.memory_space<semaphore_mem>>)
    %mul3A_21 = arith.constant 640 : i32
    %mul3A_22 = arith.muli %arg1, %mul3A_21 : i32
    %add3A_23 = arith.constant 128 : i32
    %add3A_24 = arith.addi %mul3A_22, %add3A_23 : i32
    %dma_start3A_25 = arith.constant 0 : i32
    %dma_start3A_26 = arith.constant 0 : i32
    %dma_start3A_27 = arith.constant 0 : i32
    %dma_start3A_28 = tpu.memref_slice %arg8[%dma_start3A_25, %dma_start3A_26, %dma_start3A_27] : memref<2x128x128xf32, #tpu.memory_space<vmem>> -> memref<1x128x128xf32, #tpu.memory_space<vmem>>
    %dma_start3A_29 = tpu.memref_squeeze %dma_start3A_28 : memref<1x128x128xf32, #tpu.memory_space<vmem>> -> memref<128x128xf32, #tpu.memory_space<vmem>>
    %dma_start3A_30 = arith.constant 0 : i32
    %dma_start3A_31 = tpu.memref_slice %arg9[%add3A_24, %dma_start3A_30] : memref<10240x128xf32, #tpu.memory_space<vmem_shared>> -> memref<128x128xf32, #tpu.memory_space<vmem_shared>>
    %dma_start3A_32 = arith.constant 0 : i32
    %dma_start3A_33 = tpu.memref_slice %arg9[%add3A_24, %dma_start3A_32] : memref<10240x128xf32, #tpu.memory_space<vmem_shared>> -> memref<128x128xf32, #tpu.memory_space<vmem_shared>>
    %dma_start3A_34 = arith.constant 0 : i32
    %dma_start3A_35 = arith.constant 0 : i32
    %dma_start3A_36 = tpu.memref_slice %arg8[%dma_start3A_25, %dma_start3A_34, %dma_start3A_35] : memref<2x128x128xf32, #tpu.memory_space<vmem>> -> memref<1x128x128xf32, #tpu.memory_space<vmem>>
    %dma_start3A_37 = tpu.memref_squeeze %dma_start3A_36 : memref<1x128x128xf32, #tpu.memory_space<vmem>> -> memref<128x128xf32, #tpu.memory_space<vmem>>
    tpu.enqueue_dma source(%dma_start3A_37 : memref<128x128xf32, #tpu.memory_space<vmem>>) target(%dma_start3A_33 : memref<128x128xf32, #tpu.memory_space<vmem_shared>>) target_semaphore(%arg10 : memref<!tpu.dma_semaphore, #tpu.memory_space<semaphore_mem>>)
    %mul3A_38 = arith.constant 640 : i32
    %mul3A_39 = arith.muli %arg1, %mul3A_38 : i32
    %add3A_40 = arith.constant 256 : i32
    %add3A_41 = arith.addi %mul3A_39, %add3A_40 : i32
    %dma_start3A_42 = arith.constant 0 : i32
    %dma_start3A_43 = arith.constant 0 : i32
    %dma_start3A_44 = arith.constant 0 : i32
    %dma_start3A_45 = tpu.memref_slice %arg8[%dma_start3A_42, %dma_start3A_43, %dma_start3A_44] : memref<2x128x128xf32, #tpu.memory_space<vmem>> -> memref<1x128x128xf32, #tpu.memory_space<vmem>>
    %dma_start3A_46 = tpu.memref_squeeze %dma_start3A_45 : memref<1x128x128xf32, #tpu.memory_space<vmem>> -> memref<128x128xf32, #tpu.memory_space<vmem>>
    %dma_start3A_47 = arith.constant 0 : i32
    %dma_start3A_48 = tpu.memref_slice %arg9[%add3A_41, %dma_start3A_47] : memref<10240x128xf32, #tpu.memory_space<vmem_shared>> -> memref<128x128xf32, #tpu.memory_space<vmem_shared>>
    %dma_start3A_49 = arith.constant 0 : i32
    %dma_start3A_50 = tpu.memref_slice %arg9[%add3A_41, %dma_start3A_49] : memref<10240x128xf32, #tpu.memory_space<vmem_shared>> -> memref<128x128xf32, #tpu.memory_space<vmem_shared>>
    %dma_start3A_51 = arith.constant 0 : i32
    %dma_start3A_52 = arith.constant 0 : i32
    %dma_start3A_53 = tpu.memref_slice %arg8[%dma_start3A_42, %dma_start3A_51, %dma_start3A_52] : memref<2x128x128xf32, #tpu.memory_space<vmem>> -> memref<1x128x128xf32, #tpu.memory_space<vmem>>
    %dma_start3A_54 = tpu.memref_squeeze %dma_start3A_53 : memref<1x128x128xf32, #tpu.memory_space<vmem>> -> memref<128x128xf32, #tpu.memory_space<vmem>>
    tpu.enqueue_dma source(%dma_start3A_54 : memref<128x128xf32, #tpu.memory_space<vmem>>) target(%dma_start3A_50 : memref<128x128xf32, #tpu.memory_space<vmem_shared>>) target_semaphore(%arg10 : memref<!tpu.dma_semaphore, #tpu.memory_space<semaphore_mem>>)
    %mul3A_55 = arith.constant 640 : i32
    %mul3A_56 = arith.muli %arg1, %mul3A_55 : i32
    %add3A_57 = arith.constant 384 : i32
    %add3A_58 = arith.addi %mul3A_56, %add3A_57 : i32
    %dma_start3A_59 = arith.constant 0 : i32
    %dma_start3A_60 = arith.constant 0 : i32
    %dma_start3A_61 = arith.constant 0 : i32
    %dma_start3A_62 = tpu.memref_slice %arg8[%dma_start3A_59, %dma_start3A_60, %dma_start3A_61] : memref<2x128x128xf32, #tpu.memory_space<vmem>> -> memref<1x128x128xf32, #tpu.memory_space<vmem>>
    %dma_start3A_63 = tpu.memref_squeeze %dma_start3A_62 : memref<1x128x128xf32, #tpu.memory_space<vmem>> -> memref<128x128xf32, #tpu.memory_space<vmem>>
    %dma_start3A_64 = arith.constant 0 : i32
    %dma_start3A_65 = tpu.memref_slice %arg9[%add3A_58, %dma_start3A_64] : memref<10240x128xf32, #tpu.memory_space<vmem_shared>> -> memref<128x128xf32, #tpu.memory_space<vmem_shared>>
    %dma_start3A_66 = arith.constant 0 : i32
    %dma_start3A_67 = tpu.memref_slice %arg9[%add3A_58, %dma_start3A_66] : memref<10240x128xf32, #tpu.memory_space<vmem_shared>> -> memref<128x128xf32, #tpu.memory_space<vmem_shared>>
    %dma_start3A_68 = arith.constant 0 : i32
    %dma_start3A_69 = arith.constant 0 : i32
    %dma_start3A_70 = tpu.memref_slice %arg8[%dma_start3A_59, %dma_start3A_68, %dma_start3A_69] : memref<2x128x128xf32, #tpu.memory_space<vmem>> -> memref<1x128x128xf32, #tpu.memory_space<vmem>>
    %dma_start3A_71 = tpu.memref_squeeze %dma_start3A_70 : memref<1x128x128xf32, #tpu.memory_space<vmem>> -> memref<128x128xf32, #tpu.memory_space<vmem>>
    tpu.enqueue_dma source(%dma_start3A_71 : memref<128x128xf32, #tpu.memory_space<vmem>>) target(%dma_start3A_67 : memref<128x128xf32, #tpu.memory_space<vmem_shared>>) target_semaphore(%arg10 : memref<!tpu.dma_semaphore, #tpu.memory_space<semaphore_mem>>)
    %mul3A_72 = arith.constant 640 : i32
    %mul3A_73 = arith.muli %arg1, %mul3A_72 : i32
    %add3A_74 = arith.constant 512 : i32
    %add3A_75 = arith.addi %mul3A_73, %add3A_74 : i32
    %dma_start3A_76 = arith.constant 0 : i32
    %dma_start3A_77 = arith.constant 0 : i32
    %dma_start3A_78 = arith.constant 0 : i32
    %dma_start3A_79 = tpu.memref_slice %arg8[%dma_start3A_76, %dma_start3A_77, %dma_start3A_78] : memref<2x128x128xf32, #tpu.memory_space<vmem>> -> memref<1x128x128xf32, #tpu.memory_space<vmem>>
    %dma_start3A_80 = tpu.memref_squeeze %dma_start3A_79 : memref<1x128x128xf32, #tpu.memory_space<vmem>> -> memref<128x128xf32, #tpu.memory_space<vmem>>
    %dma_start3A_81 = arith.constant 0 : i32
    %dma_start3A_82 = tpu.memref_slice %arg9[%add3A_75, %dma_start3A_81] : memref<10240x128xf32, #tpu.memory_space<vmem_shared>> -> memref<128x128xf32, #tpu.memory_space<vmem_shared>>
    %dma_start3A_83 = arith.constant 0 : i32
    %dma_start3A_84 = tpu.memref_slice %arg9[%add3A_75, %dma_start3A_83] : memref<10240x128xf32, #tpu.memory_space<vmem_shared>> -> memref<128x128xf32, #tpu.memory_space<vmem_shared>>
    %dma_start3A_85 = arith.constant 0 : i32
    %dma_start3A_86 = arith.constant 0 : i32
    %dma_start3A_87 = tpu.memref_slice %arg8[%dma_start3A_76, %dma_start3A_85, %dma_start3A_86] : memref<2x128x128xf32, #tpu.memory_space<vmem>> -> memref<1x128x128xf32, #tpu.memory_space<vmem>>
    %dma_start3A_88 = tpu.memref_squeeze %dma_start3A_87 : memref<1x128x128xf32, #tpu.memory_space<vmem>> -> memref<128x128xf32, #tpu.memory_space<vmem>>
    tpu.enqueue_dma source(%dma_start3A_88 : memref<128x128xf32, #tpu.memory_space<vmem>>) target(%dma_start3A_84 : memref<128x128xf32, #tpu.memory_space<vmem_shared>>) target_semaphore(%arg10 : memref<!tpu.dma_semaphore, #tpu.memory_space<semaphore_mem>>)
    %dma_wait3A = arith.constant 0 : i32
    %dma_wait3A_89 = arith.constant 0 : i32
    %dma_wait3A_90 = arith.constant 0 : i32
    %dma_wait3A_91 = tpu.memref_slice %arg8[%dma_wait3A, %dma_wait3A_89, %dma_wait3A_90] : memref<2x128x128xf32, #tpu.memory_space<vmem>> -> memref<1x128x128xf32, #tpu.memory_space<vmem>>
    %dma_wait3A_92 = tpu.memref_squeeze %dma_wait3A_91 : memref<1x128x128xf32, #tpu.memory_space<vmem>> -> memref<128x128xf32, #tpu.memory_space<vmem>>
    %dma_wait3A_93 = arith.constant 0 : i32
    %dma_wait3A_94 = tpu.memref_slice %arg9[%add3A_8, %dma_wait3A_93] : memref<10240x128xf32, #tpu.memory_space<vmem_shared>> -> memref<128x128xf32, #tpu.memory_space<vmem_shared>>
    %dma_wait3A_95 = arith.constant 0 : i32
    %dma_wait3A_96 = tpu.memref_slice %arg9[%add3A_8, %dma_wait3A_95] : memref<10240x128xf32, #tpu.memory_space<vmem_shared>> -> memref<128x128xf32, #tpu.memory_space<vmem_shared>>
    %dma_wait3A_97 = arith.constant 0 : i32
    %dma_wait3A_98 = arith.constant 0 : i32
    %dma_wait3A_99 = tpu.memref_slice %arg8[%dma_wait3A, %dma_wait3A_97, %dma_wait3A_98] : memref<2x128x128xf32, #tpu.memory_space<vmem>> -> memref<1x128x128xf32, #tpu.memory_space<vmem>>
    %dma_wait3A_100 = tpu.memref_squeeze %dma_wait3A_99 : memref<1x128x128xf32, #tpu.memory_space<vmem>> -> memref<128x128xf32, #tpu.memory_space<vmem>>
    tpu.wait_dma2 semaphore(%arg10 : memref<!tpu.dma_semaphore, #tpu.memory_space<semaphore_mem>>) src(%dma_wait3A_100 : memref<128x128xf32, #tpu.memory_space<vmem>>) dst(%dma_wait3A_96 : memref<128x128xf32, #tpu.memory_space<vmem_shared>>)
    %dma_wait3A_101 = arith.constant 0 : i32
    %dma_wait3A_102 = arith.constant 0 : i32
    %dma_wait3A_103 = arith.constant 0 : i32
    %dma_wait3A_104 = tpu.memref_slice %arg8[%dma_wait3A_101, %dma_wait3A_102, %dma_wait3A_103] : memref<2x128x128xf32, #tpu.memory_space<vmem>> -> memref<1x128x128xf32, #tpu.memory_space<vmem>>
    %dma_wait3A_105 = tpu.memref_squeeze %dma_wait3A_104 : memref<1x128x128xf32, #tpu.memory_space<vmem>> -> memref<128x128xf32, #tpu.memory_space<vmem>>
    %dma_wait3A_106 = arith.constant 0 : i32
    %dma_wait3A_107 = tpu.memref_slice %arg9[%add3A_24, %dma_wait3A_106] : memref<10240x128xf32, #tpu.memory_space<vmem_shared>> -> memref<128x128xf32, #tpu.memory_space<vmem_shared>>
    %dma_wait3A_108 = arith.constant 0 : i32
    %dma_wait3A_109 = tpu.memref_slice %arg9[%add3A_24, %dma_wait3A_108] : memref<10240x128xf32, #tpu.memory_space<vmem_shared>> -> memref<128x128xf32, #tpu.memory_space<vmem_shared>>
    %dma_wait3A_110 = arith.constant 0 : i32
    %dma_wait3A_111 = arith.constant 0 : i32
    %dma_wait3A_112 = tpu.memref_slice %arg8[%dma_wait3A_101, %dma_wait3A_110, %dma_wait3A_111] : memref<2x128x128xf32, #tpu.memory_space<vmem>> -> memref<1x128x128xf32, #tpu.memory_space<vmem>>
    %dma_wait3A_113 = tpu.memref_squeeze %dma_wait3A_112 : memref<1x128x128xf32, #tpu.memory_space<vmem>> -> memref<128x128xf32, #tpu.memory_space<vmem>>
    tpu.wait_dma2 semaphore(%arg10 : memref<!tpu.dma_semaphore, #tpu.memory_space<semaphore_mem>>) src(%dma_wait3A_113 : memref<128x128xf32, #tpu.memory_space<vmem>>) dst(%dma_wait3A_109 : memref<128x128xf32, #tpu.memory_space<vmem_shared>>)
    %dma_wait3A_114 = arith.constant 0 : i32
    %dma_wait3A_115 = arith.constant 0 : i32
    %dma_wait3A_116 = arith.constant 0 : i32
    %dma_wait3A_117 = tpu.memref_slice %arg8[%dma_wait3A_114, %dma_wait3A_115, %dma_wait3A_116] : memref<2x128x128xf32, #tpu.memory_space<vmem>> -> memref<1x128x128xf32, #tpu.memory_space<vmem>>
    %dma_wait3A_118 = tpu.memref_squeeze %dma_wait3A_117 : memref<1x128x128xf32, #tpu.memory_space<vmem>> -> memref<128x128xf32, #tpu.memory_space<vmem>>
    %dma_wait3A_119 = arith.constant 0 : i32
    %dma_wait3A_120 = tpu.memref_slice %arg9[%add3A_41, %dma_wait3A_119] : memref<10240x128xf32, #tpu.memory_space<vmem_shared>> -> memref<128x128xf32, #tpu.memory_space<vmem_shared>>
    %dma_wait3A_121 = arith.constant 0 : i32
    %dma_wait3A_122 = tpu.memref_slice %arg9[%add3A_41, %dma_wait3A_121] : memref<10240x128xf32, #tpu.memory_space<vmem_shared>> -> memref<128x128xf32, #tpu.memory_space<vmem_shared>>
    %dma_wait3A_123 = arith.constant 0 : i32
    %dma_wait3A_124 = arith.constant 0 : i32
    %dma_wait3A_125 = tpu.memref_slice %arg8[%dma_wait3A_114, %dma_wait3A_123, %dma_wait3A_124] : memref<2x128x128xf32, #tpu.memory_space<vmem>> -> memref<1x128x128xf32, #tpu.memory_space<vmem>>
    %dma_wait3A_126 = tpu.memref_squeeze %dma_wait3A_125 : memref<1x128x128xf32, #tpu.memory_space<vmem>> -> memref<128x128xf32, #tpu.memory_space<vmem>>
    tpu.wait_dma2 semaphore(%arg10 : memref<!tpu.dma_semaphore, #tpu.memory_space<semaphore_mem>>) src(%dma_wait3A_126 : memref<128x128xf32, #tpu.memory_space<vmem>>) dst(%dma_wait3A_122 : memref<128x128xf32, #tpu.memory_space<vmem_shared>>)
    %dma_wait3A_127 = arith.constant 0 : i32
    %dma_wait3A_128 = arith.constant 0 : i32
    %dma_wait3A_129 = arith.constant 0 : i32
    %dma_wait3A_130 = tpu.memref_slice %arg8[%dma_wait3A_127, %dma_wait3A_128, %dma_wait3A_129] : memref<2x128x128xf32, #tpu.memory_space<vmem>> -> memref<1x128x128xf32, #tpu.memory_space<vmem>>
    %dma_wait3A_131 = tpu.memref_squeeze %dma_wait3A_130 : memref<1x128x128xf32, #tpu.memory_space<vmem>> -> memref<128x128xf32, #tpu.memory_space<vmem>>
    %dma_wait3A_132 = arith.constant 0 : i32
    %dma_wait3A_133 = tpu.memref_slice %arg9[%add3A_58, %dma_wait3A_132] : memref<10240x128xf32, #tpu.memory_space<vmem_shared>> -> memref<128x128xf32, #tpu.memory_space<vmem_shared>>
    %dma_wait3A_134 = arith.constant 0 : i32
    %dma_wait3A_135 = tpu.memref_slice %arg9[%add3A_58, %dma_wait3A_134] : memref<10240x128xf32, #tpu.memory_space<vmem_shared>> -> memref<128x128xf32, #tpu.memory_space<vmem_shared>>
    %dma_wait3A_136 = arith.constant 0 : i32
    %dma_wait3A_137 = arith.constant 0 : i32
    %dma_wait3A_138 = tpu.memref_slice %arg8[%dma_wait3A_127, %dma_wait3A_136, %dma_wait3A_137] : memref<2x128x128xf32, #tpu.memory_space<vmem>> -> memref<1x128x128xf32, #tpu.memory_space<vmem>>
    %dma_wait3A_139 = tpu.memref_squeeze %dma_wait3A_138 : memref<1x128x128xf32, #tpu.memory_space<vmem>> -> memref<128x128xf32, #tpu.memory_space<vmem>>
    tpu.wait_dma2 semaphore(%arg10 : memref<!tpu.dma_semaphore, #tpu.memory_space<semaphore_mem>>) src(%dma_wait3A_139 : memref<128x128xf32, #tpu.memory_space<vmem>>) dst(%dma_wait3A_135 : memref<128x128xf32, #tpu.memory_space<vmem_shared>>)
    %dma_wait3A_140 = arith.constant 0 : i32
    %dma_wait3A_141 = arith.constant 0 : i32
    %dma_wait3A_142 = arith.constant 0 : i32
    %dma_wait3A_143 = tpu.memref_slice %arg8[%dma_wait3A_140, %dma_wait3A_141, %dma_wait3A_142] : memref<2x128x128xf32, #tpu.memory_space<vmem>> -> memref<1x128x128xf32, #tpu.memory_space<vmem>>
    %dma_wait3A_144 = tpu.memref_squeeze %dma_wait3A_143 : memref<1x128x128xf32, #tpu.memory_space<vmem>> -> memref<128x128xf32, #tpu.memory_space<vmem>>
    %dma_wait3A_145 = arith.constant 0 : i32
    %dma_wait3A_146 = tpu.memref_slice %arg9[%add3A_75, %dma_wait3A_145] : memref<10240x128xf32, #tpu.memory_space<vmem_shared>> -> memref<128x128xf32, #tpu.memory_space<vmem_shared>>
    %dma_wait3A_147 = arith.constant 0 : i32
    %dma_wait3A_148 = tpu.memref_slice %arg9[%add3A_75, %dma_wait3A_147] : memref<10240x128xf32, #tpu.memory_space<vmem_shared>> -> memref<128x128xf32, #tpu.memory_space<vmem_shared>>
    %dma_wait3A_149 = arith.constant 0 : i32
    %dma_wait3A_150 = arith.constant 0 : i32
    %dma_wait3A_151 = tpu.memref_slice %arg8[%dma_wait3A_140, %dma_wait3A_149, %dma_wait3A_150] : memref<2x128x128xf32, #tpu.memory_space<vmem>> -> memref<1x128x128xf32, #tpu.memory_space<vmem>>
    %dma_wait3A_152 = tpu.memref_squeeze %dma_wait3A_151 : memref<1x128x128xf32, #tpu.memory_space<vmem>> -> memref<128x128xf32, #tpu.memory_space<vmem>>
    tpu.wait_dma2 semaphore(%arg10 : memref<!tpu.dma_semaphore, #tpu.memory_space<semaphore_mem>>) src(%dma_wait3A_152 : memref<128x128xf32, #tpu.memory_space<vmem>>) dst(%dma_wait3A_148 : memref<128x128xf32, #tpu.memory_space<vmem_shared>>)
    %mul3A_153 = arith.constant 16 : i32
    %mul3A_154 = arith.muli %arg0, %mul3A_153 : i32
    %add3A_155 = arith.addi %mul3A_154, %arg1 : i32
    %mul3A_156 = arith.constant 80 : i32
    %mul3A_157 = arith.muli %add3A_155, %mul3A_156 : i32
    %barrier3A = arith.constant 0 : index
    tpu.barrier barrier_id(%barrier3A)
    %add3A_158 = arith.constant 0 : i32
    %add3A_159 = arith.addi %mul3A_157, %add3A_158 : i32
    "tpu.region"() ({
      %run_scoped3A = tpu.sem_alloc : memref<!tpu.dma_semaphore, #tpu.memory_space<semaphore_mem>>
      %dma_start3A_236 = arith.constant 0 : i32
      %dma_start3A_237 = tpu.memref_slice %arg3[%add3A_159, %dma_start3A_236] : memref<2560x128xi32, #tpu.memory_space<hbm>> -> memref<40x128xi32, #tpu.memory_space<hbm>>
      %dma_start3A_238 = arith.constant 0 : i32
      %dma_start3A_239 = tpu.memref_slice %arg3[%add3A_159, %dma_start3A_238] : memref<2560x128xi32, #tpu.memory_space<hbm>> -> memref<40x128xi32, #tpu.memory_space<hbm>>
      tpu.enqueue_dma source(%dma_start3A_239 : memref<40x128xi32, #tpu.memory_space<hbm>>) target(%arg6 : memref<40x128xi32, #tpu.memory_space<vmem>>) target_semaphore(%run_scoped3A : memref<!tpu.dma_semaphore, #tpu.memory_space<semaphore_mem>>)
      %dma_wait3A_240 = arith.constant 0 : i32
      %dma_wait3A_241 = tpu.memref_slice %arg3[%add3A_159, %dma_wait3A_240] : memref<2560x128xi32, #tpu.memory_space<hbm>> -> memref<40x128xi32, #tpu.memory_space<hbm>>
      %dma_wait3A_242 = arith.constant 0 : i32
      %dma_wait3A_243 = tpu.memref_slice %arg3[%add3A_159, %dma_wait3A_242] : memref<2560x128xi32, #tpu.memory_space<hbm>> -> memref<40x128xi32, #tpu.memory_space<hbm>>
      tpu.wait_dma2 semaphore(%run_scoped3A : memref<!tpu.dma_semaphore, #tpu.memory_space<semaphore_mem>>) src(%dma_wait3A_243 : memref<40x128xi32, #tpu.memory_space<hbm>>) dst(%arg6 : memref<40x128xi32, #tpu.memory_space<vmem>>)
      tpu.yield
    }) : () -> ()
    %add3A_160 = arith.constant 0 : i32
    %add3A_161 = arith.addi %mul3A_157, %add3A_160 : i32
    "tpu.region"() ({
      %run_scoped3A = tpu.sem_alloc : memref<!tpu.dma_semaphore, #tpu.memory_space<semaphore_mem>>
      %dma_start3A_236 = arith.constant 0 : i32
      %dma_start3A_237 = tpu.memref_slice %arg4[%add3A_161, %dma_start3A_236] : memref<2560x128xi32, #tpu.memory_space<hbm>> -> memref<40x128xi32, #tpu.memory_space<hbm>>
      %dma_start3A_238 = arith.constant 0 : i32
      %dma_start3A_239 = tpu.memref_slice %arg4[%add3A_161, %dma_start3A_238] : memref<2560x128xi32, #tpu.memory_space<hbm>> -> memref<40x128xi32, #tpu.memory_space<hbm>>
      tpu.enqueue_dma source(%dma_start3A_239 : memref<40x128xi32, #tpu.memory_space<hbm>>) target(%arg7 : memref<40x128xi32, #tpu.memory_space<vmem>>) target_semaphore(%run_scoped3A : memref<!tpu.dma_semaphore, #tpu.memory_space<semaphore_mem>>)
      %dma_wait3A_240 = arith.constant 0 : i32
      %dma_wait3A_241 = tpu.memref_slice %arg4[%add3A_161, %dma_wait3A_240] : memref<2560x128xi32, #tpu.memory_space<hbm>> -> memref<40x128xi32, #tpu.memory_space<hbm>>
      %dma_wait3A_242 = arith.constant 0 : i32
      %dma_wait3A_243 = tpu.memref_slice %arg4[%add3A_161, %dma_wait3A_242] : memref<2560x128xi32, #tpu.memory_space<hbm>> -> memref<40x128xi32, #tpu.memory_space<hbm>>
      tpu.wait_dma2 semaphore(%run_scoped3A : memref<!tpu.dma_semaphore, #tpu.memory_space<semaphore_mem>>) src(%dma_wait3A_243 : memref<40x128xi32, #tpu.memory_space<hbm>>) dst(%arg7 : memref<40x128xi32, #tpu.memory_space<vmem>>)
      tpu.yield
    }) : () -> ()
    %dma_start3A_162 = arith.constant 0 : i32
    %dma_start3A_163 = arith.constant 0 : i32
    %dma_start3A_164 = arith.constant 0 : i32
    %dma_start3A_165 = arith.constant 0 : i32
    %dma_start3A_166 = tpu.memref_slice %arg8[%dma_start3A_163, %dma_start3A_164, %dma_start3A_165] : memref<2x128x128xf32, #tpu.memory_space<vmem>> -> memref<1x128x128xf32, #tpu.memory_space<vmem>>
    %dma_start3A_167 = tpu.memref_squeeze %dma_start3A_166 : memref<1x128x128xf32, #tpu.memory_space<vmem>> -> memref<128x128xf32, #tpu.memory_space<vmem>>
    %dma_start3A_168 = arith.constant 0 : i32
    %dma_start3A_169 = tpu.memref_slice %arg6[%dma_start3A_162, %dma_start3A_168] : memref<40x128xi32, #tpu.memory_space<vmem>> -> memref<1x128xi32, #tpu.memory_space<vmem>>
    %dma_start3A_170 = tpu.memref_squeeze %dma_start3A_169 : memref<1x128xi32, #tpu.memory_space<vmem>> -> memref<128xi32, #tpu.memory_space<vmem>>
    %dma_start3A_171 = arith.constant 0 : i32
    %dma_start3A_172 = arith.constant 0 : i32
    %dma_start3A_173 = tpu.memref_slice %arg2[%dma_start3A_171, %dma_start3A_172] : memref<10240x128xf32, #tpu.memory_space<hbm>> -> memref<10240x128xf32, #tpu.memory_space<hbm>>
    tpu.enqueue_indirect_dma source(%dma_start3A_173 : memref<10240x128xf32, #tpu.memory_space<hbm>>) target(%dma_start3A_167 : memref<128x128xf32, #tpu.memory_space<vmem>>) offsets(%dma_start3A_170 : memref<128xi32, #tpu.memory_space<vmem>>) semaphore(%arg10 : memref<!tpu.dma_semaphore, #tpu.memory_space<semaphore_mem>>)
    %scan3A_174 = arith.constant 0 : i32
    %scan3A_175 = arith.constant 0 : i32
    %scan3A_176 = arith.constant 20 : i32
    %scan3A_177 = arith.addi %scan3A_175, %scan3A_176 : i32
    %scan3A_178 = arith.constant 1 : i32
    %scan3A_179 = scf.for %scan3A_236 = %scan3A_175 to %scan3A_177 step %scan3A_178 iter_args(%scan3A_237 = %scan3A_174) -> (i32)  : i32 {
      %mul3A_238 = arith.constant 2 : i32
      %mul3A_239 = arith.muli %mul3A_238, %scan3A_236 : i32
      %add3A_240 = arith.constant 1 : i32
      %add3A_241 = arith.addi %mul3A_239, %add3A_240 : i32
      %gt3A = arith.constant 0 : i32
      %gt3A_242 = arith.cmpi sgt, %scan3A_236, %gt3A : i32
      %convert_element_type3A = arith.extui %gt3A_242 : i1 to i32
      %cond3A = arith.constant 0 : i32
      %cond3A_243 = arith.cmpi ne, %convert_element_type3A, %cond3A : i32
      scf.if %cond3A_243 {
        %dma_wait3A_317 = arith.constant 1 : i32
        %dma_wait3A_318 = arith.constant 0 : i32
        %dma_wait3A_319 = arith.constant 0 : i32
        %dma_wait3A_320 = tpu.memref_slice %arg8[%dma_wait3A_317, %dma_wait3A_318, %dma_wait3A_319] : memref<2x128x128xf32, #tpu.memory_space<vmem>> -> memref<1x128x128xf32, #tpu.memory_space<vmem>>
        %dma_wait3A_321 = tpu.memref_squeeze %dma_wait3A_320 : memref<1x128x128xf32, #tpu.memory_space<vmem>> -> memref<128x128xf32, #tpu.memory_space<vmem>>
        %dma_wait3A_322 = arith.constant 0 : i32
        %dma_wait3A_323 = tpu.memref_slice %arg7[%add3A_241, %dma_wait3A_322] : memref<40x128xi32, #tpu.memory_space<vmem>> -> memref<1x128xi32, #tpu.memory_space<vmem>>
        %dma_wait3A_324 = tpu.memref_squeeze %dma_wait3A_323 : memref<1x128xi32, #tpu.memory_space<vmem>> -> memref<128xi32, #tpu.memory_space<vmem>>
        %dma_wait3A_325 = arith.constant 0 : i32
        %dma_wait3A_326 = arith.constant 0 : i32
        %dma_wait3A_327 = tpu.memref_slice %arg9[%dma_wait3A_325, %dma_wait3A_326] : memref<10240x128xf32, #tpu.memory_space<vmem_shared>> -> memref<10240x128xf32, #tpu.memory_space<vmem_shared>>
        tpu.wait_indirect_dma semaphore(%arg13 : memref<!tpu.dma_semaphore, #tpu.memory_space<semaphore_mem>>) src(%dma_wait3A_321 : memref<128x128xf32, #tpu.memory_space<vmem>>) dst(%dma_wait3A_327 : memref<10240x128xf32, #tpu.memory_space<vmem_shared>>)
      } else {
      }
      %dma_start3A_244 = arith.constant 1 : i32
      %dma_start3A_245 = arith.constant 0 : i32
      %dma_start3A_246 = arith.constant 0 : i32
      %dma_start3A_247 = tpu.memref_slice %arg8[%dma_start3A_244, %dma_start3A_245, %dma_start3A_246] : memref<2x128x128xf32, #tpu.memory_space<vmem>> -> memref<1x128x128xf32, #tpu.memory_space<vmem>>
      %dma_start3A_248 = tpu.memref_squeeze %dma_start3A_247 : memref<1x128x128xf32, #tpu.memory_space<vmem>> -> memref<128x128xf32, #tpu.memory_space<vmem>>
      %dma_start3A_249 = arith.constant 0 : i32
      %dma_start3A_250 = tpu.memref_slice %arg6[%add3A_241, %dma_start3A_249] : memref<40x128xi32, #tpu.memory_space<vmem>> -> memref<1x128xi32, #tpu.memory_space<vmem>>
      %dma_start3A_251 = tpu.memref_squeeze %dma_start3A_250 : memref<1x128xi32, #tpu.memory_space<vmem>> -> memref<128xi32, #tpu.memory_space<vmem>>
      %dma_start3A_252 = arith.constant 0 : i32
      %dma_start3A_253 = arith.constant 0 : i32
      %dma_start3A_254 = tpu.memref_slice %arg2[%dma_start3A_252, %dma_start3A_253] : memref<10240x128xf32, #tpu.memory_space<hbm>> -> memref<10240x128xf32, #tpu.memory_space<hbm>>
      tpu.enqueue_indirect_dma source(%dma_start3A_254 : memref<10240x128xf32, #tpu.memory_space<hbm>>) target(%dma_start3A_248 : memref<128x128xf32, #tpu.memory_space<vmem>>) offsets(%dma_start3A_251 : memref<128xi32, #tpu.memory_space<vmem>>) semaphore(%arg11 : memref<!tpu.dma_semaphore, #tpu.memory_space<semaphore_mem>>)
      %dma_wait3A_255 = arith.constant 0 : i32
      %dma_wait3A_256 = arith.constant 0 : i32
      %dma_wait3A_257 = arith.constant 0 : i32
      %dma_wait3A_258 = tpu.memref_slice %arg8[%dma_wait3A_255, %dma_wait3A_256, %dma_wait3A_257] : memref<2x128x128xf32, #tpu.memory_space<vmem>> -> memref<1x128x128xf32, #tpu.memory_space<vmem>>
      %dma_wait3A_259 = tpu.memref_squeeze %dma_wait3A_258 : memref<1x128x128xf32, #tpu.memory_space<vmem>> -> memref<128x128xf32, #tpu.memory_space<vmem>>
      %dma_wait3A_260 = arith.constant 0 : i32
      %dma_wait3A_261 = tpu.memref_slice %arg6[%mul3A_239, %dma_wait3A_260] : memref<40x128xi32, #tpu.memory_space<vmem>> -> memref<1x128xi32, #tpu.memory_space<vmem>>
      %dma_wait3A_262 = tpu.memref_squeeze %dma_wait3A_261 : memref<1x128xi32, #tpu.memory_space<vmem>> -> memref<128xi32, #tpu.memory_space<vmem>>
      %dma_wait3A_263 = arith.constant 0 : i32
      %dma_wait3A_264 = arith.constant 0 : i32
      %dma_wait3A_265 = tpu.memref_slice %arg2[%dma_wait3A_263, %dma_wait3A_264] : memref<10240x128xf32, #tpu.memory_space<hbm>> -> memref<10240x128xf32, #tpu.memory_space<hbm>>
      tpu.wait_indirect_dma semaphore(%arg10 : memref<!tpu.dma_semaphore, #tpu.memory_space<semaphore_mem>>) src(%dma_wait3A_265 : memref<10240x128xf32, #tpu.memory_space<hbm>>) dst(%dma_wait3A_259 : memref<128x128xf32, #tpu.memory_space<vmem>>)
      %dma_start3A_266 = arith.constant 0 : i32
      %dma_start3A_267 = arith.constant 0 : i32
      %dma_start3A_268 = arith.constant 0 : i32
      %dma_start3A_269 = tpu.memref_slice %arg8[%dma_start3A_266, %dma_start3A_267, %dma_start3A_268] : memref<2x128x128xf32, #tpu.memory_space<vmem>> -> memref<1x128x128xf32, #tpu.memory_space<vmem>>
      %dma_start3A_270 = tpu.memref_squeeze %dma_start3A_269 : memref<1x128x128xf32, #tpu.memory_space<vmem>> -> memref<128x128xf32, #tpu.memory_space<vmem>>
      %dma_start3A_271 = arith.constant 0 : i32
      %dma_start3A_272 = tpu.memref_slice %arg7[%mul3A_239, %dma_start3A_271] : memref<40x128xi32, #tpu.memory_space<vmem>> -> memref<1x128xi32, #tpu.memory_space<vmem>>
      %dma_start3A_273 = tpu.memref_squeeze %dma_start3A_272 : memref<1x128xi32, #tpu.memory_space<vmem>> -> memref<128xi32, #tpu.memory_space<vmem>>
      %dma_start3A_274 = arith.constant 0 : i32
      %dma_start3A_275 = arith.constant 0 : i32
      %dma_start3A_276 = tpu.memref_slice %arg9[%dma_start3A_274, %dma_start3A_275] : memref<10240x128xf32, #tpu.memory_space<vmem_shared>> -> memref<10240x128xf32, #tpu.memory_space<vmem_shared>>
      tpu.enqueue_indirect_dma source(%dma_start3A_270 : memref<128x128xf32, #tpu.memory_space<vmem>>) target(%dma_start3A_276 : memref<10240x128xf32, #tpu.memory_space<vmem_shared>>) offsets(%dma_start3A_273 : memref<128xi32, #tpu.memory_space<vmem>>) semaphore(%arg12 : memref<!tpu.dma_semaphore, #tpu.memory_space<semaphore_mem>>) {add = true}
      %dma_wait3A_277 = arith.constant 1 : i32
      %dma_wait3A_278 = arith.constant 0 : i32
      %dma_wait3A_279 = arith.constant 0 : i32
      %dma_wait3A_280 = tpu.memref_slice %arg8[%dma_wait3A_277, %dma_wait3A_278, %dma_wait3A_279] : memref<2x128x128xf32, #tpu.memory_space<vmem>> -> memref<1x128x128xf32, #tpu.memory_space<vmem>>
      %dma_wait3A_281 = tpu.memref_squeeze %dma_wait3A_280 : memref<1x128x128xf32, #tpu.memory_space<vmem>> -> memref<128x128xf32, #tpu.memory_space<vmem>>
      %dma_wait3A_282 = arith.constant 0 : i32
      %dma_wait3A_283 = tpu.memref_slice %arg6[%add3A_241, %dma_wait3A_282] : memref<40x128xi32, #tpu.memory_space<vmem>> -> memref<1x128xi32, #tpu.memory_space<vmem>>
      %dma_wait3A_284 = tpu.memref_squeeze %dma_wait3A_283 : memref<1x128xi32, #tpu.memory_space<vmem>> -> memref<128xi32, #tpu.memory_space<vmem>>
      %dma_wait3A_285 = arith.constant 0 : i32
      %dma_wait3A_286 = arith.constant 0 : i32
      %dma_wait3A_287 = tpu.memref_slice %arg2[%dma_wait3A_285, %dma_wait3A_286] : memref<10240x128xf32, #tpu.memory_space<hbm>> -> memref<10240x128xf32, #tpu.memory_space<hbm>>
      tpu.wait_indirect_dma semaphore(%arg11 : memref<!tpu.dma_semaphore, #tpu.memory_space<semaphore_mem>>) src(%dma_wait3A_287 : memref<10240x128xf32, #tpu.memory_space<hbm>>) dst(%dma_wait3A_281 : memref<128x128xf32, #tpu.memory_space<vmem>>)
      %dma_wait3A_288 = arith.constant 0 : i32
      %dma_wait3A_289 = arith.constant 0 : i32
      %dma_wait3A_290 = arith.constant 0 : i32
      %dma_wait3A_291 = tpu.memref_slice %arg8[%dma_wait3A_288, %dma_wait3A_289, %dma_wait3A_290] : memref<2x128x128xf32, #tpu.memory_space<vmem>> -> memref<1x128x128xf32, #tpu.memory_space<vmem>>
      %dma_wait3A_292 = tpu.memref_squeeze %dma_wait3A_291 : memref<1x128x128xf32, #tpu.memory_space<vmem>> -> memref<128x128xf32, #tpu.memory_space<vmem>>
      %dma_wait3A_293 = arith.constant 0 : i32
      %dma_wait3A_294 = tpu.memref_slice %arg7[%mul3A_239, %dma_wait3A_293] : memref<40x128xi32, #tpu.memory_space<vmem>> -> memref<1x128xi32, #tpu.memory_space<vmem>>
      %dma_wait3A_295 = tpu.memref_squeeze %dma_wait3A_294 : memref<1x128xi32, #tpu.memory_space<vmem>> -> memref<128xi32, #tpu.memory_space<vmem>>
      %dma_wait3A_296 = arith.constant 0 : i32
      %dma_wait3A_297 = arith.constant 0 : i32
      %dma_wait3A_298 = tpu.memref_slice %arg9[%dma_wait3A_296, %dma_wait3A_297] : memref<10240x128xf32, #tpu.memory_space<vmem_shared>> -> memref<10240x128xf32, #tpu.memory_space<vmem_shared>>
      tpu.wait_indirect_dma semaphore(%arg12 : memref<!tpu.dma_semaphore, #tpu.memory_space<semaphore_mem>>) src(%dma_wait3A_292 : memref<128x128xf32, #tpu.memory_space<vmem>>) dst(%dma_wait3A_298 : memref<10240x128xf32, #tpu.memory_space<vmem_shared>>)
      %add3A_299 = arith.constant 2 : i32
      %add3A_300 = arith.addi %mul3A_239, %add3A_299 : i32
      %lt3A = arith.constant 40 : i32
      %lt3A_301 = arith.cmpi slt, %add3A_300, %lt3A : i32
      %convert_element_type3A_302 = arith.extui %lt3A_301 : i1 to i32
      %cond3A_303 = arith.constant 0 : i32
      %cond3A_304 = arith.cmpi ne, %convert_element_type3A_302, %cond3A_303 : i32
      scf.if %cond3A_304 {
        %add3A_317 = arith.constant 2 : i32
        %add3A_318 = arith.addi %mul3A_239, %add3A_317 : i32
        %dma_start3A_319 = arith.constant 0 : i32
        %dma_start3A_320 = arith.constant 0 : i32
        %dma_start3A_321 = arith.constant 0 : i32
        %dma_start3A_322 = tpu.memref_slice %arg8[%dma_start3A_319, %dma_start3A_320, %dma_start3A_321] : memref<2x128x128xf32, #tpu.memory_space<vmem>> -> memref<1x128x128xf32, #tpu.memory_space<vmem>>
        %dma_start3A_323 = tpu.memref_squeeze %dma_start3A_322 : memref<1x128x128xf32, #tpu.memory_space<vmem>> -> memref<128x128xf32, #tpu.memory_space<vmem>>
        %dma_start3A_324 = arith.constant 0 : i32
        %dma_start3A_325 = tpu.memref_slice %arg6[%add3A_318, %dma_start3A_324] : memref<40x128xi32, #tpu.memory_space<vmem>> -> memref<1x128xi32, #tpu.memory_space<vmem>>
        %dma_start3A_326 = tpu.memref_squeeze %dma_start3A_325 : memref<1x128xi32, #tpu.memory_space<vmem>> -> memref<128xi32, #tpu.memory_space<vmem>>
        %dma_start3A_327 = arith.constant 0 : i32
        %dma_start3A_328 = arith.constant 0 : i32
        %dma_start3A_329 = tpu.memref_slice %arg2[%dma_start3A_327, %dma_start3A_328] : memref<10240x128xf32, #tpu.memory_space<hbm>> -> memref<10240x128xf32, #tpu.memory_space<hbm>>
        tpu.enqueue_indirect_dma source(%dma_start3A_329 : memref<10240x128xf32, #tpu.memory_space<hbm>>) target(%dma_start3A_323 : memref<128x128xf32, #tpu.memory_space<vmem>>) offsets(%dma_start3A_326 : memref<128xi32, #tpu.memory_space<vmem>>) semaphore(%arg10 : memref<!tpu.dma_semaphore, #tpu.memory_space<semaphore_mem>>)
      } else {
      }
      %dma_start3A_305 = arith.constant 1 : i32
      %dma_start3A_306 = arith.constant 0 : i32
      %dma_start3A_307 = arith.constant 0 : i32
      %dma_start3A_308 = tpu.memref_slice %arg8[%dma_start3A_305, %dma_start3A_306, %dma_start3A_307] : memref<2x128x128xf32, #tpu.memory_space<vmem>> -> memref<1x128x128xf32, #tpu.memory_space<vmem>>
      %dma_start3A_309 = tpu.memref_squeeze %dma_start3A_308 : memref<1x128x128xf32, #tpu.memory_space<vmem>> -> memref<128x128xf32, #tpu.memory_space<vmem>>
      %dma_start3A_310 = arith.constant 0 : i32
      %dma_start3A_311 = tpu.memref_slice %arg7[%add3A_241, %dma_start3A_310] : memref<40x128xi32, #tpu.memory_space<vmem>> -> memref<1x128xi32, #tpu.memory_space<vmem>>
      %dma_start3A_312 = tpu.memref_squeeze %dma_start3A_311 : memref<1x128xi32, #tpu.memory_space<vmem>> -> memref<128xi32, #tpu.memory_space<vmem>>
      %dma_start3A_313 = arith.constant 0 : i32
      %dma_start3A_314 = arith.constant 0 : i32
      %dma_start3A_315 = tpu.memref_slice %arg9[%dma_start3A_313, %dma_start3A_314] : memref<10240x128xf32, #tpu.memory_space<vmem_shared>> -> memref<10240x128xf32, #tpu.memory_space<vmem_shared>>
      tpu.enqueue_indirect_dma source(%dma_start3A_309 : memref<128x128xf32, #tpu.memory_space<vmem>>) target(%dma_start3A_315 : memref<10240x128xf32, #tpu.memory_space<vmem_shared>>) offsets(%dma_start3A_312 : memref<128xi32, #tpu.memory_space<vmem>>) semaphore(%arg13 : memref<!tpu.dma_semaphore, #tpu.memory_space<semaphore_mem>>) {add = true}
      %scan3A_316 = arith.constant 0 : i32
      scf.yield %scan3A_316 : i32
    }
    %scan3A_180 = arith.constant 20 : i32
    %dma_wait3A_181 = arith.constant 1 : i32
    %dma_wait3A_182 = arith.constant 1 : i32
    %dma_wait3A_183 = arith.constant 0 : i32
    %dma_wait3A_184 = arith.constant 0 : i32
    %dma_wait3A_185 = tpu.memref_slice %arg8[%dma_wait3A_181, %dma_wait3A_183, %dma_wait3A_184] : memref<2x128x128xf32, #tpu.memory_space<vmem>> -> memref<1x128x128xf32, #tpu.memory_space<vmem>>
    %dma_wait3A_186 = tpu.memref_squeeze %dma_wait3A_185 : memref<1x128x128xf32, #tpu.memory_space<vmem>> -> memref<128x128xf32, #tpu.memory_space<vmem>>
    %dma_wait3A_187 = arith.constant 0 : i32
    %dma_wait3A_188 = tpu.memref_slice %arg7[%dma_wait3A_182, %dma_wait3A_187] : memref<40x128xi32, #tpu.memory_space<vmem>> -> memref<1x128xi32, #tpu.memory_space<vmem>>
    %dma_wait3A_189 = tpu.memref_squeeze %dma_wait3A_188 : memref<1x128xi32, #tpu.memory_space<vmem>> -> memref<128xi32, #tpu.memory_space<vmem>>
    %dma_wait3A_190 = arith.constant 0 : i32
    %dma_wait3A_191 = arith.constant 0 : i32
    %dma_wait3A_192 = tpu.memref_slice %arg9[%dma_wait3A_190, %dma_wait3A_191] : memref<10240x128xf32, #tpu.memory_space<vmem_shared>> -> memref<10240x128xf32, #tpu.memory_space<vmem_shared>>
    tpu.wait_indirect_dma semaphore(%arg13 : memref<!tpu.dma_semaphore, #tpu.memory_space<semaphore_mem>>) src(%dma_wait3A_186 : memref<128x128xf32, #tpu.memory_space<vmem>>) dst(%dma_wait3A_192 : memref<10240x128xf32, #tpu.memory_space<vmem_shared>>)
    %add3A_193 = arith.constant 40 : i32
    %add3A_194 = arith.addi %mul3A_157, %add3A_193 : i32
    "tpu.region"() ({
      %run_scoped3A = tpu.sem_alloc : memref<!tpu.dma_semaphore, #tpu.memory_space<semaphore_mem>>
      %dma_start3A_236 = arith.constant 0 : i32
      %dma_start3A_237 = tpu.memref_slice %arg3[%add3A_194, %dma_start3A_236] : memref<2560x128xi32, #tpu.memory_space<hbm>> -> memref<40x128xi32, #tpu.memory_space<hbm>>
      %dma_start3A_238 = arith.constant 0 : i32
      %dma_start3A_239 = tpu.memref_slice %arg3[%add3A_194, %dma_start3A_238] : memref<2560x128xi32, #tpu.memory_space<hbm>> -> memref<40x128xi32, #tpu.memory_space<hbm>>
      tpu.enqueue_dma source(%dma_start3A_239 : memref<40x128xi32, #tpu.memory_space<hbm>>) target(%arg6 : memref<40x128xi32, #tpu.memory_space<vmem>>) target_semaphore(%run_scoped3A : memref<!tpu.dma_semaphore, #tpu.memory_space<semaphore_mem>>)
      %dma_wait3A_240 = arith.constant 0 : i32
      %dma_wait3A_241 = tpu.memref_slice %arg3[%add3A_194, %dma_wait3A_240] : memref<2560x128xi32, #tpu.memory_space<hbm>> -> memref<40x128xi32, #tpu.memory_space<hbm>>
      %dma_wait3A_242 = arith.constant 0 : i32
      %dma_wait3A_243 = tpu.memref_slice %arg3[%add3A_194, %dma_wait3A_242] : memref<2560x128xi32, #tpu.memory_space<hbm>> -> memref<40x128xi32, #tpu.memory_space<hbm>>
      tpu.wait_dma2 semaphore(%run_scoped3A : memref<!tpu.dma_semaphore, #tpu.memory_space<semaphore_mem>>) src(%dma_wait3A_243 : memref<40x128xi32, #tpu.memory_space<hbm>>) dst(%arg6 : memref<40x128xi32, #tpu.memory_space<vmem>>)
      tpu.yield
    }) : () -> ()
    %add3A_195 = arith.constant 40 : i32
    %add3A_196 = arith.addi %mul3A_157, %add3A_195 : i32
    "tpu.region"() ({
      %run_scoped3A = tpu.sem_alloc : memref<!tpu.dma_semaphore, #tpu.memory_space<semaphore_mem>>
      %dma_start3A_236 = arith.constant 0 : i32
      %dma_start3A_237 = tpu.memref_slice %arg4[%add3A_196, %dma_start3A_236] : memref<2560x128xi32, #tpu.memory_space<hbm>> -> memref<40x128xi32, #tpu.memory_space<hbm>>
      %dma_start3A_238 = arith.constant 0 : i32
      %dma_start3A_239 = tpu.memref_slice %arg4[%add3A_196, %dma_start3A_238] : memref<2560x128xi32, #tpu.memory_space<hbm>> -> memref<40x128xi32, #tpu.memory_space<hbm>>
      tpu.enqueue_dma source(%dma_start3A_239 : memref<40x128xi32, #tpu.memory_space<hbm>>) target(%arg7 : memref<40x128xi32, #tpu.memory_space<vmem>>) target_semaphore(%run_scoped3A : memref<!tpu.dma_semaphore, #tpu.memory_space<semaphore_mem>>)
      %dma_wait3A_240 = arith.constant 0 : i32
      %dma_wait3A_241 = tpu.memref_slice %arg4[%add3A_196, %dma_wait3A_240] : memref<2560x128xi32, #tpu.memory_space<hbm>> -> memref<40x128xi32, #tpu.memory_space<hbm>>
      %dma_wait3A_242 = arith.constant 0 : i32
      %dma_wait3A_243 = tpu.memref_slice %arg4[%add3A_196, %dma_wait3A_242] : memref<2560x128xi32, #tpu.memory_space<hbm>> -> memref<40x128xi32, #tpu.memory_space<hbm>>
      tpu.wait_dma2 semaphore(%run_scoped3A : memref<!tpu.dma_semaphore, #tpu.memory_space<semaphore_mem>>) src(%dma_wait3A_243 : memref<40x128xi32, #tpu.memory_space<hbm>>) dst(%arg7 : memref<40x128xi32, #tpu.memory_space<vmem>>)
      tpu.yield
    }) : () -> ()
    %dma_start3A_197 = arith.constant 0 : i32
    %dma_start3A_198 = arith.constant 0 : i32
    %dma_start3A_199 = arith.constant 0 : i32
    %dma_start3A_200 = arith.constant 0 : i32
    %dma_start3A_201 = tpu.memref_slice %arg8[%dma_start3A_198, %dma_start3A_199, %dma_start3A_200] : memref<2x128x128xf32, #tpu.memory_space<vmem>> -> memref<1x128x128xf32, #tpu.memory_space<vmem>>
    %dma_start3A_202 = tpu.memref_squeeze %dma_start3A_201 : memref<1x128x128xf32, #tpu.memory_space<vmem>> -> memref<128x128xf32, #tpu.memory_space<vmem>>
    %dma_start3A_203 = arith.constant 0 : i32
    %dma_start3A_204 = tpu.memref_slice %arg6[%dma_start3A_197, %dma_start3A_203] : memref<40x128xi32, #tpu.memory_space<vmem>> -> memref<1x128xi32, #tpu.memory_space<vmem>>
    %dma_start3A_205 = tpu.memref_squeeze %dma_start3A_204 : memref<1x128xi32, #tpu.memory_space<vmem>> -> memref<128xi32, #tpu.memory_space<vmem>>
    %dma_start3A_206 = arith.constant 0 : i32
    %dma_start3A_207 = arith.constant 0 : i32
    %dma_start3A_208 = tpu.memref_slice %arg2[%dma_start3A_206, %dma_start3A_207] : memref<10240x128xf32, #tpu.memory_space<hbm>> -> memref<10240x128xf32, #tpu.memory_space<hbm>>
    tpu.enqueue_indirect_dma source(%dma_start3A_208 : memref<10240x128xf32, #tpu.memory_space<hbm>>) target(%dma_start3A_202 : memref<128x128xf32, #tpu.memory_space<vmem>>) offsets(%dma_start3A_205 : memref<128xi32, #tpu.memory_space<vmem>>) semaphore(%arg10 : memref<!tpu.dma_semaphore, #tpu.memory_space<semaphore_mem>>)
    %scan3A_209 = arith.constant 0 : i32
    %scan3A_210 = arith.constant 0 : i32
    %scan3A_211 = arith.constant 20 : i32
    %scan3A_212 = arith.addi %scan3A_210, %scan3A_211 : i32
    %scan3A_213 = arith.constant 1 : i32
    %scan3A_214 = scf.for %scan3A_236 = %scan3A_210 to %scan3A_212 step %scan3A_213 iter_args(%scan3A_237 = %scan3A_209) -> (i32)  : i32 {
      %mul3A_238 = arith.constant 2 : i32
      %mul3A_239 = arith.muli %mul3A_238, %scan3A_236 : i32
      %add3A_240 = arith.constant 1 : i32
      %add3A_241 = arith.addi %mul3A_239, %add3A_240 : i32
      %gt3A = arith.constant 0 : i32
      %gt3A_242 = arith.cmpi sgt, %scan3A_236, %gt3A : i32
      %convert_element_type3A = arith.extui %gt3A_242 : i1 to i32
      %cond3A = arith.constant 0 : i32
      %cond3A_243 = arith.cmpi ne, %convert_element_type3A, %cond3A : i32
      scf.if %cond3A_243 {
        %dma_wait3A_317 = arith.constant 1 : i32
        %dma_wait3A_318 = arith.constant 0 : i32
        %dma_wait3A_319 = arith.constant 0 : i32
        %dma_wait3A_320 = tpu.memref_slice %arg8[%dma_wait3A_317, %dma_wait3A_318, %dma_wait3A_319] : memref<2x128x128xf32, #tpu.memory_space<vmem>> -> memref<1x128x128xf32, #tpu.memory_space<vmem>>
        %dma_wait3A_321 = tpu.memref_squeeze %dma_wait3A_320 : memref<1x128x128xf32, #tpu.memory_space<vmem>> -> memref<128x128xf32, #tpu.memory_space<vmem>>
        %dma_wait3A_322 = arith.constant 0 : i32
        %dma_wait3A_323 = tpu.memref_slice %arg7[%add3A_241, %dma_wait3A_322] : memref<40x128xi32, #tpu.memory_space<vmem>> -> memref<1x128xi32, #tpu.memory_space<vmem>>
        %dma_wait3A_324 = tpu.memref_squeeze %dma_wait3A_323 : memref<1x128xi32, #tpu.memory_space<vmem>> -> memref<128xi32, #tpu.memory_space<vmem>>
        %dma_wait3A_325 = arith.constant 0 : i32
        %dma_wait3A_326 = arith.constant 0 : i32
        %dma_wait3A_327 = tpu.memref_slice %arg9[%dma_wait3A_325, %dma_wait3A_326] : memref<10240x128xf32, #tpu.memory_space<vmem_shared>> -> memref<10240x128xf32, #tpu.memory_space<vmem_shared>>
        tpu.wait_indirect_dma semaphore(%arg13 : memref<!tpu.dma_semaphore, #tpu.memory_space<semaphore_mem>>) src(%dma_wait3A_321 : memref<128x128xf32, #tpu.memory_space<vmem>>) dst(%dma_wait3A_327 : memref<10240x128xf32, #tpu.memory_space<vmem_shared>>)
      } else {
      }
      %dma_start3A_244 = arith.constant 1 : i32
      %dma_start3A_245 = arith.constant 0 : i32
      %dma_start3A_246 = arith.constant 0 : i32
      %dma_start3A_247 = tpu.memref_slice %arg8[%dma_start3A_244, %dma_start3A_245, %dma_start3A_246] : memref<2x128x128xf32, #tpu.memory_space<vmem>> -> memref<1x128x128xf32, #tpu.memory_space<vmem>>
      %dma_start3A_248 = tpu.memref_squeeze %dma_start3A_247 : memref<1x128x128xf32, #tpu.memory_space<vmem>> -> memref<128x128xf32, #tpu.memory_space<vmem>>
      %dma_start3A_249 = arith.constant 0 : i32
      %dma_start3A_250 = tpu.memref_slice %arg6[%add3A_241, %dma_start3A_249] : memref<40x128xi32, #tpu.memory_space<vmem>> -> memref<1x128xi32, #tpu.memory_space<vmem>>
      %dma_start3A_251 = tpu.memref_squeeze %dma_start3A_250 : memref<1x128xi32, #tpu.memory_space<vmem>> -> memref<128xi32, #tpu.memory_space<vmem>>
      %dma_start3A_252 = arith.constant 0 : i32
      %dma_start3A_253 = arith.constant 0 : i32
      %dma_start3A_254 = tpu.memref_slice %arg2[%dma_start3A_252, %dma_start3A_253] : memref<10240x128xf32, #tpu.memory_space<hbm>> -> memref<10240x128xf32, #tpu.memory_space<hbm>>
      tpu.enqueue_indirect_dma source(%dma_start3A_254 : memref<10240x128xf32, #tpu.memory_space<hbm>>) target(%dma_start3A_248 : memref<128x128xf32, #tpu.memory_space<vmem>>) offsets(%dma_start3A_251 : memref<128xi32, #tpu.memory_space<vmem>>) semaphore(%arg11 : memref<!tpu.dma_semaphore, #tpu.memory_space<semaphore_mem>>)
      %dma_wait3A_255 = arith.constant 0 : i32
      %dma_wait3A_256 = arith.constant 0 : i32
      %dma_wait3A_257 = arith.constant 0 : i32
      %dma_wait3A_258 = tpu.memref_slice %arg8[%dma_wait3A_255, %dma_wait3A_256, %dma_wait3A_257] : memref<2x128x128xf32, #tpu.memory_space<vmem>> -> memref<1x128x128xf32, #tpu.memory_space<vmem>>
      %dma_wait3A_259 = tpu.memref_squeeze %dma_wait3A_258 : memref<1x128x128xf32, #tpu.memory_space<vmem>> -> memref<128x128xf32, #tpu.memory_space<vmem>>
      %dma_wait3A_260 = arith.constant 0 : i32
      %dma_wait3A_261 = tpu.memref_slice %arg6[%mul3A_239, %dma_wait3A_260] : memref<40x128xi32, #tpu.memory_space<vmem>> -> memref<1x128xi32, #tpu.memory_space<vmem>>
      %dma_wait3A_262 = tpu.memref_squeeze %dma_wait3A_261 : memref<1x128xi32, #tpu.memory_space<vmem>> -> memref<128xi32, #tpu.memory_space<vmem>>
      %dma_wait3A_263 = arith.constant 0 : i32
      %dma_wait3A_264 = arith.constant 0 : i32
      %dma_wait3A_265 = tpu.memref_slice %arg2[%dma_wait3A_263, %dma_wait3A_264] : memref<10240x128xf32, #tpu.memory_space<hbm>> -> memref<10240x128xf32, #tpu.memory_space<hbm>>
      tpu.wait_indirect_dma semaphore(%arg10 : memref<!tpu.dma_semaphore, #tpu.memory_space<semaphore_mem>>) src(%dma_wait3A_265 : memref<10240x128xf32, #tpu.memory_space<hbm>>) dst(%dma_wait3A_259 : memref<128x128xf32, #tpu.memory_space<vmem>>)
      %dma_start3A_266 = arith.constant 0 : i32
      %dma_start3A_267 = arith.constant 0 : i32
      %dma_start3A_268 = arith.constant 0 : i32
      %dma_start3A_269 = tpu.memref_slice %arg8[%dma_start3A_266, %dma_start3A_267, %dma_start3A_268] : memref<2x128x128xf32, #tpu.memory_space<vmem>> -> memref<1x128x128xf32, #tpu.memory_space<vmem>>
      %dma_start3A_270 = tpu.memref_squeeze %dma_start3A_269 : memref<1x128x128xf32, #tpu.memory_space<vmem>> -> memref<128x128xf32, #tpu.memory_space<vmem>>
      %dma_start3A_271 = arith.constant 0 : i32
      %dma_start3A_272 = tpu.memref_slice %arg7[%mul3A_239, %dma_start3A_271] : memref<40x128xi32, #tpu.memory_space<vmem>> -> memref<1x128xi32, #tpu.memory_space<vmem>>
      %dma_start3A_273 = tpu.memref_squeeze %dma_start3A_272 : memref<1x128xi32, #tpu.memory_space<vmem>> -> memref<128xi32, #tpu.memory_space<vmem>>
      %dma_start3A_274 = arith.constant 0 : i32
      %dma_start3A_275 = arith.constant 0 : i32
      %dma_start3A_276 = tpu.memref_slice %arg9[%dma_start3A_274, %dma_start3A_275] : memref<10240x128xf32, #tpu.memory_space<vmem_shared>> -> memref<10240x128xf32, #tpu.memory_space<vmem_shared>>
      tpu.enqueue_indirect_dma source(%dma_start3A_270 : memref<128x128xf32, #tpu.memory_space<vmem>>) target(%dma_start3A_276 : memref<10240x128xf32, #tpu.memory_space<vmem_shared>>) offsets(%dma_start3A_273 : memref<128xi32, #tpu.memory_space<vmem>>) semaphore(%arg12 : memref<!tpu.dma_semaphore, #tpu.memory_space<semaphore_mem>>) {add = true}
      %dma_wait3A_277 = arith.constant 1 : i32
      %dma_wait3A_278 = arith.constant 0 : i32
      %dma_wait3A_279 = arith.constant 0 : i32
      %dma_wait3A_280 = tpu.memref_slice %arg8[%dma_wait3A_277, %dma_wait3A_278, %dma_wait3A_279] : memref<2x128x128xf32, #tpu.memory_space<vmem>> -> memref<1x128x128xf32, #tpu.memory_space<vmem>>
      %dma_wait3A_281 = tpu.memref_squeeze %dma_wait3A_280 : memref<1x128x128xf32, #tpu.memory_space<vmem>> -> memref<128x128xf32, #tpu.memory_space<vmem>>
      %dma_wait3A_282 = arith.constant 0 : i32
      %dma_wait3A_283 = tpu.memref_slice %arg6[%add3A_241, %dma_wait3A_282] : memref<40x128xi32, #tpu.memory_space<vmem>> -> memref<1x128xi32, #tpu.memory_space<vmem>>
      %dma_wait3A_284 = tpu.memref_squeeze %dma_wait3A_283 : memref<1x128xi32, #tpu.memory_space<vmem>> -> memref<128xi32, #tpu.memory_space<vmem>>
      %dma_wait3A_285 = arith.constant 0 : i32
      %dma_wait3A_286 = arith.constant 0 : i32
      %dma_wait3A_287 = tpu.memref_slice %arg2[%dma_wait3A_285, %dma_wait3A_286] : memref<10240x128xf32, #tpu.memory_space<hbm>> -> memref<10240x128xf32, #tpu.memory_space<hbm>>
      tpu.wait_indirect_dma semaphore(%arg11 : memref<!tpu.dma_semaphore, #tpu.memory_space<semaphore_mem>>) src(%dma_wait3A_287 : memref<10240x128xf32, #tpu.memory_space<hbm>>) dst(%dma_wait3A_281 : memref<128x128xf32, #tpu.memory_space<vmem>>)
      %dma_wait3A_288 = arith.constant 0 : i32
      %dma_wait3A_289 = arith.constant 0 : i32
      %dma_wait3A_290 = arith.constant 0 : i32
      %dma_wait3A_291 = tpu.memref_slice %arg8[%dma_wait3A_288, %dma_wait3A_289, %dma_wait3A_290] : memref<2x128x128xf32, #tpu.memory_space<vmem>> -> memref<1x128x128xf32, #tpu.memory_space<vmem>>
      %dma_wait3A_292 = tpu.memref_squeeze %dma_wait3A_291 : memref<1x128x128xf32, #tpu.memory_space<vmem>> -> memref<128x128xf32, #tpu.memory_space<vmem>>
      %dma_wait3A_293 = arith.constant 0 : i32
      %dma_wait3A_294 = tpu.memref_slice %arg7[%mul3A_239, %dma_wait3A_293] : memref<40x128xi32, #tpu.memory_space<vmem>> -> memref<1x128xi32, #tpu.memory_space<vmem>>
      %dma_wait3A_295 = tpu.memref_squeeze %dma_wait3A_294 : memref<1x128xi32, #tpu.memory_space<vmem>> -> memref<128xi32, #tpu.memory_space<vmem>>
      %dma_wait3A_296 = arith.constant 0 : i32
      %dma_wait3A_297 = arith.constant 0 : i32
      %dma_wait3A_298 = tpu.memref_slice %arg9[%dma_wait3A_296, %dma_wait3A_297] : memref<10240x128xf32, #tpu.memory_space<vmem_shared>> -> memref<10240x128xf32, #tpu.memory_space<vmem_shared>>
      tpu.wait_indirect_dma semaphore(%arg12 : memref<!tpu.dma_semaphore, #tpu.memory_space<semaphore_mem>>) src(%dma_wait3A_292 : memref<128x128xf32, #tpu.memory_space<vmem>>) dst(%dma_wait3A_298 : memref<10240x128xf32, #tpu.memory_space<vmem_shared>>)
      %add3A_299 = arith.constant 2 : i32
      %add3A_300 = arith.addi %mul3A_239, %add3A_299 : i32
      %lt3A = arith.constant 40 : i32
      %lt3A_301 = arith.cmpi slt, %add3A_300, %lt3A : i32
      %convert_element_type3A_302 = arith.extui %lt3A_301 : i1 to i32
      %cond3A_303 = arith.constant 0 : i32
      %cond3A_304 = arith.cmpi ne, %convert_element_type3A_302, %cond3A_303 : i32
      scf.if %cond3A_304 {
        %add3A_317 = arith.constant 2 : i32
        %add3A_318 = arith.addi %mul3A_239, %add3A_317 : i32
        %dma_start3A_319 = arith.constant 0 : i32
        %dma_start3A_320 = arith.constant 0 : i32
        %dma_start3A_321 = arith.constant 0 : i32
        %dma_start3A_322 = tpu.memref_slice %arg8[%dma_start3A_319, %dma_start3A_320, %dma_start3A_321] : memref<2x128x128xf32, #tpu.memory_space<vmem>> -> memref<1x128x128xf32, #tpu.memory_space<vmem>>
        %dma_start3A_323 = tpu.memref_squeeze %dma_start3A_322 : memref<1x128x128xf32, #tpu.memory_space<vmem>> -> memref<128x128xf32, #tpu.memory_space<vmem>>
        %dma_start3A_324 = arith.constant 0 : i32
        %dma_start3A_325 = tpu.memref_slice %arg6[%add3A_318, %dma_start3A_324] : memref<40x128xi32, #tpu.memory_space<vmem>> -> memref<1x128xi32, #tpu.memory_space<vmem>>
        %dma_start3A_326 = tpu.memref_squeeze %dma_start3A_325 : memref<1x128xi32, #tpu.memory_space<vmem>> -> memref<128xi32, #tpu.memory_space<vmem>>
        %dma_start3A_327 = arith.constant 0 : i32
        %dma_start3A_328 = arith.constant 0 : i32
        %dma_start3A_329 = tpu.memref_slice %arg2[%dma_start3A_327, %dma_start3A_328] : memref<10240x128xf32, #tpu.memory_space<hbm>> -> memref<10240x128xf32, #tpu.memory_space<hbm>>
        tpu.enqueue_indirect_dma source(%dma_start3A_329 : memref<10240x128xf32, #tpu.memory_space<hbm>>) target(%dma_start3A_323 : memref<128x128xf32, #tpu.memory_space<vmem>>) offsets(%dma_start3A_326 : memref<128xi32, #tpu.memory_space<vmem>>) semaphore(%arg10 : memref<!tpu.dma_semaphore, #tpu.memory_space<semaphore_mem>>)
      } else {
      }
      %dma_start3A_305 = arith.constant 1 : i32
      %dma_start3A_306 = arith.constant 0 : i32
      %dma_start3A_307 = arith.constant 0 : i32
      %dma_start3A_308 = tpu.memref_slice %arg8[%dma_start3A_305, %dma_start3A_306, %dma_start3A_307] : memref<2x128x128xf32, #tpu.memory_space<vmem>> -> memref<1x128x128xf32, #tpu.memory_space<vmem>>
      %dma_start3A_309 = tpu.memref_squeeze %dma_start3A_308 : memref<1x128x128xf32, #tpu.memory_space<vmem>> -> memref<128x128xf32, #tpu.memory_space<vmem>>
      %dma_start3A_310 = arith.constant 0 : i32
      %dma_start3A_311 = tpu.memref_slice %arg7[%add3A_241, %dma_start3A_310] : memref<40x128xi32, #tpu.memory_space<vmem>> -> memref<1x128xi32, #tpu.memory_space<vmem>>
      %dma_start3A_312 = tpu.memref_squeeze %dma_start3A_311 : memref<1x128xi32, #tpu.memory_space<vmem>> -> memref<128xi32, #tpu.memory_space<vmem>>
      %dma_start3A_313 = arith.constant 0 : i32
      %dma_start3A_314 = arith.constant 0 : i32
      %dma_start3A_315 = tpu.memref_slice %arg9[%dma_start3A_313, %dma_start3A_314] : memref<10240x128xf32, #tpu.memory_space<vmem_shared>> -> memref<10240x128xf32, #tpu.memory_space<vmem_shared>>
      tpu.enqueue_indirect_dma source(%dma_start3A_309 : memref<128x128xf32, #tpu.memory_space<vmem>>) target(%dma_start3A_315 : memref<10240x128xf32, #tpu.memory_space<vmem_shared>>) offsets(%dma_start3A_312 : memref<128xi32, #tpu.memory_space<vmem>>) semaphore(%arg13 : memref<!tpu.dma_semaphore, #tpu.memory_space<semaphore_mem>>) {add = true}
      %scan3A_316 = arith.constant 0 : i32
      scf.yield %scan3A_316 : i32
    }
    %scan3A_215 = arith.constant 20 : i32
    %dma_wait3A_216 = arith.constant 1 : i32
    %dma_wait3A_217 = arith.constant 1 : i32
    %dma_wait3A_218 = arith.constant 0 : i32
    %dma_wait3A_219 = arith.constant 0 : i32
    %dma_wait3A_220 = tpu.memref_slice %arg8[%dma_wait3A_216, %dma_wait3A_218, %dma_wait3A_219] : memref<2x128x128xf32, #tpu.memory_space<vmem>> -> memref<1x128x128xf32, #tpu.memory_space<vmem>>
    %dma_wait3A_221 = tpu.memref_squeeze %dma_wait3A_220 : memref<1x128x128xf32, #tpu.memory_space<vmem>> -> memref<128x128xf32, #tpu.memory_space<vmem>>
    %dma_wait3A_222 = arith.constant 0 : i32
    %dma_wait3A_223 = tpu.memref_slice %arg7[%dma_wait3A_217, %dma_wait3A_222] : memref<40x128xi32, #tpu.memory_space<vmem>> -> memref<1x128xi32, #tpu.memory_space<vmem>>
    %dma_wait3A_224 = tpu.memref_squeeze %dma_wait3A_223 : memref<1x128xi32, #tpu.memory_space<vmem>> -> memref<128xi32, #tpu.memory_space<vmem>>
    %dma_wait3A_225 = arith.constant 0 : i32
    %dma_wait3A_226 = arith.constant 0 : i32
    %dma_wait3A_227 = tpu.memref_slice %arg9[%dma_wait3A_225, %dma_wait3A_226] : memref<10240x128xf32, #tpu.memory_space<vmem_shared>> -> memref<10240x128xf32, #tpu.memory_space<vmem_shared>>
    tpu.wait_indirect_dma semaphore(%arg13 : memref<!tpu.dma_semaphore, #tpu.memory_space<semaphore_mem>>) src(%dma_wait3A_221 : memref<128x128xf32, #tpu.memory_space<vmem>>) dst(%dma_wait3A_227 : memref<10240x128xf32, #tpu.memory_space<vmem_shared>>)
    %barrier3A_228 = arith.constant 0 : index
    tpu.barrier barrier_id(%barrier3A_228)
    %mul3A_229 = arith.constant 10240 : i32
    %mul3A_230 = arith.muli %arg0, %mul3A_229 : i32
    %mul3A_231 = arith.constant 640 : i32
    %mul3A_232 = arith.muli %arg1, %mul3A_231 : i32
    %add3A_233 = arith.addi %mul3A_230, %mul3A_232 : i32
    %mul3A_234 = arith.constant 640 : i32
    %mul3A_235 = arith.muli %arg1, %mul3A_234 : i32
    "tpu.region"() ({
      %run_scoped3A = tpu.sem_alloc : memref<!tpu.dma_semaphore, #tpu.memory_space<semaphore_mem>>
      %dma_start3A_236 = arith.constant 0 : i32
      %dma_start3A_237 = tpu.memref_slice %arg5[%add3A_233, %dma_start3A_236] : memref<20480x128xf32, #tpu.memory_space<hbm>> -> memref<640x128xf32, #tpu.memory_space<hbm>>
      %dma_start3A_238 = arith.constant 0 : i32
      %dma_start3A_239 = tpu.memref_slice %arg9[%mul3A_235, %dma_start3A_238] : memref<10240x128xf32, #tpu.memory_space<vmem_shared>> -> memref<640x128xf32, #tpu.memory_space<vmem_shared>>
      tpu.enqueue_dma source(%dma_start3A_239 : memref<640x128xf32, #tpu.memory_space<vmem_shared>>) target(%dma_start3A_237 : memref<640x128xf32, #tpu.memory_space<hbm>>) target_semaphore(%run_scoped3A : memref<!tpu.dma_semaphore, #tpu.memory_space<semaphore_mem>>)
      %dma_wait3A_240 = arith.constant 0 : i32
      %dma_wait3A_241 = tpu.memref_slice %arg5[%add3A_233, %dma_wait3A_240] : memref<20480x128xf32, #tpu.memory_space<hbm>> -> memref<640x128xf32, #tpu.memory_space<hbm>>
      %dma_wait3A_242 = arith.constant 0 : i32
      %dma_wait3A_243 = tpu.memref_slice %arg9[%mul3A_235, %dma_wait3A_242] : memref<10240x128xf32, #tpu.memory_space<vmem_shared>> -> memref<640x128xf32, #tpu.memory_space<vmem_shared>>
      tpu.wait_dma2 semaphore(%run_scoped3A : memref<!tpu.dma_semaphore, #tpu.memory_space<semaphore_mem>>) src(%dma_wait3A_243 : memref<640x128xf32, #tpu.memory_space<vmem_shared>>) dst(%dma_wait3A_241 : memref<640x128xf32, #tpu.memory_space<hbm>>)
      tpu.yield
    }) : () -> ()
    return
  }
}

#map = affine_map<(d0, d1) -> (0, 0)>
module attributes {stable_mosaic.version = 14 : i64} {
  func.func @_hop_kernel(%arg0: i32, %arg1: i32, %arg2: memref<10240x128xf32, #tpu.memory_space<hbm>>, %arg3: memref<2560x128xi32, #tpu.memory_space<hbm>>, %arg4: memref<2560x128xi32, #tpu.memory_space<hbm>>, %arg5: memref<20480x128xf32, #tpu.memory_space<hbm>>, %arg6: memref<40x128xi32, #tpu.memory_space<vmem>>, %arg7: memref<40x128xi32, #tpu.memory_space<vmem>>, %arg8: memref<2x128x128xf32, #tpu.memory_space<vmem>>, %arg9: memref<10240x128xf32, #tpu.memory_space<vmem_shared>>, %arg10: memref<!tpu.dma_semaphore, #tpu.memory_space<semaphore_mem>>, %arg11: memref<!tpu.dma_semaphore, #tpu.memory_space<semaphore_mem>>, %arg12: memref<!tpu.dma_semaphore, #tpu.memory_space<semaphore_mem>>, %arg13: memref<!tpu.dma_semaphore, #tpu.memory_space<semaphore_mem>>) attributes {dimension_semantics = [#tpu.dimension_semantics<core_parallel>, #tpu.dimension_semantics<subcore_parallel>], iteration_bounds = array<i64: 2, 16>, scalar_prefetch = 0 : i64, scratch_operands = 8 : i64, tpu.core_type = #tpu.core_type<sc_vector_subcore>, window_params = [{transform_indices = #map}, {transform_indices = #map}, {transform_indices = #map}, {transform_indices = #map}]} {
    %broadcast_in_dim3A = arith.constant 0.000000e+00 : f32
    %broadcast_in_dim3A_0 = vector.broadcast %broadcast_in_dim3A : f32 to vector<16xf32>
    %scan3A = arith.constant 0 : i32
    %scan3A_1 = arith.constant 0 : i32
    %scan3A_2 = arith.constant 128 : i32
    %scan3A_3 = arith.addi %scan3A_1, %scan3A_2 : i32
    %scan3A_4 = arith.constant 1 : i32
    %scan3A_5 = scf.for %scan3A_236 = %scan3A_1 to %scan3A_3 step %scan3A_4 iter_args(%scan3A_237 = %scan3A) -> (i32)  : i32 {
      %swap3A = arith.constant 0 : i32
      %swap3A_238 = arith.index_cast %swap3A : i32 to index
      %swap3A_239 = arith.index_cast %scan3A_236 : i32 to index
      %swap3A_240 = arith.constant 0 : index
      %swap3A_241 = tpu.vector_load %arg8[%swap3A_238, %swap3A_239, %swap3A_240] {strides = array<i32>} : memref<2x128x128xf32, #tpu.memory_space<vmem>>, vector<1x1x16xf32>,
      %swap3A_242 = vector.shape_cast %swap3A_241 : vector<1x1x16xf32> to vector<16xf32>
      %swap3A_243 = vector.shape_cast %broadcast_in_dim3A_0 : vector<16xf32> to vector<1x1x16xf32>
      tpu.vector_store %arg8[%swap3A_238, %swap3A_239, %swap3A_240], %swap3A_243 {strides = array<i32>} : memref<2x128x128xf32, #tpu.memory_space<vmem>>, vector<1x1x16xf32>,
      %swap3A_244 = arith.constant 0 : i32
      %swap3A_245 = arith.index_cast %swap3A_244 : i32 to index
      %swap3A_246 = arith.index_cast %scan3A_236 : i32 to index
      %swap3A_247 = arith.constant 16 : index
      %swap3A_248 = tpu.vector_load %arg8[%swap3A_245, %swap3A_246, %swap3A_247] {strides = array<i32>} : memref<2x128x128xf32, #tpu.memory_space<vmem>>, vector<1x1x16xf32>,
      %swap3A_249 = vector.shape_cast %swap3A_248 : vector<1x1x16xf32> to vector<16xf32>
      %swap3A_250 = vector.shape_cast %broadcast_in_dim3A_0 : vector<16xf32> to vector<1x1x16xf32>
      tpu.vector_store %arg8[%swap3A_245, %swap3A_246, %swap3A_247], %swap3A_250 {strides = array<i32>} : memref<2x128x128xf32, #tpu.memory_space<vmem>>, vector<1x1x16xf32>,
      %swap3A_251 = arith.constant 0 : i32
      %swap3A_252 = arith.index_cast %swap3A_251 : i32 to index
      %swap3A_253 = arith.index_cast %scan3A_236 : i32 to index
      %swap3A_254 = arith.constant 32 : index
      %swap3A_255 = tpu.vector_load %arg8[%swap3A_252, %swap3A_253, %swap3A_254] {strides = array<i32>} : memref<2x128x128xf32, #tpu.memory_space<vmem>>, vector<1x1x16xf32>,
      %swap3A_256 = vector.shape_cast %swap3A_255 : vector<1x1x16xf32> to vector<16xf32>
      %swap3A_257 = vector.shape_cast %broadcast_in_dim3A_0 : vector<16xf32> to vector<1x1x16xf32>
      tpu.vector_store %arg8[%swap3A_252, %swap3A_253, %swap3A_254], %swap3A_257 {strides = array<i32>} : memref<2x128x128xf32, #tpu.memory_space<vmem>>, vector<1x1x16xf32>,
      %swap3A_258 = arith.constant 0 : i32
      %swap3A_259 = arith.index_cast %swap3A_258 : i32 to index
      %swap3A_260 = arith.index_cast %scan3A_236 : i32 to index
      %swap3A_261 = arith.constant 48 : index
      %swap3A_262 = tpu.vector_load %arg8[%swap3A_259, %swap3A_260, %swap3A_261] {strides = array<i32>} : memref<2x128x128xf32, #tpu.memory_space<vmem>>, vector<1x1x16xf32>,
      %swap3A_263 = vector.shape_cast %swap3A_262 : vector<1x1x16xf32> to vector<16xf32>
      %swap3A_264 = vector.shape_cast %broadcast_in_dim3A_0 : vector<16xf32> to vector<1x1x16xf32>
      tpu.vector_store %arg8[%swap3A_259, %swap3A_260, %swap3A_261], %swap3A_264 {strides = array<i32>} : memref<2x128x128xf32, #tpu.memory_space<vmem>>, vector<1x1x16xf32>,
      %swap3A_265 = arith.constant 0 : i32
      %swap3A_266 = arith.index_cast %swap3A_265 : i32 to index
      %swap3A_267 = arith.index_cast %scan3A_236 : i32 to index
      %swap3A_268 = arith.constant 64 : index
      %swap3A_269 = tpu.vector_load %arg8[%swap3A_266, %swap3A_267, %swap3A_268] {strides = array<i32>} : memref<2x128x128xf32, #tpu.memory_space<vmem>>, vector<1x1x16xf32>,
      %swap3A_270 = vector.shape_cast %swap3A_269 : vector<1x1x16xf32> to vector<16xf32>
      %swap3A_271 = vector.shape_cast %broadcast_in_dim3A_0 : vector<16xf32> to vector<1x1x16xf32>
      tpu.vector_store %arg8[%swap3A_266, %swap3A_267, %swap3A_268], %swap3A_271 {strides = array<i32>} : memref<2x128x128xf32, #tpu.memory_space<vmem>>, vector<1x1x16xf32>,
      %swap3A_272 = arith.constant 0 : i32
      %swap3A_273 = arith.index_cast %swap3A_272 : i32 to index
      %swap3A_274 = arith.index_cast %scan3A_236 : i32 to index
      %swap3A_275 = arith.constant 80 : index
      %swap3A_276 = tpu.vector_load %arg8[%swap3A_273, %swap3A_274, %swap3A_275] {strides = array<i32>} : memref<2x128x128xf32, #tpu.memory_space<vmem>>, vector<1x1x16xf32>,
      %swap3A_277 = vector.shape_cast %swap3A_276 : vector<1x1x16xf32> to vector<16xf32>
      %swap3A_278 = vector.shape_cast %broadcast_in_dim3A_0 : vector<16xf32> to vector<1x1x16xf32>
      tpu.vector_store %arg8[%swap3A_273, %swap3A_274, %swap3A_275], %swap3A_278 {strides = array<i32>} : memref<2x128x128xf32, #tpu.memory_space<vmem>>, vector<1x1x16xf32>,
      %swap3A_279 = arith.constant 0 : i32
      %swap3A_280 = arith.index_cast %swap3A_279 : i32 to index
      %swap3A_281 = arith.index_cast %scan3A_236 : i32 to index
      %swap3A_282 = arith.constant 96 : index
      %swap3A_283 = tpu.vector_load %arg8[%swap3A_280, %swap3A_281, %swap3A_282] {strides = array<i32>} : memref<2x128x128xf32, #tpu.memory_space<vmem>>, vector<1x1x16xf32>,
      %swap3A_284 = vector.shape_cast %swap3A_283 : vector<1x1x16xf32> to vector<16xf32>
      %swap3A_285 = vector.shape_cast %broadcast_in_dim3A_0 : vector<16xf32> to vector<1x1x16xf32>
      tpu.vector_store %arg8[%swap3A_280, %swap3A_281, %swap3A_282], %swap3A_285 {strides = array<i32>} : memref<2x128x128xf32, #tpu.memory_space<vmem>>, vector<1x1x16xf32>,
      %swap3A_286 = arith.constant 0 : i32
      %swap3A_287 = arith.index_cast %swap3A_286 : i32 to index
      %swap3A_288 = arith.index_cast %scan3A_236 : i32 to index
      %swap3A_289 = arith.constant 112 : index
      %swap3A_290 = tpu.vector_load %arg8[%swap3A_287, %swap3A_288, %swap3A_289] {strides = array<i32>} : memref<2x128x128xf32, #tpu.memory_space<vmem>>, vector<1x1x16xf32>,
      %swap3A_291 = vector.shape_cast %swap3A_290 : vector<1x1x16xf32> to vector<16xf32>
      %swap3A_292 = vector.shape_cast %broadcast_in_dim3A_0 : vector<16xf32> to vector<1x1x16xf32>
      tpu.vector_store %arg8[%swap3A_287, %swap3A_288, %swap3A_289], %swap3A_292 {strides = array<i32>} : memref<2x128x128xf32, #tpu.memory_space<vmem>>, vector<1x1x16xf32>,
      %scan3A_293 = arith.constant 0 : i32
      scf.yield %scan3A_293 : i32
    }
    %scan3A_6 = arith.constant 128 : i32
    %mul3A = arith.constant 640 : i32
    %mul3A_7 = arith.muli %arg1, %mul3A : i32
    %add3A = arith.constant 0 : i32
    %add3A_8 = arith.addi %mul3A_7, %add3A : i32
    %dma_start3A = arith.constant 0 : i32
    %dma_start3A_9 = arith.constant 0 : i32
    %dma_start3A_10 = arith.constant 0 : i32
    %dma_start3A_11 = tpu.memref_slice %arg8[%dma_start3A, %dma_start3A_9, %dma_start3A_10] : memref<2x128x128xf32, #tpu.memory_space<vmem>> -> memref<1x128x128xf32, #tpu.memory_space<vmem>>
    %dma_start3A_12 = tpu.memref_squeeze %dma_start3A_11 : memref<1x128x128xf32, #tpu.memory_space<vmem>> -> memref<128x128xf32, #tpu.memory_space<vmem>>
    %dma_start3A_13 = arith.constant 0 : i32
    %dma_start3A_14 = tpu.memref_slice %arg9[%add3A_8, %dma_start3A_13] : memref<10240x128xf32, #tpu.memory_space<vmem_shared>> -> memref<128x128xf32, #tpu.memory_space<vmem_shared>>
    %dma_start3A_15 = arith.constant 0 : i32
    %dma_start3A_16 = tpu.memref_slice %arg9[%add3A_8, %dma_start3A_15] : memref<10240x128xf32, #tpu.memory_space<vmem_shared>> -> memref<128x128xf32, #tpu.memory_space<vmem_shared>>
    %dma_start3A_17 = arith.constant 0 : i32
    %dma_start3A_18 = arith.constant 0 : i32
    %dma_start3A_19 = tpu.memref_slice %arg8[%dma_start3A, %dma_start3A_17, %dma_start3A_18] : memref<2x128x128xf32, #tpu.memory_space<vmem>> -> memref<1x128x128xf32, #tpu.memory_space<vmem>>
    %dma_start3A_20 = tpu.memref_squeeze %dma_start3A_19 : memref<1x128x128xf32, #tpu.memory_space<vmem>> -> memref<128x128xf32, #tpu.memory_space<vmem>>
    tpu.enqueue_dma source(%dma_start3A_20 : memref<128x128xf32, #tpu.memory_space<vmem>>) target(%dma_start3A_16 : memref<128x128xf32, #tpu.memory_space<vmem_shared>>) target_semaphore(%arg10 : memref<!tpu.dma_semaphore, #tpu.memory_space<semaphore_mem>>)
    %mul3A_21 = arith.constant 640 : i32
    %mul3A_22 = arith.muli %arg1, %mul3A_21 : i32
    %add3A_23 = arith.constant 128 : i32
    %add3A_24 = arith.addi %mul3A_22, %add3A_23 : i32
    %dma_start3A_25 = arith.constant 0 : i32
    %dma_start3A_26 = arith.constant 0 : i32
    %dma_start3A_27 = arith.constant 0 : i32
    %dma_start3A_28 = tpu.memref_slice %arg8[%dma_start3A_25, %dma_start3A_26, %dma_start3A_27] : memref<2x128x128xf32, #tpu.memory_space<vmem>> -> memref<1x128x128xf32, #tpu.memory_space<vmem>>
    %dma_start3A_29 = tpu.memref_squeeze %dma_start3A_28 : memref<1x128x128xf32, #tpu.memory_space<vmem>> -> memref<128x128xf32, #tpu.memory_space<vmem>>
    %dma_start3A_30 = arith.constant 0 : i32
    %dma_start3A_31 = tpu.memref_slice %arg9[%add3A_24, %dma_start3A_30] : memref<10240x128xf32, #tpu.memory_space<vmem_shared>> -> memref<128x128xf32, #tpu.memory_space<vmem_shared>>
    %dma_start3A_32 = arith.constant 0 : i32
    %dma_start3A_33 = tpu.memref_slice %arg9[%add3A_24, %dma_start3A_32] : memref<10240x128xf32, #tpu.memory_space<vmem_shared>> -> memref<128x128xf32, #tpu.memory_space<vmem_shared>>
    %dma_start3A_34 = arith.constant 0 : i32
    %dma_start3A_35 = arith.constant 0 : i32
    %dma_start3A_36 = tpu.memref_slice %arg8[%dma_start3A_25, %dma_start3A_34, %dma_start3A_35] : memref<2x128x128xf32, #tpu.memory_space<vmem>> -> memref<1x128x128xf32, #tpu.memory_space<vmem>>
    %dma_start3A_37 = tpu.memref_squeeze %dma_start3A_36 : memref<1x128x128xf32, #tpu.memory_space<vmem>> -> memref<128x128xf32, #tpu.memory_space<vmem>>
    tpu.enqueue_dma source(%dma_start3A_37 : memref<128x128xf32, #tpu.memory_space<vmem>>) target(%dma_start3A_33 : memref<128x128xf32, #tpu.memory_space<vmem_shared>>) target_semaphore(%arg10 : memref<!tpu.dma_semaphore, #tpu.memory_space<semaphore_mem>>)
    %mul3A_38 = arith.constant 640 : i32
    %mul3A_39 = arith.muli %arg1, %mul3A_38 : i32
    %add3A_40 = arith.constant 256 : i32
    %add3A_41 = arith.addi %mul3A_39, %add3A_40 : i32
    %dma_start3A_42 = arith.constant 0 : i32
    %dma_start3A_43 = arith.constant 0 : i32
    %dma_start3A_44 = arith.constant 0 : i32
    %dma_start3A_45 = tpu.memref_slice %arg8[%dma_start3A_42, %dma_start3A_43, %dma_start3A_44] : memref<2x128x128xf32, #tpu.memory_space<vmem>> -> memref<1x128x128xf32, #tpu.memory_space<vmem>>
    %dma_start3A_46 = tpu.memref_squeeze %dma_start3A_45 : memref<1x128x128xf32, #tpu.memory_space<vmem>> -> memref<128x128xf32, #tpu.memory_space<vmem>>
    %dma_start3A_47 = arith.constant 0 : i32
    %dma_start3A_48 = tpu.memref_slice %arg9[%add3A_41, %dma_start3A_47] : memref<10240x128xf32, #tpu.memory_space<vmem_shared>> -> memref<128x128xf32, #tpu.memory_space<vmem_shared>>
    %dma_start3A_49 = arith.constant 0 : i32
    %dma_start3A_50 = tpu.memref_slice %arg9[%add3A_41, %dma_start3A_49] : memref<10240x128xf32, #tpu.memory_space<vmem_shared>> -> memref<128x128xf32, #tpu.memory_space<vmem_shared>>
    %dma_start3A_51 = arith.constant 0 : i32
    %dma_start3A_52 = arith.constant 0 : i32
    %dma_start3A_53 = tpu.memref_slice %arg8[%dma_start3A_42, %dma_start3A_51, %dma_start3A_52] : memref<2x128x128xf32, #tpu.memory_space<vmem>> -> memref<1x128x128xf32, #tpu.memory_space<vmem>>
    %dma_start3A_54 = tpu.memref_squeeze %dma_start3A_53 : memref<1x128x128xf32, #tpu.memory_space<vmem>> -> memref<128x128xf32, #tpu.memory_space<vmem>>
    tpu.enqueue_dma source(%dma_start3A_54 : memref<128x128xf32, #tpu.memory_space<vmem>>) target(%dma_start3A_50 : memref<128x128xf32, #tpu.memory_space<vmem_shared>>) target_semaphore(%arg10 : memref<!tpu.dma_semaphore, #tpu.memory_space<semaphore_mem>>)
    %mul3A_55 = arith.constant 640 : i32
    %mul3A_56 = arith.muli %arg1, %mul3A_55 : i32
    %add3A_57 = arith.constant 384 : i32
    %add3A_58 = arith.addi %mul3A_56, %add3A_57 : i32
    %dma_start3A_59 = arith.constant 0 : i32
    %dma_start3A_60 = arith.constant 0 : i32
    %dma_start3A_61 = arith.constant 0 : i32
    %dma_start3A_62 = tpu.memref_slice %arg8[%dma_start3A_59, %dma_start3A_60, %dma_start3A_61] : memref<2x128x128xf32, #tpu.memory_space<vmem>> -> memref<1x128x128xf32, #tpu.memory_space<vmem>>
    %dma_start3A_63 = tpu.memref_squeeze %dma_start3A_62 : memref<1x128x128xf32, #tpu.memory_space<vmem>> -> memref<128x128xf32, #tpu.memory_space<vmem>>
    %dma_start3A_64 = arith.constant 0 : i32
    %dma_start3A_65 = tpu.memref_slice %arg9[%add3A_58, %dma_start3A_64] : memref<10240x128xf32, #tpu.memory_space<vmem_shared>> -> memref<128x128xf32, #tpu.memory_space<vmem_shared>>
    %dma_start3A_66 = arith.constant 0 : i32
    %dma_start3A_67 = tpu.memref_slice %arg9[%add3A_58, %dma_start3A_66] : memref<10240x128xf32, #tpu.memory_space<vmem_shared>> -> memref<128x128xf32, #tpu.memory_space<vmem_shared>>
    %dma_start3A_68 = arith.constant 0 : i32
    %dma_start3A_69 = arith.constant 0 : i32
    %dma_start3A_70 = tpu.memref_slice %arg8[%dma_start3A_59, %dma_start3A_68, %dma_start3A_69] : memref<2x128x128xf32, #tpu.memory_space<vmem>> -> memref<1x128x128xf32, #tpu.memory_space<vmem>>
    %dma_start3A_71 = tpu.memref_squeeze %dma_start3A_70 : memref<1x128x128xf32, #tpu.memory_space<vmem>> -> memref<128x128xf32, #tpu.memory_space<vmem>>
    tpu.enqueue_dma source(%dma_start3A_71 : memref<128x128xf32, #tpu.memory_space<vmem>>) target(%dma_start3A_67 : memref<128x128xf32, #tpu.memory_space<vmem_shared>>) target_semaphore(%arg10 : memref<!tpu.dma_semaphore, #tpu.memory_space<semaphore_mem>>)
    %mul3A_72 = arith.constant 640 : i32
    %mul3A_73 = arith.muli %arg1, %mul3A_72 : i32
    %add3A_74 = arith.constant 512 : i32
    %add3A_75 = arith.addi %mul3A_73, %add3A_74 : i32
    %dma_start3A_76 = arith.constant 0 : i32
    %dma_start3A_77 = arith.constant 0 : i32
    %dma_start3A_78 = arith.constant 0 : i32
    %dma_start3A_79 = tpu.memref_slice %arg8[%dma_start3A_76, %dma_start3A_77, %dma_start3A_78] : memref<2x128x128xf32, #tpu.memory_space<vmem>> -> memref<1x128x128xf32, #tpu.memory_space<vmem>>
    %dma_start3A_80 = tpu.memref_squeeze %dma_start3A_79 : memref<1x128x128xf32, #tpu.memory_space<vmem>> -> memref<128x128xf32, #tpu.memory_space<vmem>>
    %dma_start3A_81 = arith.constant 0 : i32
    %dma_start3A_82 = tpu.memref_slice %arg9[%add3A_75, %dma_start3A_81] : memref<10240x128xf32, #tpu.memory_space<vmem_shared>> -> memref<128x128xf32, #tpu.memory_space<vmem_shared>>
    %dma_start3A_83 = arith.constant 0 : i32
    %dma_start3A_84 = tpu.memref_slice %arg9[%add3A_75, %dma_start3A_83] : memref<10240x128xf32, #tpu.memory_space<vmem_shared>> -> memref<128x128xf32, #tpu.memory_space<vmem_shared>>
    %dma_start3A_85 = arith.constant 0 : i32
    %dma_start3A_86 = arith.constant 0 : i32
    %dma_start3A_87 = tpu.memref_slice %arg8[%dma_start3A_76, %dma_start3A_85, %dma_start3A_86] : memref<2x128x128xf32, #tpu.memory_space<vmem>> -> memref<1x128x128xf32, #tpu.memory_space<vmem>>
    %dma_start3A_88 = tpu.memref_squeeze %dma_start3A_87 : memref<1x128x128xf32, #tpu.memory_space<vmem>> -> memref<128x128xf32, #tpu.memory_space<vmem>>
    tpu.enqueue_dma source(%dma_start3A_88 : memref<128x128xf32, #tpu.memory_space<vmem>>) target(%dma_start3A_84 : memref<128x128xf32, #tpu.memory_space<vmem_shared>>) target_semaphore(%arg10 : memref<!tpu.dma_semaphore, #tpu.memory_space<semaphore_mem>>)
    %dma_wait3A = arith.constant 0 : i32
    %dma_wait3A_89 = arith.constant 0 : i32
    %dma_wait3A_90 = arith.constant 0 : i32
    %dma_wait3A_91 = tpu.memref_slice %arg8[%dma_wait3A, %dma_wait3A_89, %dma_wait3A_90] : memref<2x128x128xf32, #tpu.memory_space<vmem>> -> memref<1x128x128xf32, #tpu.memory_space<vmem>>
    %dma_wait3A_92 = tpu.memref_squeeze %dma_wait3A_91 : memref<1x128x128xf32, #tpu.memory_space<vmem>> -> memref<128x128xf32, #tpu.memory_space<vmem>>
    %dma_wait3A_93 = arith.constant 0 : i32
    %dma_wait3A_94 = tpu.memref_slice %arg9[%add3A_8, %dma_wait3A_93] : memref<10240x128xf32, #tpu.memory_space<vmem_shared>> -> memref<128x128xf32, #tpu.memory_space<vmem_shared>>
    %dma_wait3A_95 = arith.constant 0 : i32
    %dma_wait3A_96 = tpu.memref_slice %arg9[%add3A_8, %dma_wait3A_95] : memref<10240x128xf32, #tpu.memory_space<vmem_shared>> -> memref<128x128xf32, #tpu.memory_space<vmem_shared>>
    %dma_wait3A_97 = arith.constant 0 : i32
    %dma_wait3A_98 = arith.constant 0 : i32
    %dma_wait3A_99 = tpu.memref_slice %arg8[%dma_wait3A, %dma_wait3A_97, %dma_wait3A_98] : memref<2x128x128xf32, #tpu.memory_space<vmem>> -> memref<1x128x128xf32, #tpu.memory_space<vmem>>
    %dma_wait3A_100 = tpu.memref_squeeze %dma_wait3A_99 : memref<1x128x128xf32, #tpu.memory_space<vmem>> -> memref<128x128xf32, #tpu.memory_space<vmem>>
    tpu.wait_dma2 semaphore(%arg10 : memref<!tpu.dma_semaphore, #tpu.memory_space<semaphore_mem>>) src(%dma_wait3A_100 : memref<128x128xf32, #tpu.memory_space<vmem>>) dst(%dma_wait3A_96 : memref<128x128xf32, #tpu.memory_space<vmem_shared>>)
    %dma_wait3A_101 = arith.constant 0 : i32
    %dma_wait3A_102 = arith.constant 0 : i32
    %dma_wait3A_103 = arith.constant 0 : i32
    %dma_wait3A_104 = tpu.memref_slice %arg8[%dma_wait3A_101, %dma_wait3A_102, %dma_wait3A_103] : memref<2x128x128xf32, #tpu.memory_space<vmem>> -> memref<1x128x128xf32, #tpu.memory_space<vmem>>
    %dma_wait3A_105 = tpu.memref_squeeze %dma_wait3A_104 : memref<1x128x128xf32, #tpu.memory_space<vmem>> -> memref<128x128xf32, #tpu.memory_space<vmem>>
    %dma_wait3A_106 = arith.constant 0 : i32
    %dma_wait3A_107 = tpu.memref_slice %arg9[%add3A_24, %dma_wait3A_106] : memref<10240x128xf32, #tpu.memory_space<vmem_shared>> -> memref<128x128xf32, #tpu.memory_space<vmem_shared>>
    %dma_wait3A_108 = arith.constant 0 : i32
    %dma_wait3A_109 = tpu.memref_slice %arg9[%add3A_24, %dma_wait3A_108] : memref<10240x128xf32, #tpu.memory_space<vmem_shared>> -> memref<128x128xf32, #tpu.memory_space<vmem_shared>>
    %dma_wait3A_110 = arith.constant 0 : i32
    %dma_wait3A_111 = arith.constant 0 : i32
    %dma_wait3A_112 = tpu.memref_slice %arg8[%dma_wait3A_101, %dma_wait3A_110, %dma_wait3A_111] : memref<2x128x128xf32, #tpu.memory_space<vmem>> -> memref<1x128x128xf32, #tpu.memory_space<vmem>>
    %dma_wait3A_113 = tpu.memref_squeeze %dma_wait3A_112 : memref<1x128x128xf32, #tpu.memory_space<vmem>> -> memref<128x128xf32, #tpu.memory_space<vmem>>
    tpu.wait_dma2 semaphore(%arg10 : memref<!tpu.dma_semaphore, #tpu.memory_space<semaphore_mem>>) src(%dma_wait3A_113 : memref<128x128xf32, #tpu.memory_space<vmem>>) dst(%dma_wait3A_109 : memref<128x128xf32, #tpu.memory_space<vmem_shared>>)
    %dma_wait3A_114 = arith.constant 0 : i32
    %dma_wait3A_115 = arith.constant 0 : i32
    %dma_wait3A_116 = arith.constant 0 : i32
    %dma_wait3A_117 = tpu.memref_slice %arg8[%dma_wait3A_114, %dma_wait3A_115, %dma_wait3A_116] : memref<2x128x128xf32, #tpu.memory_space<vmem>> -> memref<1x128x128xf32, #tpu.memory_space<vmem>>
    %dma_wait3A_118 = tpu.memref_squeeze %dma_wait3A_117 : memref<1x128x128xf32, #tpu.memory_space<vmem>> -> memref<128x128xf32, #tpu.memory_space<vmem>>
    %dma_wait3A_119 = arith.constant 0 : i32
    %dma_wait3A_120 = tpu.memref_slice %arg9[%add3A_41, %dma_wait3A_119] : memref<10240x128xf32, #tpu.memory_space<vmem_shared>> -> memref<128x128xf32, #tpu.memory_space<vmem_shared>>
    %dma_wait3A_121 = arith.constant 0 : i32
    %dma_wait3A_122 = tpu.memref_slice %arg9[%add3A_41, %dma_wait3A_121] : memref<10240x128xf32, #tpu.memory_space<vmem_shared>> -> memref<128x128xf32, #tpu.memory_space<vmem_shared>>
    %dma_wait3A_123 = arith.constant 0 : i32
    %dma_wait3A_124 = arith.constant 0 : i32
    %dma_wait3A_125 = tpu.memref_slice %arg8[%dma_wait3A_114, %dma_wait3A_123, %dma_wait3A_124] : memref<2x128x128xf32, #tpu.memory_space<vmem>> -> memref<1x128x128xf32, #tpu.memory_space<vmem>>
    %dma_wait3A_126 = tpu.memref_squeeze %dma_wait3A_125 : memref<1x128x128xf32, #tpu.memory_space<vmem>> -> memref<128x128xf32, #tpu.memory_space<vmem>>
    tpu.wait_dma2 semaphore(%arg10 : memref<!tpu.dma_semaphore, #tpu.memory_space<semaphore_mem>>) src(%dma_wait3A_126 : memref<128x128xf32, #tpu.memory_space<vmem>>) dst(%dma_wait3A_122 : memref<128x128xf32, #tpu.memory_space<vmem_shared>>)
    %dma_wait3A_127 = arith.constant 0 : i32
    %dma_wait3A_128 = arith.constant 0 : i32
    %dma_wait3A_129 = arith.constant 0 : i32
    %dma_wait3A_130 = tpu.memref_slice %arg8[%dma_wait3A_127, %dma_wait3A_128, %dma_wait3A_129] : memref<2x128x128xf32, #tpu.memory_space<vmem>> -> memref<1x128x128xf32, #tpu.memory_space<vmem>>
    %dma_wait3A_131 = tpu.memref_squeeze %dma_wait3A_130 : memref<1x128x128xf32, #tpu.memory_space<vmem>> -> memref<128x128xf32, #tpu.memory_space<vmem>>
    %dma_wait3A_132 = arith.constant 0 : i32
    %dma_wait3A_133 = tpu.memref_slice %arg9[%add3A_58, %dma_wait3A_132] : memref<10240x128xf32, #tpu.memory_space<vmem_shared>> -> memref<128x128xf32, #tpu.memory_space<vmem_shared>>
    %dma_wait3A_134 = arith.constant 0 : i32
    %dma_wait3A_135 = tpu.memref_slice %arg9[%add3A_58, %dma_wait3A_134] : memref<10240x128xf32, #tpu.memory_space<vmem_shared>> -> memref<128x128xf32, #tpu.memory_space<vmem_shared>>
    %dma_wait3A_136 = arith.constant 0 : i32
    %dma_wait3A_137 = arith.constant 0 : i32
    %dma_wait3A_138 = tpu.memref_slice %arg8[%dma_wait3A_127, %dma_wait3A_136, %dma_wait3A_137] : memref<2x128x128xf32, #tpu.memory_space<vmem>> -> memref<1x128x128xf32, #tpu.memory_space<vmem>>
    %dma_wait3A_139 = tpu.memref_squeeze %dma_wait3A_138 : memref<1x128x128xf32, #tpu.memory_space<vmem>> -> memref<128x128xf32, #tpu.memory_space<vmem>>
    tpu.wait_dma2 semaphore(%arg10 : memref<!tpu.dma_semaphore, #tpu.memory_space<semaphore_mem>>) src(%dma_wait3A_139 : memref<128x128xf32, #tpu.memory_space<vmem>>) dst(%dma_wait3A_135 : memref<128x128xf32, #tpu.memory_space<vmem_shared>>)
    %dma_wait3A_140 = arith.constant 0 : i32
    %dma_wait3A_141 = arith.constant 0 : i32
    %dma_wait3A_142 = arith.constant 0 : i32
    %dma_wait3A_143 = tpu.memref_slice %arg8[%dma_wait3A_140, %dma_wait3A_141, %dma_wait3A_142] : memref<2x128x128xf32, #tpu.memory_space<vmem>> -> memref<1x128x128xf32, #tpu.memory_space<vmem>>
    %dma_wait3A_144 = tpu.memref_squeeze %dma_wait3A_143 : memref<1x128x128xf32, #tpu.memory_space<vmem>> -> memref<128x128xf32, #tpu.memory_space<vmem>>
    %dma_wait3A_145 = arith.constant 0 : i32
    %dma_wait3A_146 = tpu.memref_slice %arg9[%add3A_75, %dma_wait3A_145] : memref<10240x128xf32, #tpu.memory_space<vmem_shared>> -> memref<128x128xf32, #tpu.memory_space<vmem_shared>>
    %dma_wait3A_147 = arith.constant 0 : i32
    %dma_wait3A_148 = tpu.memref_slice %arg9[%add3A_75, %dma_wait3A_147] : memref<10240x128xf32, #tpu.memory_space<vmem_shared>> -> memref<128x128xf32, #tpu.memory_space<vmem_shared>>
    %dma_wait3A_149 = arith.constant 0 : i32
    %dma_wait3A_150 = arith.constant 0 : i32
    %dma_wait3A_151 = tpu.memref_slice %arg8[%dma_wait3A_140, %dma_wait3A_149, %dma_wait3A_150] : memref<2x128x128xf32, #tpu.memory_space<vmem>> -> memref<1x128x128xf32, #tpu.memory_space<vmem>>
    %dma_wait3A_152 = tpu.memref_squeeze %dma_wait3A_151 : memref<1x128x128xf32, #tpu.memory_space<vmem>> -> memref<128x128xf32, #tpu.memory_space<vmem>>
    tpu.wait_dma2 semaphore(%arg10 : memref<!tpu.dma_semaphore, #tpu.memory_space<semaphore_mem>>) src(%dma_wait3A_152 : memref<128x128xf32, #tpu.memory_space<vmem>>) dst(%dma_wait3A_148 : memref<128x128xf32, #tpu.memory_space<vmem_shared>>)
    %mul3A_153 = arith.constant 16 : i32
    %mul3A_154 = arith.muli %arg0, %mul3A_153 : i32
    %add3A_155 = arith.addi %mul3A_154, %arg1 : i32
    %mul3A_156 = arith.constant 80 : i32
    %mul3A_157 = arith.muli %add3A_155, %mul3A_156 : i32
    %barrier3A = arith.constant 0 : index
    tpu.barrier barrier_id(%barrier3A)
    %add3A_158 = arith.constant 0 : i32
    %add3A_159 = arith.addi %mul3A_157, %add3A_158 : i32
    "tpu.region"() ({
      %run_scoped3A = tpu.sem_alloc : memref<!tpu.dma_semaphore, #tpu.memory_space<semaphore_mem>>
      %dma_start3A_236 = arith.constant 0 : i32
      %dma_start3A_237 = tpu.memref_slice %arg3[%add3A_159, %dma_start3A_236] : memref<2560x128xi32, #tpu.memory_space<hbm>> -> memref<40x128xi32, #tpu.memory_space<hbm>>
      %dma_start3A_238 = arith.constant 0 : i32
      %dma_start3A_239 = tpu.memref_slice %arg3[%add3A_159, %dma_start3A_238] : memref<2560x128xi32, #tpu.memory_space<hbm>> -> memref<40x128xi32, #tpu.memory_space<hbm>>
      tpu.enqueue_dma source(%dma_start3A_239 : memref<40x128xi32, #tpu.memory_space<hbm>>) target(%arg6 : memref<40x128xi32, #tpu.memory_space<vmem>>) target_semaphore(%run_scoped3A : memref<!tpu.dma_semaphore, #tpu.memory_space<semaphore_mem>>)
      %dma_wait3A_240 = arith.constant 0 : i32
      %dma_wait3A_241 = tpu.memref_slice %arg3[%add3A_159, %dma_wait3A_240] : memref<2560x128xi32, #tpu.memory_space<hbm>> -> memref<40x128xi32, #tpu.memory_space<hbm>>
      %dma_wait3A_242 = arith.constant 0 : i32
      %dma_wait3A_243 = tpu.memref_slice %arg3[%add3A_159, %dma_wait3A_242] : memref<2560x128xi32, #tpu.memory_space<hbm>> -> memref<40x128xi32, #tpu.memory_space<hbm>>
      tpu.wait_dma2 semaphore(%run_scoped3A : memref<!tpu.dma_semaphore, #tpu.memory_space<semaphore_mem>>) src(%dma_wait3A_243 : memref<40x128xi32, #tpu.memory_space<hbm>>) dst(%arg6 : memref<40x128xi32, #tpu.memory_space<vmem>>)
      tpu.yield
    }) : () -> ()
    %add3A_160 = arith.constant 0 : i32
    %add3A_161 = arith.addi %mul3A_157, %add3A_160 : i32
    "tpu.region"() ({
      %run_scoped3A = tpu.sem_alloc : memref<!tpu.dma_semaphore, #tpu.memory_space<semaphore_mem>>
      %dma_start3A_236 = arith.constant 0 : i32
      %dma_start3A_237 = tpu.memref_slice %arg4[%add3A_161, %dma_start3A_236] : memref<2560x128xi32, #tpu.memory_space<hbm>> -> memref<40x128xi32, #tpu.memory_space<hbm>>
      %dma_start3A_238 = arith.constant 0 : i32
      %dma_start3A_239 = tpu.memref_slice %arg4[%add3A_161, %dma_start3A_238] : memref<2560x128xi32, #tpu.memory_space<hbm>> -> memref<40x128xi32, #tpu.memory_space<hbm>>
      tpu.enqueue_dma source(%dma_start3A_239 : memref<40x128xi32, #tpu.memory_space<hbm>>) target(%arg7 : memref<40x128xi32, #tpu.memory_space<vmem>>) target_semaphore(%run_scoped3A : memref<!tpu.dma_semaphore, #tpu.memory_space<semaphore_mem>>)
      %dma_wait3A_240 = arith.constant 0 : i32
      %dma_wait3A_241 = tpu.memref_slice %arg4[%add3A_161, %dma_wait3A_240] : memref<2560x128xi32, #tpu.memory_space<hbm>> -> memref<40x128xi32, #tpu.memory_space<hbm>>
      %dma_wait3A_242 = arith.constant 0 : i32
      %dma_wait3A_243 = tpu.memref_slice %arg4[%add3A_161, %dma_wait3A_242] : memref<2560x128xi32, #tpu.memory_space<hbm>> -> memref<40x128xi32, #tpu.memory_space<hbm>>
      tpu.wait_dma2 semaphore(%run_scoped3A : memref<!tpu.dma_semaphore, #tpu.memory_space<semaphore_mem>>) src(%dma_wait3A_243 : memref<40x128xi32, #tpu.memory_space<hbm>>) dst(%arg7 : memref<40x128xi32, #tpu.memory_space<vmem>>)
      tpu.yield
    }) : () -> ()
    %dma_start3A_162 = arith.constant 0 : i32
    %dma_start3A_163 = arith.constant 0 : i32
    %dma_start3A_164 = arith.constant 0 : i32
    %dma_start3A_165 = arith.constant 0 : i32
    %dma_start3A_166 = tpu.memref_slice %arg8[%dma_start3A_163, %dma_start3A_164, %dma_start3A_165] : memref<2x128x128xf32, #tpu.memory_space<vmem>> -> memref<1x128x128xf32, #tpu.memory_space<vmem>>
    %dma_start3A_167 = tpu.memref_squeeze %dma_start3A_166 : memref<1x128x128xf32, #tpu.memory_space<vmem>> -> memref<128x128xf32, #tpu.memory_space<vmem>>
    %dma_start3A_168 = arith.constant 0 : i32
    %dma_start3A_169 = tpu.memref_slice %arg6[%dma_start3A_162, %dma_start3A_168] : memref<40x128xi32, #tpu.memory_space<vmem>> -> memref<1x128xi32, #tpu.memory_space<vmem>>
    %dma_start3A_170 = tpu.memref_squeeze %dma_start3A_169 : memref<1x128xi32, #tpu.memory_space<vmem>> -> memref<128xi32, #tpu.memory_space<vmem>>
    %dma_start3A_171 = arith.constant 0 : i32
    %dma_start3A_172 = arith.constant 0 : i32
    %dma_start3A_173 = tpu.memref_slice %arg2[%dma_start3A_171, %dma_start3A_172] : memref<10240x128xf32, #tpu.memory_space<hbm>> -> memref<10240x128xf32, #tpu.memory_space<hbm>>
    tpu.enqueue_indirect_dma source(%dma_start3A_173 : memref<10240x128xf32, #tpu.memory_space<hbm>>) target(%dma_start3A_167 : memref<128x128xf32, #tpu.memory_space<vmem>>) offsets(%dma_start3A_170 : memref<128xi32, #tpu.memory_space<vmem>>) semaphore(%arg10 : memref<!tpu.dma_semaphore, #tpu.memory_space<semaphore_mem>>)
    %scan3A_174 = arith.constant 0 : i32
    %scan3A_175 = arith.constant 0 : i32
    %scan3A_176 = arith.constant 20 : i32
    %scan3A_177 = arith.addi %scan3A_175, %scan3A_176 : i32
    %scan3A_178 = arith.constant 1 : i32
    %scan3A_179 = scf.for %scan3A_236 = %scan3A_175 to %scan3A_177 step %scan3A_178 iter_args(%scan3A_237 = %scan3A_174) -> (i32)  : i32 {
      %mul3A_238 = arith.constant 2 : i32
      %mul3A_239 = arith.muli %mul3A_238, %scan3A_236 : i32
      %add3A_240 = arith.constant 1 : i32
      %add3A_241 = arith.addi %mul3A_239, %add3A_240 : i32
      %gt3A = arith.constant 0 : i32
      %gt3A_242 = arith.cmpi sgt, %scan3A_236, %gt3A : i32
      %convert_element_type3A = arith.extui %gt3A_242 : i1 to i32
      %cond3A = arith.constant 0 : i32
      %cond3A_243 = arith.cmpi ne, %convert_element_type3A, %cond3A : i32
      scf.if %cond3A_243 {
        %dma_wait3A_317 = arith.constant 1 : i32
        %dma_wait3A_318 = arith.constant 0 : i32
        %dma_wait3A_319 = arith.constant 0 : i32
        %dma_wait3A_320 = tpu.memref_slice %arg8[%dma_wait3A_317, %dma_wait3A_318, %dma_wait3A_319] : memref<2x128x128xf32, #tpu.memory_space<vmem>> -> memref<1x128x128xf32, #tpu.memory_space<vmem>>
        %dma_wait3A_321 = tpu.memref_squeeze %dma_wait3A_320 : memref<1x128x128xf32, #tpu.memory_space<vmem>> -> memref<128x128xf32, #tpu.memory_space<vmem>>
        %dma_wait3A_322 = arith.constant 0 : i32
        %dma_wait3A_323 = tpu.memref_slice %arg7[%add3A_241, %dma_wait3A_322] : memref<40x128xi32, #tpu.memory_space<vmem>> -> memref<1x128xi32, #tpu.memory_space<vmem>>
        %dma_wait3A_324 = tpu.memref_squeeze %dma_wait3A_323 : memref<1x128xi32, #tpu.memory_space<vmem>> -> memref<128xi32, #tpu.memory_space<vmem>>
        %dma_wait3A_325 = arith.constant 0 : i32
        %dma_wait3A_326 = arith.constant 0 : i32
        %dma_wait3A_327 = tpu.memref_slice %arg9[%dma_wait3A_325, %dma_wait3A_326] : memref<10240x128xf32, #tpu.memory_space<vmem_shared>> -> memref<10240x128xf32, #tpu.memory_space<vmem_shared>>
        tpu.wait_indirect_dma semaphore(%arg13 : memref<!tpu.dma_semaphore, #tpu.memory_space<semaphore_mem>>) src(%dma_wait3A_321 : memref<128x128xf32, #tpu.memory_space<vmem>>) dst(%dma_wait3A_327 : memref<10240x128xf32, #tpu.memory_space<vmem_shared>>)
      } else {
      }
      %dma_start3A_244 = arith.constant 1 : i32
      %dma_start3A_245 = arith.constant 0 : i32
      %dma_start3A_246 = arith.constant 0 : i32
      %dma_start3A_247 = tpu.memref_slice %arg8[%dma_start3A_244, %dma_start3A_245, %dma_start3A_246] : memref<2x128x128xf32, #tpu.memory_space<vmem>> -> memref<1x128x128xf32, #tpu.memory_space<vmem>>
      %dma_start3A_248 = tpu.memref_squeeze %dma_start3A_247 : memref<1x128x128xf32, #tpu.memory_space<vmem>> -> memref<128x128xf32, #tpu.memory_space<vmem>>
      %dma_start3A_249 = arith.constant 0 : i32
      %dma_start3A_250 = tpu.memref_slice %arg6[%add3A_241, %dma_start3A_249] : memref<40x128xi32, #tpu.memory_space<vmem>> -> memref<1x128xi32, #tpu.memory_space<vmem>>
      %dma_start3A_251 = tpu.memref_squeeze %dma_start3A_250 : memref<1x128xi32, #tpu.memory_space<vmem>> -> memref<128xi32, #tpu.memory_space<vmem>>
      %dma_start3A_252 = arith.constant 0 : i32
      %dma_start3A_253 = arith.constant 0 : i32
      %dma_start3A_254 = tpu.memref_slice %arg2[%dma_start3A_252, %dma_start3A_253] : memref<10240x128xf32, #tpu.memory_space<hbm>> -> memref<10240x128xf32, #tpu.memory_space<hbm>>
      tpu.enqueue_indirect_dma source(%dma_start3A_254 : memref<10240x128xf32, #tpu.memory_space<hbm>>) target(%dma_start3A_248 : memref<128x128xf32, #tpu.memory_space<vmem>>) offsets(%dma_start3A_251 : memref<128xi32, #tpu.memory_space<vmem>>) semaphore(%arg11 : memref<!tpu.dma_semaphore, #tpu.memory_space<semaphore_mem>>)
      %dma_wait3A_255 = arith.constant 0 : i32
      %dma_wait3A_256 = arith.constant 0 : i32
      %dma_wait3A_257 = arith.constant 0 : i32
      %dma_wait3A_258 = tpu.memref_slice %arg8[%dma_wait3A_255, %dma_wait3A_256, %dma_wait3A_257] : memref<2x128x128xf32, #tpu.memory_space<vmem>> -> memref<1x128x128xf32, #tpu.memory_space<vmem>>
      %dma_wait3A_259 = tpu.memref_squeeze %dma_wait3A_258 : memref<1x128x128xf32, #tpu.memory_space<vmem>> -> memref<128x128xf32, #tpu.memory_space<vmem>>
      %dma_wait3A_260 = arith.constant 0 : i32
      %dma_wait3A_261 = tpu.memref_slice %arg6[%mul3A_239, %dma_wait3A_260] : memref<40x128xi32, #tpu.memory_space<vmem>> -> memref<1x128xi32, #tpu.memory_space<vmem>>
      %dma_wait3A_262 = tpu.memref_squeeze %dma_wait3A_261 : memref<1x128xi32, #tpu.memory_space<vmem>> -> memref<128xi32, #tpu.memory_space<vmem>>
      %dma_wait3A_263 = arith.constant 0 : i32
      %dma_wait3A_264 = arith.constant 0 : i32
      %dma_wait3A_265 = tpu.memref_slice %arg2[%dma_wait3A_263, %dma_wait3A_264] : memref<10240x128xf32, #tpu.memory_space<hbm>> -> memref<10240x128xf32, #tpu.memory_space<hbm>>
      tpu.wait_indirect_dma semaphore(%arg10 : memref<!tpu.dma_semaphore, #tpu.memory_space<semaphore_mem>>) src(%dma_wait3A_265 : memref<10240x128xf32, #tpu.memory_space<hbm>>) dst(%dma_wait3A_259 : memref<128x128xf32, #tpu.memory_space<vmem>>)
      %dma_start3A_266 = arith.constant 0 : i32
      %dma_start3A_267 = arith.constant 0 : i32
      %dma_start3A_268 = arith.constant 0 : i32
      %dma_start3A_269 = tpu.memref_slice %arg8[%dma_start3A_266, %dma_start3A_267, %dma_start3A_268] : memref<2x128x128xf32, #tpu.memory_space<vmem>> -> memref<1x128x128xf32, #tpu.memory_space<vmem>>
      %dma_start3A_270 = tpu.memref_squeeze %dma_start3A_269 : memref<1x128x128xf32, #tpu.memory_space<vmem>> -> memref<128x128xf32, #tpu.memory_space<vmem>>
      %dma_start3A_271 = arith.constant 0 : i32
      %dma_start3A_272 = tpu.memref_slice %arg7[%mul3A_239, %dma_start3A_271] : memref<40x128xi32, #tpu.memory_space<vmem>> -> memref<1x128xi32, #tpu.memory_space<vmem>>
      %dma_start3A_273 = tpu.memref_squeeze %dma_start3A_272 : memref<1x128xi32, #tpu.memory_space<vmem>> -> memref<128xi32, #tpu.memory_space<vmem>>
      %dma_start3A_274 = arith.constant 0 : i32
      %dma_start3A_275 = arith.constant 0 : i32
      %dma_start3A_276 = tpu.memref_slice %arg9[%dma_start3A_274, %dma_start3A_275] : memref<10240x128xf32, #tpu.memory_space<vmem_shared>> -> memref<10240x128xf32, #tpu.memory_space<vmem_shared>>
      tpu.enqueue_indirect_dma source(%dma_start3A_270 : memref<128x128xf32, #tpu.memory_space<vmem>>) target(%dma_start3A_276 : memref<10240x128xf32, #tpu.memory_space<vmem_shared>>) offsets(%dma_start3A_273 : memref<128xi32, #tpu.memory_space<vmem>>) semaphore(%arg12 : memref<!tpu.dma_semaphore, #tpu.memory_space<semaphore_mem>>) {add = true}
      %dma_wait3A_277 = arith.constant 1 : i32
      %dma_wait3A_278 = arith.constant 0 : i32
      %dma_wait3A_279 = arith.constant 0 : i32
      %dma_wait3A_280 = tpu.memref_slice %arg8[%dma_wait3A_277, %dma_wait3A_278, %dma_wait3A_279] : memref<2x128x128xf32, #tpu.memory_space<vmem>> -> memref<1x128x128xf32, #tpu.memory_space<vmem>>
      %dma_wait3A_281 = tpu.memref_squeeze %dma_wait3A_280 : memref<1x128x128xf32, #tpu.memory_space<vmem>> -> memref<128x128xf32, #tpu.memory_space<vmem>>
      %dma_wait3A_282 = arith.constant 0 : i32
      %dma_wait3A_283 = tpu.memref_slice %arg6[%add3A_241, %dma_wait3A_282] : memref<40x128xi32, #tpu.memory_space<vmem>> -> memref<1x128xi32, #tpu.memory_space<vmem>>
      %dma_wait3A_284 = tpu.memref_squeeze %dma_wait3A_283 : memref<1x128xi32, #tpu.memory_space<vmem>> -> memref<128xi32, #tpu.memory_space<vmem>>
      %dma_wait3A_285 = arith.constant 0 : i32
      %dma_wait3A_286 = arith.constant 0 : i32
      %dma_wait3A_287 = tpu.memref_slice %arg2[%dma_wait3A_285, %dma_wait3A_286] : memref<10240x128xf32, #tpu.memory_space<hbm>> -> memref<10240x128xf32, #tpu.memory_space<hbm>>
      tpu.wait_indirect_dma semaphore(%arg11 : memref<!tpu.dma_semaphore, #tpu.memory_space<semaphore_mem>>) src(%dma_wait3A_287 : memref<10240x128xf32, #tpu.memory_space<hbm>>) dst(%dma_wait3A_281 : memref<128x128xf32, #tpu.memory_space<vmem>>)
      %dma_wait3A_288 = arith.constant 0 : i32
      %dma_wait3A_289 = arith.constant 0 : i32
      %dma_wait3A_290 = arith.constant 0 : i32
      %dma_wait3A_291 = tpu.memref_slice %arg8[%dma_wait3A_288, %dma_wait3A_289, %dma_wait3A_290] : memref<2x128x128xf32, #tpu.memory_space<vmem>> -> memref<1x128x128xf32, #tpu.memory_space<vmem>>
      %dma_wait3A_292 = tpu.memref_squeeze %dma_wait3A_291 : memref<1x128x128xf32, #tpu.memory_space<vmem>> -> memref<128x128xf32, #tpu.memory_space<vmem>>
      %dma_wait3A_293 = arith.constant 0 : i32
      %dma_wait3A_294 = tpu.memref_slice %arg7[%mul3A_239, %dma_wait3A_293] : memref<40x128xi32, #tpu.memory_space<vmem>> -> memref<1x128xi32, #tpu.memory_space<vmem>>
      %dma_wait3A_295 = tpu.memref_squeeze %dma_wait3A_294 : memref<1x128xi32, #tpu.memory_space<vmem>> -> memref<128xi32, #tpu.memory_space<vmem>>
      %dma_wait3A_296 = arith.constant 0 : i32
      %dma_wait3A_297 = arith.constant 0 : i32
      %dma_wait3A_298 = tpu.memref_slice %arg9[%dma_wait3A_296, %dma_wait3A_297] : memref<10240x128xf32, #tpu.memory_space<vmem_shared>> -> memref<10240x128xf32, #tpu.memory_space<vmem_shared>>
      tpu.wait_indirect_dma semaphore(%arg12 : memref<!tpu.dma_semaphore, #tpu.memory_space<semaphore_mem>>) src(%dma_wait3A_292 : memref<128x128xf32, #tpu.memory_space<vmem>>) dst(%dma_wait3A_298 : memref<10240x128xf32, #tpu.memory_space<vmem_shared>>)
      %add3A_299 = arith.constant 2 : i32
      %add3A_300 = arith.addi %mul3A_239, %add3A_299 : i32
      %lt3A = arith.constant 40 : i32
      %lt3A_301 = arith.cmpi slt, %add3A_300, %lt3A : i32
      %convert_element_type3A_302 = arith.extui %lt3A_301 : i1 to i32
      %cond3A_303 = arith.constant 0 : i32
      %cond3A_304 = arith.cmpi ne, %convert_element_type3A_302, %cond3A_303 : i32
      scf.if %cond3A_304 {
        %add3A_317 = arith.constant 2 : i32
        %add3A_318 = arith.addi %mul3A_239, %add3A_317 : i32
        %dma_start3A_319 = arith.constant 0 : i32
        %dma_start3A_320 = arith.constant 0 : i32
        %dma_start3A_321 = arith.constant 0 : i32
        %dma_start3A_322 = tpu.memref_slice %arg8[%dma_start3A_319, %dma_start3A_320, %dma_start3A_321] : memref<2x128x128xf32, #tpu.memory_space<vmem>> -> memref<1x128x128xf32, #tpu.memory_space<vmem>>
        %dma_start3A_323 = tpu.memref_squeeze %dma_start3A_322 : memref<1x128x128xf32, #tpu.memory_space<vmem>> -> memref<128x128xf32, #tpu.memory_space<vmem>>
        %dma_start3A_324 = arith.constant 0 : i32
        %dma_start3A_325 = tpu.memref_slice %arg6[%add3A_318, %dma_start3A_324] : memref<40x128xi32, #tpu.memory_space<vmem>> -> memref<1x128xi32, #tpu.memory_space<vmem>>
        %dma_start3A_326 = tpu.memref_squeeze %dma_start3A_325 : memref<1x128xi32, #tpu.memory_space<vmem>> -> memref<128xi32, #tpu.memory_space<vmem>>
        %dma_start3A_327 = arith.constant 0 : i32
        %dma_start3A_328 = arith.constant 0 : i32
        %dma_start3A_329 = tpu.memref_slice %arg2[%dma_start3A_327, %dma_start3A_328] : memref<10240x128xf32, #tpu.memory_space<hbm>> -> memref<10240x128xf32, #tpu.memory_space<hbm>>
        tpu.enqueue_indirect_dma source(%dma_start3A_329 : memref<10240x128xf32, #tpu.memory_space<hbm>>) target(%dma_start3A_323 : memref<128x128xf32, #tpu.memory_space<vmem>>) offsets(%dma_start3A_326 : memref<128xi32, #tpu.memory_space<vmem>>) semaphore(%arg10 : memref<!tpu.dma_semaphore, #tpu.memory_space<semaphore_mem>>)
      } else {
      }
      %dma_start3A_305 = arith.constant 1 : i32
      %dma_start3A_306 = arith.constant 0 : i32
      %dma_start3A_307 = arith.constant 0 : i32
      %dma_start3A_308 = tpu.memref_slice %arg8[%dma_start3A_305, %dma_start3A_306, %dma_start3A_307] : memref<2x128x128xf32, #tpu.memory_space<vmem>> -> memref<1x128x128xf32, #tpu.memory_space<vmem>>
      %dma_start3A_309 = tpu.memref_squeeze %dma_start3A_308 : memref<1x128x128xf32, #tpu.memory_space<vmem>> -> memref<128x128xf32, #tpu.memory_space<vmem>>
      %dma_start3A_310 = arith.constant 0 : i32
      %dma_start3A_311 = tpu.memref_slice %arg7[%add3A_241, %dma_start3A_310] : memref<40x128xi32, #tpu.memory_space<vmem>> -> memref<1x128xi32, #tpu.memory_space<vmem>>
      %dma_start3A_312 = tpu.memref_squeeze %dma_start3A_311 : memref<1x128xi32, #tpu.memory_space<vmem>> -> memref<128xi32, #tpu.memory_space<vmem>>
      %dma_start3A_313 = arith.constant 0 : i32
      %dma_start3A_314 = arith.constant 0 : i32
      %dma_start3A_315 = tpu.memref_slice %arg9[%dma_start3A_313, %dma_start3A_314] : memref<10240x128xf32, #tpu.memory_space<vmem_shared>> -> memref<10240x128xf32, #tpu.memory_space<vmem_shared>>
      tpu.enqueue_indirect_dma source(%dma_start3A_309 : memref<128x128xf32, #tpu.memory_space<vmem>>) target(%dma_start3A_315 : memref<10240x128xf32, #tpu.memory_space<vmem_shared>>) offsets(%dma_start3A_312 : memref<128xi32, #tpu.memory_space<vmem>>) semaphore(%arg13 : memref<!tpu.dma_semaphore, #tpu.memory_space<semaphore_mem>>) {add = true}
      %scan3A_316 = arith.constant 0 : i32
      scf.yield %scan3A_316 : i32
    }
    %scan3A_180 = arith.constant 20 : i32
    %dma_wait3A_181 = arith.constant 1 : i32
    %dma_wait3A_182 = arith.constant 1 : i32
    %dma_wait3A_183 = arith.constant 0 : i32
    %dma_wait3A_184 = arith.constant 0 : i32
    %dma_wait3A_185 = tpu.memref_slice %arg8[%dma_wait3A_181, %dma_wait3A_183, %dma_wait3A_184] : memref<2x128x128xf32, #tpu.memory_space<vmem>> -> memref<1x128x128xf32, #tpu.memory_space<vmem>>
    %dma_wait3A_186 = tpu.memref_squeeze %dma_wait3A_185 : memref<1x128x128xf32, #tpu.memory_space<vmem>> -> memref<128x128xf32, #tpu.memory_space<vmem>>
    %dma_wait3A_187 = arith.constant 0 : i32
    %dma_wait3A_188 = tpu.memref_slice %arg7[%dma_wait3A_182, %dma_wait3A_187] : memref<40x128xi32, #tpu.memory_space<vmem>> -> memref<1x128xi32, #tpu.memory_space<vmem>>
    %dma_wait3A_189 = tpu.memref_squeeze %dma_wait3A_188 : memref<1x128xi32, #tpu.memory_space<vmem>> -> memref<128xi32, #tpu.memory_space<vmem>>
    %dma_wait3A_190 = arith.constant 0 : i32
    %dma_wait3A_191 = arith.constant 0 : i32
    %dma_wait3A_192 = tpu.memref_slice %arg9[%dma_wait3A_190, %dma_wait3A_191] : memref<10240x128xf32, #tpu.memory_space<vmem_shared>> -> memref<10240x128xf32, #tpu.memory_space<vmem_shared>>
    tpu.wait_indirect_dma semaphore(%arg13 : memref<!tpu.dma_semaphore, #tpu.memory_space<semaphore_mem>>) src(%dma_wait3A_186 : memref<128x128xf32, #tpu.memory_space<vmem>>) dst(%dma_wait3A_192 : memref<10240x128xf32, #tpu.memory_space<vmem_shared>>)
    %add3A_193 = arith.constant 40 : i32
    %add3A_194 = arith.addi %mul3A_157, %add3A_193 : i32
    "tpu.region"() ({
      %run_scoped3A = tpu.sem_alloc : memref<!tpu.dma_semaphore, #tpu.memory_space<semaphore_mem>>
      %dma_start3A_236 = arith.constant 0 : i32
      %dma_start3A_237 = tpu.memref_slice %arg3[%add3A_194, %dma_start3A_236] : memref<2560x128xi32, #tpu.memory_space<hbm>> -> memref<40x128xi32, #tpu.memory_space<hbm>>
      %dma_start3A_238 = arith.constant 0 : i32
      %dma_start3A_239 = tpu.memref_slice %arg3[%add3A_194, %dma_start3A_238] : memref<2560x128xi32, #tpu.memory_space<hbm>> -> memref<40x128xi32, #tpu.memory_space<hbm>>
      tpu.enqueue_dma source(%dma_start3A_239 : memref<40x128xi32, #tpu.memory_space<hbm>>) target(%arg6 : memref<40x128xi32, #tpu.memory_space<vmem>>) target_semaphore(%run_scoped3A : memref<!tpu.dma_semaphore, #tpu.memory_space<semaphore_mem>>)
      %dma_wait3A_240 = arith.constant 0 : i32
      %dma_wait3A_241 = tpu.memref_slice %arg3[%add3A_194, %dma_wait3A_240] : memref<2560x128xi32, #tpu.memory_space<hbm>> -> memref<40x128xi32, #tpu.memory_space<hbm>>
      %dma_wait3A_242 = arith.constant 0 : i32
      %dma_wait3A_243 = tpu.memref_slice %arg3[%add3A_194, %dma_wait3A_242] : memref<2560x128xi32, #tpu.memory_space<hbm>> -> memref<40x128xi32, #tpu.memory_space<hbm>>
      tpu.wait_dma2 semaphore(%run_scoped3A : memref<!tpu.dma_semaphore, #tpu.memory_space<semaphore_mem>>) src(%dma_wait3A_243 : memref<40x128xi32, #tpu.memory_space<hbm>>) dst(%arg6 : memref<40x128xi32, #tpu.memory_space<vmem>>)
      tpu.yield
    }) : () -> ()
    %add3A_195 = arith.constant 40 : i32
    %add3A_196 = arith.addi %mul3A_157, %add3A_195 : i32
    "tpu.region"() ({
      %run_scoped3A = tpu.sem_alloc : memref<!tpu.dma_semaphore, #tpu.memory_space<semaphore_mem>>
      %dma_start3A_236 = arith.constant 0 : i32
      %dma_start3A_237 = tpu.memref_slice %arg4[%add3A_196, %dma_start3A_236] : memref<2560x128xi32, #tpu.memory_space<hbm>> -> memref<40x128xi32, #tpu.memory_space<hbm>>
      %dma_start3A_238 = arith.constant 0 : i32
      %dma_start3A_239 = tpu.memref_slice %arg4[%add3A_196, %dma_start3A_238] : memref<2560x128xi32, #tpu.memory_space<hbm>> -> memref<40x128xi32, #tpu.memory_space<hbm>>
      tpu.enqueue_dma source(%dma_start3A_239 : memref<40x128xi32, #tpu.memory_space<hbm>>) target(%arg7 : memref<40x128xi32, #tpu.memory_space<vmem>>) target_semaphore(%run_scoped3A : memref<!tpu.dma_semaphore, #tpu.memory_space<semaphore_mem>>)
      %dma_wait3A_240 = arith.constant 0 : i32
      %dma_wait3A_241 = tpu.memref_slice %arg4[%add3A_196, %dma_wait3A_240] : memref<2560x128xi32, #tpu.memory_space<hbm>> -> memref<40x128xi32, #tpu.memory_space<hbm>>
      %dma_wait3A_242 = arith.constant 0 : i32
      %dma_wait3A_243 = tpu.memref_slice %arg4[%add3A_196, %dma_wait3A_242] : memref<2560x128xi32, #tpu.memory_space<hbm>> -> memref<40x128xi32, #tpu.memory_space<hbm>>
      tpu.wait_dma2 semaphore(%run_scoped3A : memref<!tpu.dma_semaphore, #tpu.memory_space<semaphore_mem>>) src(%dma_wait3A_243 : memref<40x128xi32, #tpu.memory_space<hbm>>) dst(%arg7 : memref<40x128xi32, #tpu.memory_space<vmem>>)
      tpu.yield
    }) : () -> ()
    %dma_start3A_197 = arith.constant 0 : i32
    %dma_start3A_198 = arith.constant 0 : i32
    %dma_start3A_199 = arith.constant 0 : i32
    %dma_start3A_200 = arith.constant 0 : i32
    %dma_start3A_201 = tpu.memref_slice %arg8[%dma_start3A_198, %dma_start3A_199, %dma_start3A_200] : memref<2x128x128xf32, #tpu.memory_space<vmem>> -> memref<1x128x128xf32, #tpu.memory_space<vmem>>
    %dma_start3A_202 = tpu.memref_squeeze %dma_start3A_201 : memref<1x128x128xf32, #tpu.memory_space<vmem>> -> memref<128x128xf32, #tpu.memory_space<vmem>>
    %dma_start3A_203 = arith.constant 0 : i32
    %dma_start3A_204 = tpu.memref_slice %arg6[%dma_start3A_197, %dma_start3A_203] : memref<40x128xi32, #tpu.memory_space<vmem>> -> memref<1x128xi32, #tpu.memory_space<vmem>>
    %dma_start3A_205 = tpu.memref_squeeze %dma_start3A_204 : memref<1x128xi32, #tpu.memory_space<vmem>> -> memref<128xi32, #tpu.memory_space<vmem>>
    %dma_start3A_206 = arith.constant 0 : i32
    %dma_start3A_207 = arith.constant 0 : i32
    %dma_start3A_208 = tpu.memref_slice %arg2[%dma_start3A_206, %dma_start3A_207] : memref<10240x128xf32, #tpu.memory_space<hbm>> -> memref<10240x128xf32, #tpu.memory_space<hbm>>
    tpu.enqueue_indirect_dma source(%dma_start3A_208 : memref<10240x128xf32, #tpu.memory_space<hbm>>) target(%dma_start3A_202 : memref<128x128xf32, #tpu.memory_space<vmem>>) offsets(%dma_start3A_205 : memref<128xi32, #tpu.memory_space<vmem>>) semaphore(%arg10 : memref<!tpu.dma_semaphore, #tpu.memory_space<semaphore_mem>>)
    %scan3A_209 = arith.constant 0 : i32
    %scan3A_210 = arith.constant 0 : i32
    %scan3A_211 = arith.constant 20 : i32
    %scan3A_212 = arith.addi %scan3A_210, %scan3A_211 : i32
    %scan3A_213 = arith.constant 1 : i32
    %scan3A_214 = scf.for %scan3A_236 = %scan3A_210 to %scan3A_212 step %scan3A_213 iter_args(%scan3A_237 = %scan3A_209) -> (i32)  : i32 {
      %mul3A_238 = arith.constant 2 : i32
      %mul3A_239 = arith.muli %mul3A_238, %scan3A_236 : i32
      %add3A_240 = arith.constant 1 : i32
      %add3A_241 = arith.addi %mul3A_239, %add3A_240 : i32
      %gt3A = arith.constant 0 : i32
      %gt3A_242 = arith.cmpi sgt, %scan3A_236, %gt3A : i32
      %convert_element_type3A = arith.extui %gt3A_242 : i1 to i32
      %cond3A = arith.constant 0 : i32
      %cond3A_243 = arith.cmpi ne, %convert_element_type3A, %cond3A : i32
      scf.if %cond3A_243 {
        %dma_wait3A_317 = arith.constant 1 : i32
        %dma_wait3A_318 = arith.constant 0 : i32
        %dma_wait3A_319 = arith.constant 0 : i32
        %dma_wait3A_320 = tpu.memref_slice %arg8[%dma_wait3A_317, %dma_wait3A_318, %dma_wait3A_319] : memref<2x128x128xf32, #tpu.memory_space<vmem>> -> memref<1x128x128xf32, #tpu.memory_space<vmem>>
        %dma_wait3A_321 = tpu.memref_squeeze %dma_wait3A_320 : memref<1x128x128xf32, #tpu.memory_space<vmem>> -> memref<128x128xf32, #tpu.memory_space<vmem>>
        %dma_wait3A_322 = arith.constant 0 : i32
        %dma_wait3A_323 = tpu.memref_slice %arg7[%add3A_241, %dma_wait3A_322] : memref<40x128xi32, #tpu.memory_space<vmem>> -> memref<1x128xi32, #tpu.memory_space<vmem>>
        %dma_wait3A_324 = tpu.memref_squeeze %dma_wait3A_323 : memref<1x128xi32, #tpu.memory_space<vmem>> -> memref<128xi32, #tpu.memory_space<vmem>>
        %dma_wait3A_325 = arith.constant 0 : i32
        %dma_wait3A_326 = arith.constant 0 : i32
        %dma_wait3A_327 = tpu.memref_slice %arg9[%dma_wait3A_325, %dma_wait3A_326] : memref<10240x128xf32, #tpu.memory_space<vmem_shared>> -> memref<10240x128xf32, #tpu.memory_space<vmem_shared>>
        tpu.wait_indirect_dma semaphore(%arg13 : memref<!tpu.dma_semaphore, #tpu.memory_space<semaphore_mem>>) src(%dma_wait3A_321 : memref<128x128xf32, #tpu.memory_space<vmem>>) dst(%dma_wait3A_327 : memref<10240x128xf32, #tpu.memory_space<vmem_shared>>)
      } else {
      }
      %dma_start3A_244 = arith.constant 1 : i32
      %dma_start3A_245 = arith.constant 0 : i32
      %dma_start3A_246 = arith.constant 0 : i32
      %dma_start3A_247 = tpu.memref_slice %arg8[%dma_start3A_244, %dma_start3A_245, %dma_start3A_246] : memref<2x128x128xf32, #tpu.memory_space<vmem>> -> memref<1x128x128xf32, #tpu.memory_space<vmem>>
      %dma_start3A_248 = tpu.memref_squeeze %dma_start3A_247 : memref<1x128x128xf32, #tpu.memory_space<vmem>> -> memref<128x128xf32, #tpu.memory_space<vmem>>
      %dma_start3A_249 = arith.constant 0 : i32
      %dma_start3A_250 = tpu.memref_slice %arg6[%add3A_241, %dma_start3A_249] : memref<40x128xi32, #tpu.memory_space<vmem>> -> memref<1x128xi32, #tpu.memory_space<vmem>>
      %dma_start3A_251 = tpu.memref_squeeze %dma_start3A_250 : memref<1x128xi32, #tpu.memory_space<vmem>> -> memref<128xi32, #tpu.memory_space<vmem>>
      %dma_start3A_252 = arith.constant 0 : i32
      %dma_start3A_253 = arith.constant 0 : i32
      %dma_start3A_254 = tpu.memref_slice %arg2[%dma_start3A_252, %dma_start3A_253] : memref<10240x128xf32, #tpu.memory_space<hbm>> -> memref<10240x128xf32, #tpu.memory_space<hbm>>
      tpu.enqueue_indirect_dma source(%dma_start3A_254 : memref<10240x128xf32, #tpu.memory_space<hbm>>) target(%dma_start3A_248 : memref<128x128xf32, #tpu.memory_space<vmem>>) offsets(%dma_start3A_251 : memref<128xi32, #tpu.memory_space<vmem>>) semaphore(%arg11 : memref<!tpu.dma_semaphore, #tpu.memory_space<semaphore_mem>>)
      %dma_wait3A_255 = arith.constant 0 : i32
      %dma_wait3A_256 = arith.constant 0 : i32
      %dma_wait3A_257 = arith.constant 0 : i32
      %dma_wait3A_258 = tpu.memref_slice %arg8[%dma_wait3A_255, %dma_wait3A_256, %dma_wait3A_257] : memref<2x128x128xf32, #tpu.memory_space<vmem>> -> memref<1x128x128xf32, #tpu.memory_space<vmem>>
      %dma_wait3A_259 = tpu.memref_squeeze %dma_wait3A_258 : memref<1x128x128xf32, #tpu.memory_space<vmem>> -> memref<128x128xf32, #tpu.memory_space<vmem>>
      %dma_wait3A_260 = arith.constant 0 : i32
      %dma_wait3A_261 = tpu.memref_slice %arg6[%mul3A_239, %dma_wait3A_260] : memref<40x128xi32, #tpu.memory_space<vmem>> -> memref<1x128xi32, #tpu.memory_space<vmem>>
      %dma_wait3A_262 = tpu.memref_squeeze %dma_wait3A_261 : memref<1x128xi32, #tpu.memory_space<vmem>> -> memref<128xi32, #tpu.memory_space<vmem>>
      %dma_wait3A_263 = arith.constant 0 : i32
      %dma_wait3A_264 = arith.constant 0 : i32
      %dma_wait3A_265 = tpu.memref_slice %arg2[%dma_wait3A_263, %dma_wait3A_264] : memref<10240x128xf32, #tpu.memory_space<hbm>> -> memref<10240x128xf32, #tpu.memory_space<hbm>>
      tpu.wait_indirect_dma semaphore(%arg10 : memref<!tpu.dma_semaphore, #tpu.memory_space<semaphore_mem>>) src(%dma_wait3A_265 : memref<10240x128xf32, #tpu.memory_space<hbm>>) dst(%dma_wait3A_259 : memref<128x128xf32, #tpu.memory_space<vmem>>)
      %dma_start3A_266 = arith.constant 0 : i32
      %dma_start3A_267 = arith.constant 0 : i32
      %dma_start3A_268 = arith.constant 0 : i32
      %dma_start3A_269 = tpu.memref_slice %arg8[%dma_start3A_266, %dma_start3A_267, %dma_start3A_268] : memref<2x128x128xf32, #tpu.memory_space<vmem>> -> memref<1x128x128xf32, #tpu.memory_space<vmem>>
      %dma_start3A_270 = tpu.memref_squeeze %dma_start3A_269 : memref<1x128x128xf32, #tpu.memory_space<vmem>> -> memref<128x128xf32, #tpu.memory_space<vmem>>
      %dma_start3A_271 = arith.constant 0 : i32
      %dma_start3A_272 = tpu.memref_slice %arg7[%mul3A_239, %dma_start3A_271] : memref<40x128xi32, #tpu.memory_space<vmem>> -> memref<1x128xi32, #tpu.memory_space<vmem>>
      %dma_start3A_273 = tpu.memref_squeeze %dma_start3A_272 : memref<1x128xi32, #tpu.memory_space<vmem>> -> memref<128xi32, #tpu.memory_space<vmem>>
      %dma_start3A_274 = arith.constant 0 : i32
      %dma_start3A_275 = arith.constant 0 : i32
      %dma_start3A_276 = tpu.memref_slice %arg9[%dma_start3A_274, %dma_start3A_275] : memref<10240x128xf32, #tpu.memory_space<vmem_shared>> -> memref<10240x128xf32, #tpu.memory_space<vmem_shared>>
      tpu.enqueue_indirect_dma source(%dma_start3A_270 : memref<128x128xf32, #tpu.memory_space<vmem>>) target(%dma_start3A_276 : memref<10240x128xf32, #tpu.memory_space<vmem_shared>>) offsets(%dma_start3A_273 : memref<128xi32, #tpu.memory_space<vmem>>) semaphore(%arg12 : memref<!tpu.dma_semaphore, #tpu.memory_space<semaphore_mem>>) {add = true}
      %dma_wait3A_277 = arith.constant 1 : i32
      %dma_wait3A_278 = arith.constant 0 : i32
      %dma_wait3A_279 = arith.constant 0 : i32
      %dma_wait3A_280 = tpu.memref_slice %arg8[%dma_wait3A_277, %dma_wait3A_278, %dma_wait3A_279] : memref<2x128x128xf32, #tpu.memory_space<vmem>> -> memref<1x128x128xf32, #tpu.memory_space<vmem>>
      %dma_wait3A_281 = tpu.memref_squeeze %dma_wait3A_280 : memref<1x128x128xf32, #tpu.memory_space<vmem>> -> memref<128x128xf32, #tpu.memory_space<vmem>>
      %dma_wait3A_282 = arith.constant 0 : i32
      %dma_wait3A_283 = tpu.memref_slice %arg6[%add3A_241, %dma_wait3A_282] : memref<40x128xi32, #tpu.memory_space<vmem>> -> memref<1x128xi32, #tpu.memory_space<vmem>>
      %dma_wait3A_284 = tpu.memref_squeeze %dma_wait3A_283 : memref<1x128xi32, #tpu.memory_space<vmem>> -> memref<128xi32, #tpu.memory_space<vmem>>
      %dma_wait3A_285 = arith.constant 0 : i32
      %dma_wait3A_286 = arith.constant 0 : i32
      %dma_wait3A_287 = tpu.memref_slice %arg2[%dma_wait3A_285, %dma_wait3A_286] : memref<10240x128xf32, #tpu.memory_space<hbm>> -> memref<10240x128xf32, #tpu.memory_space<hbm>>
      tpu.wait_indirect_dma semaphore(%arg11 : memref<!tpu.dma_semaphore, #tpu.memory_space<semaphore_mem>>) src(%dma_wait3A_287 : memref<10240x128xf32, #tpu.memory_space<hbm>>) dst(%dma_wait3A_281 : memref<128x128xf32, #tpu.memory_space<vmem>>)
      %dma_wait3A_288 = arith.constant 0 : i32
      %dma_wait3A_289 = arith.constant 0 : i32
      %dma_wait3A_290 = arith.constant 0 : i32
      %dma_wait3A_291 = tpu.memref_slice %arg8[%dma_wait3A_288, %dma_wait3A_289, %dma_wait3A_290] : memref<2x128x128xf32, #tpu.memory_space<vmem>> -> memref<1x128x128xf32, #tpu.memory_space<vmem>>
      %dma_wait3A_292 = tpu.memref_squeeze %dma_wait3A_291 : memref<1x128x128xf32, #tpu.memory_space<vmem>> -> memref<128x128xf32, #tpu.memory_space<vmem>>
      %dma_wait3A_293 = arith.constant 0 : i32
      %dma_wait3A_294 = tpu.memref_slice %arg7[%mul3A_239, %dma_wait3A_293] : memref<40x128xi32, #tpu.memory_space<vmem>> -> memref<1x128xi32, #tpu.memory_space<vmem>>
      %dma_wait3A_295 = tpu.memref_squeeze %dma_wait3A_294 : memref<1x128xi32, #tpu.memory_space<vmem>> -> memref<128xi32, #tpu.memory_space<vmem>>
      %dma_wait3A_296 = arith.constant 0 : i32
      %dma_wait3A_297 = arith.constant 0 : i32
      %dma_wait3A_298 = tpu.memref_slice %arg9[%dma_wait3A_296, %dma_wait3A_297] : memref<10240x128xf32, #tpu.memory_space<vmem_shared>> -> memref<10240x128xf32, #tpu.memory_space<vmem_shared>>
      tpu.wait_indirect_dma semaphore(%arg12 : memref<!tpu.dma_semaphore, #tpu.memory_space<semaphore_mem>>) src(%dma_wait3A_292 : memref<128x128xf32, #tpu.memory_space<vmem>>) dst(%dma_wait3A_298 : memref<10240x128xf32, #tpu.memory_space<vmem_shared>>)
      %add3A_299 = arith.constant 2 : i32
      %add3A_300 = arith.addi %mul3A_239, %add3A_299 : i32
      %lt3A = arith.constant 40 : i32
      %lt3A_301 = arith.cmpi slt, %add3A_300, %lt3A : i32
      %convert_element_type3A_302 = arith.extui %lt3A_301 : i1 to i32
      %cond3A_303 = arith.constant 0 : i32
      %cond3A_304 = arith.cmpi ne, %convert_element_type3A_302, %cond3A_303 : i32
      scf.if %cond3A_304 {
        %add3A_317 = arith.constant 2 : i32
        %add3A_318 = arith.addi %mul3A_239, %add3A_317 : i32
        %dma_start3A_319 = arith.constant 0 : i32
        %dma_start3A_320 = arith.constant 0 : i32
        %dma_start3A_321 = arith.constant 0 : i32
        %dma_start3A_322 = tpu.memref_slice %arg8[%dma_start3A_319, %dma_start3A_320, %dma_start3A_321] : memref<2x128x128xf32, #tpu.memory_space<vmem>> -> memref<1x128x128xf32, #tpu.memory_space<vmem>>
        %dma_start3A_323 = tpu.memref_squeeze %dma_start3A_322 : memref<1x128x128xf32, #tpu.memory_space<vmem>> -> memref<128x128xf32, #tpu.memory_space<vmem>>
        %dma_start3A_324 = arith.constant 0 : i32
        %dma_start3A_325 = tpu.memref_slice %arg6[%add3A_318, %dma_start3A_324] : memref<40x128xi32, #tpu.memory_space<vmem>> -> memref<1x128xi32, #tpu.memory_space<vmem>>
        %dma_start3A_326 = tpu.memref_squeeze %dma_start3A_325 : memref<1x128xi32, #tpu.memory_space<vmem>> -> memref<128xi32, #tpu.memory_space<vmem>>
        %dma_start3A_327 = arith.constant 0 : i32
        %dma_start3A_328 = arith.constant 0 : i32
        %dma_start3A_329 = tpu.memref_slice %arg2[%dma_start3A_327, %dma_start3A_328] : memref<10240x128xf32, #tpu.memory_space<hbm>> -> memref<10240x128xf32, #tpu.memory_space<hbm>>
        tpu.enqueue_indirect_dma source(%dma_start3A_329 : memref<10240x128xf32, #tpu.memory_space<hbm>>) target(%dma_start3A_323 : memref<128x128xf32, #tpu.memory_space<vmem>>) offsets(%dma_start3A_326 : memref<128xi32, #tpu.memory_space<vmem>>) semaphore(%arg10 : memref<!tpu.dma_semaphore, #tpu.memory_space<semaphore_mem>>)
      } else {
      }
      %dma_start3A_305 = arith.constant 1 : i32
      %dma_start3A_306 = arith.constant 0 : i32
      %dma_start3A_307 = arith.constant 0 : i32
      %dma_start3A_308 = tpu.memref_slice %arg8[%dma_start3A_305, %dma_start3A_306, %dma_start3A_307] : memref<2x128x128xf32, #tpu.memory_space<vmem>> -> memref<1x128x128xf32, #tpu.memory_space<vmem>>
      %dma_start3A_309 = tpu.memref_squeeze %dma_start3A_308 : memref<1x128x128xf32, #tpu.memory_space<vmem>> -> memref<128x128xf32, #tpu.memory_space<vmem>>
      %dma_start3A_310 = arith.constant 0 : i32
      %dma_start3A_311 = tpu.memref_slice %arg7[%add3A_241, %dma_start3A_310] : memref<40x128xi32, #tpu.memory_space<vmem>> -> memref<1x128xi32, #tpu.memory_space<vmem>>
      %dma_start3A_312 = tpu.memref_squeeze %dma_start3A_311 : memref<1x128xi32, #tpu.memory_space<vmem>> -> memref<128xi32, #tpu.memory_space<vmem>>
      %dma_start3A_313 = arith.constant 0 : i32
      %dma_start3A_314 = arith.constant 0 : i32
      %dma_start3A_315 = tpu.memref_slice %arg9[%dma_start3A_313, %dma_start3A_314] : memref<10240x128xf32, #tpu.memory_space<vmem_shared>> -> memref<10240x128xf32, #tpu.memory_space<vmem_shared>>
      tpu.enqueue_indirect_dma source(%dma_start3A_309 : memref<128x128xf32, #tpu.memory_space<vmem>>) target(%dma_start3A_315 : memref<10240x128xf32, #tpu.memory_space<vmem_shared>>) offsets(%dma_start3A_312 : memref<128xi32, #tpu.memory_space<vmem>>) semaphore(%arg13 : memref<!tpu.dma_semaphore, #tpu.memory_space<semaphore_mem>>) {add = true}
      %scan3A_316 = arith.constant 0 : i32
      scf.yield %scan3A_316 : i32
    }
    %scan3A_215 = arith.constant 20 : i32
    %dma_wait3A_216 = arith.constant 1 : i32
    %dma_wait3A_217 = arith.constant 1 : i32
    %dma_wait3A_218 = arith.constant 0 : i32
    %dma_wait3A_219 = arith.constant 0 : i32
    %dma_wait3A_220 = tpu.memref_slice %arg8[%dma_wait3A_216, %dma_wait3A_218, %dma_wait3A_219] : memref<2x128x128xf32, #tpu.memory_space<vmem>> -> memref<1x128x128xf32, #tpu.memory_space<vmem>>
    %dma_wait3A_221 = tpu.memref_squeeze %dma_wait3A_220 : memref<1x128x128xf32, #tpu.memory_space<vmem>> -> memref<128x128xf32, #tpu.memory_space<vmem>>
    %dma_wait3A_222 = arith.constant 0 : i32
    %dma_wait3A_223 = tpu.memref_slice %arg7[%dma_wait3A_217, %dma_wait3A_222] : memref<40x128xi32, #tpu.memory_space<vmem>> -> memref<1x128xi32, #tpu.memory_space<vmem>>
    %dma_wait3A_224 = tpu.memref_squeeze %dma_wait3A_223 : memref<1x128xi32, #tpu.memory_space<vmem>> -> memref<128xi32, #tpu.memory_space<vmem>>
    %dma_wait3A_225 = arith.constant 0 : i32
    %dma_wait3A_226 = arith.constant 0 : i32
    %dma_wait3A_227 = tpu.memref_slice %arg9[%dma_wait3A_225, %dma_wait3A_226] : memref<10240x128xf32, #tpu.memory_space<vmem_shared>> -> memref<10240x128xf32, #tpu.memory_space<vmem_shared>>
    tpu.wait_indirect_dma semaphore(%arg13 : memref<!tpu.dma_semaphore, #tpu.memory_space<semaphore_mem>>) src(%dma_wait3A_221 : memref<128x128xf32, #tpu.memory_space<vmem>>) dst(%dma_wait3A_227 : memref<10240x128xf32, #tpu.memory_space<vmem_shared>>)
    %barrier3A_228 = arith.constant 0 : index
    tpu.barrier barrier_id(%barrier3A_228)
    %mul3A_229 = arith.constant 10240 : i32
    %mul3A_230 = arith.muli %arg0, %mul3A_229 : i32
    %mul3A_231 = arith.constant 640 : i32
    %mul3A_232 = arith.muli %arg1, %mul3A_231 : i32
    %add3A_233 = arith.addi %mul3A_230, %mul3A_232 : i32
    %mul3A_234 = arith.constant 640 : i32
    %mul3A_235 = arith.muli %arg1, %mul3A_234 : i32
    "tpu.region"() ({
      %run_scoped3A = tpu.sem_alloc : memref<!tpu.dma_semaphore, #tpu.memory_space<semaphore_mem>>
      %dma_start3A_236 = arith.constant 0 : i32
      %dma_start3A_237 = tpu.memref_slice %arg5[%add3A_233, %dma_start3A_236] : memref<20480x128xf32, #tpu.memory_space<hbm>> -> memref<640x128xf32, #tpu.memory_space<hbm>>
      %dma_start3A_238 = arith.constant 0 : i32
      %dma_start3A_239 = tpu.memref_slice %arg9[%mul3A_235, %dma_start3A_238] : memref<10240x128xf32, #tpu.memory_space<vmem_shared>> -> memref<640x128xf32, #tpu.memory_space<vmem_shared>>
      tpu.enqueue_dma source(%dma_start3A_239 : memref<640x128xf32, #tpu.memory_space<vmem_shared>>) target(%dma_start3A_237 : memref<640x128xf32, #tpu.memory_space<hbm>>) target_semaphore(%run_scoped3A : memref<!tpu.dma_semaphore, #tpu.memory_space<semaphore_mem>>)
      %dma_wait3A_240 = arith.constant 0 : i32
      %dma_wait3A_241 = tpu.memref_slice %arg5[%add3A_233, %dma_wait3A_240] : memref<20480x128xf32, #tpu.memory_space<hbm>> -> memref<640x128xf32, #tpu.memory_space<hbm>>
      %dma_wait3A_242 = arith.constant 0 : i32
      %dma_wait3A_243 = tpu.memref_slice %arg9[%mul3A_235, %dma_wait3A_242] : memref<10240x128xf32, #tpu.memory_space<vmem_shared>> -> memref<640x128xf32, #tpu.memory_space<vmem_shared>>
      tpu.wait_dma2 semaphore(%run_scoped3A : memref<!tpu.dma_semaphore, #tpu.memory_space<semaphore_mem>>) src(%dma_wait3A_243 : memref<640x128xf32, #tpu.memory_space<vmem_shared>>) dst(%dma_wait3A_241 : memref<640x128xf32, #tpu.memory_space<hbm>>)
      tpu.yield
    }) : () -> ()
    return
  }
}

module attributes {stable_mosaic.version = 14 : i64} {
  func.func @_scale0_body(%arg0: i32, %arg1: memref<400x128xf32, #tpu.memory_space<vmem>>, %arg2: memref<1x400x128xf32, #tpu.memory_space<vmem>>, %arg3: memref<1x400x128xf32, #tpu.memory_space<vmem>>, %arg4: memref<400x128xf32, #tpu.memory_space<vmem>>, %arg5: memref<400x8xf32, #tpu.memory_space<vmem>>) attributes {dimension_semantics = [#tpu.dimension_semantics<arbitrary>], iteration_bounds = array<i64: 25>, scalar_prefetch = 0 : i64, scratch_operands = 0 : i64, tpu.core_type = #tpu.core_type<tc>, window_params = [{transform_indices = @transform_0, window_bounds = array<i64: 400, 128>}, {transform_indices = @transform_1, window_bounds = array<i64: 1, 400, 128>}, {transform_indices = @transform_2, window_bounds = array<i64: 1, 400, 128>}, {transform_indices = @transform_3, window_bounds = array<i64: 400, 128>}, {transform_indices = @transform_4, window_bounds = array<i64: 400, 8>}]} {
    %get3A = arith.constant 0 : index
    %get3A_0 = arith.constant 0 : index
    %get3A_1 = arith.constant 0 : index
    %get3A_2 = vector.load %arg2[%get3A, %get3A_0, %get3A_1] : memref<1x400x128xf32, #tpu.memory_space<vmem>>, vector<1x400x1xf32>
    %get3A_3 = vector.shape_cast %get3A_2 : vector<1x400x1xf32> to vector<400x1xf32>
    %get3A_4 = arith.constant 0 : index
    %get3A_5 = arith.constant 0 : index
    %get3A_6 = arith.constant 0 : index
    %get3A_7 = vector.load %arg3[%get3A_4, %get3A_5, %get3A_6] : memref<1x400x128xf32, #tpu.memory_space<vmem>>, vector<1x400x1xf32>
    %get3A_8 = vector.shape_cast %get3A_7 : vector<1x400x1xf32> to vector<400x1xf32>
    %add3A = arith.addf %get3A_3, %get3A_8 : vector<400x1xf32>
    %max3A = arith.constant 1.000000e+00 : f32
    %max3A_9 = vector.broadcast %max3A : f32 to vector<400x1xf32>
    %max3A_10 = arith.maximumf %add3A, %max3A_9 : vector<400x1xf32>
    %get3A_11 = arith.constant 0 : index
    %get3A_12 = arith.constant 0 : index
    %get3A_13 = vector.load %arg1[%get3A_11, %get3A_12] : memref<400x128xf32, #tpu.memory_space<vmem>>, vector<400x128xf32>
    %rsqrt3A = math.rsqrt %max3A_10 : vector<400x1xf32>
    %mul3A = vector.broadcast %rsqrt3A : vector<400x1xf32> to vector<400x128xf32>
    %mul3A_14 = arith.mulf %get3A_13, %mul3A : vector<400x128xf32>
    %swap3A = arith.constant 0 : index
    %swap3A_15 = arith.constant 0 : index
    %swap3A_16 = vector.load %arg4[%swap3A, %swap3A_15] : memref<400x128xf32, #tpu.memory_space<vmem>>, vector<400x128xf32>
    tpu.vector_store %arg4[%swap3A, %swap3A_15], %mul3A_14 {strides = array<i32>} : memref<400x128xf32, #tpu.memory_space<vmem>>, vector<400x128xf32>,
    %broadcast_in_dim3A = vector.shape_cast %max3A_10 : vector<400x1xf32> to vector<400x1xf32>
    %broadcast_in_dim3A_17 = vector.broadcast %broadcast_in_dim3A : vector<400x1xf32> to vector<400x8xf32>
    %swap3A_18 = arith.constant 0 : index
    %swap3A_19 = arith.constant 0 : index
    %swap3A_20 = vector.load %arg5[%swap3A_18, %swap3A_19] : memref<400x8xf32, #tpu.memory_space<vmem>>, vector<400x8xf32>
    tpu.vector_store %arg5[%swap3A_18, %swap3A_19], %broadcast_in_dim3A_17 {strides = array<i32>} : memref<400x8xf32, #tpu.memory_space<vmem>>, vector<400x8xf32>,
    return
  }
  func.func @transform_0(%arg0: i32) -> (i32, i32) {
    %c0_i32 = arith.constant 0 : i32
    %c0_i32_0 = arith.constant 0 : i32
    return %arg0, %c0_i32 : i32, i32
  }
  func.func @transform_1(%arg0: i32) -> (i32, i32, i32) {
    %c0_i32 = arith.constant 0 : i32
    %c0_i32_0 = arith.constant 0 : i32
    %c0_i32_1 = arith.constant 0 : i32
    return %c0_i32, %arg0, %c0_i32_0 : i32, i32, i32
  }
  func.func @transform_2(%arg0: i32) -> (i32, i32, i32) {
    %c1_i32 = arith.constant 1 : i32
    %c0_i32 = arith.constant 0 : i32
    %c0_i32_0 = arith.constant 0 : i32
    return %c1_i32, %arg0, %c0_i32 : i32, i32, i32
  }
  func.func @transform_3(%arg0: i32) -> (i32, i32) {
    %c0_i32 = arith.constant 0 : i32
    %c0_i32_0 = arith.constant 0 : i32
    return %arg0, %c0_i32 : i32, i32
  }
  func.func @transform_4(%arg0: i32) -> (i32, i32) {
    %c0_i32 = arith.constant 0 : i32
    %c0_i32_0 = arith.constant 0 : i32
    return %arg0, %c0_i32 : i32, i32
  }
}

module attributes {stable_mosaic.version = 14 : i64} {
  func.func @_final_body(%arg0: i32, %arg1: memref<1x400x128xf32, #tpu.memory_space<vmem>>, %arg2: memref<1x400x128xf32, #tpu.memory_space<vmem>>, %arg3: memref<400x8xf32, #tpu.memory_space<vmem>>, %arg4: memref<128x128xf32, #tpu.memory_space<vmem>>, %arg5: memref<1x128xf32, #tpu.memory_space<vmem>>, %arg6: memref<128x128xf32, #tpu.memory_space<vmem>>, %arg7: memref<1x128xf32, #tpu.memory_space<vmem>>, %arg8: memref<400x128xf32, #tpu.memory_space<vmem>>) attributes {dimension_semantics = [#tpu.dimension_semantics<arbitrary>], iteration_bounds = array<i64: 25>, scalar_prefetch = 0 : i64, scratch_operands = 0 : i64, tpu.core_type = #tpu.core_type<tc>, window_params = [{transform_indices = @transform_0, window_bounds = array<i64: 1, 400, 128>}, {transform_indices = @transform_1, window_bounds = array<i64: 1, 400, 128>}, {transform_indices = @transform_2, window_bounds = array<i64: 400, 8>}, {pipeline_mode = #tpu.pipeline_mode<synchronous>, transform_indices = @transform_3, window_bounds = array<i64: 128, 128>}, {pipeline_mode = #tpu.pipeline_mode<synchronous>, transform_indices = @transform_4, window_bounds = array<i64: 1, 128>}, {pipeline_mode = #tpu.pipeline_mode<synchronous>, transform_indices = @transform_5, window_bounds = array<i64: 128, 128>}, {pipeline_mode = #tpu.pipeline_mode<synchronous>, transform_indices = @transform_6, window_bounds = array<i64: 1, 128>}, {transform_indices = @transform_7, window_bounds = array<i64: 400, 128>}]} {
    %get3A = arith.constant 0 : index
    %get3A_0 = arith.constant 0 : index
    %get3A_1 = vector.load %arg3[%get3A, %get3A_0] : memref<400x8xf32, #tpu.memory_space<vmem>>, vector<400x1xf32>
    %rsqrt3A = math.rsqrt %get3A_1 : vector<400x1xf32>
    %get3A_2 = arith.constant 0 : index
    %get3A_3 = arith.constant 0 : index
    %get3A_4 = arith.constant 0 : index
    %get3A_5 = vector.load %arg1[%get3A_2, %get3A_3, %get3A_4] : memref<1x400x128xf32, #tpu.memory_space<vmem>>, vector<1x400x128xf32>
    %get3A_6 = vector.shape_cast %get3A_5 : vector<1x400x128xf32> to vector<400x128xf32>
    %get3A_7 = arith.constant 0 : index
    %get3A_8 = arith.constant 0 : index
    %get3A_9 = arith.constant 0 : index
    %get3A_10 = vector.load %arg2[%get3A_7, %get3A_8, %get3A_9] : memref<1x400x128xf32, #tpu.memory_space<vmem>>, vector<1x400x128xf32>
    %get3A_11 = vector.shape_cast %get3A_10 : vector<1x400x128xf32> to vector<400x128xf32>
    %add3A = arith.addf %get3A_6, %get3A_11 : vector<400x128xf32>
    %mul3A = vector.broadcast %rsqrt3A : vector<400x1xf32> to vector<400x128xf32>
    %mul3A_12 = arith.mulf %add3A, %mul3A : vector<400x128xf32>
    %get3A_13 = arith.constant 0 : index
    %get3A_14 = arith.constant 0 : index
    %get3A_15 = vector.load %arg4[%get3A_13, %get3A_14] : memref<128x128xf32, #tpu.memory_space<vmem>>, vector<128x128xf32>
    %dot_general3A = arith.constant dense<0.000000e+00> : vector<400x128xf32>
    %dot_general3A_16 = tpu.matmul %mul3A_12, %get3A_15, %dot_general3A {dimension_numbers = #tpu.dot_dimension_numbers<[1], [1], [0], [0], [0, 0, 1, 0], [], []>, transpose_lhs_hint = false} : vector<400x128xf32>, vector<128x128xf32>, vector<400x128xf32> -> vector<400x128xf32>
    %get3A_17 = arith.constant 0 : index
    %get3A_18 = arith.constant 0 : index
    %get3A_19 = vector.load %arg5[%get3A_17, %get3A_18] : memref<1x128xf32, #tpu.memory_space<vmem>>, vector<1x128xf32>
    %add3A_20 = vector.broadcast %get3A_19 : vector<1x128xf32> to vector<400x128xf32>
    %add3A_21 = arith.addf %dot_general3A_16, %add3A_20 : vector<400x128xf32>
    %max3A = arith.constant 0.000000e+00 : f32
    %max3A_22 = vector.broadcast %max3A : f32 to vector<400x128xf32>
    %max3A_23 = arith.maximumf %add3A_21, %max3A_22 : vector<400x128xf32>
    %get3A_24 = arith.constant 0 : index
    %get3A_25 = arith.constant 0 : index
    %get3A_26 = vector.load %arg6[%get3A_24, %get3A_25] : memref<128x128xf32, #tpu.memory_space<vmem>>, vector<128x128xf32>
    %dot_general3A_27 = arith.constant dense<0.000000e+00> : vector<400x128xf32>
    %dot_general3A_28 = tpu.matmul %max3A_23, %get3A_26, %dot_general3A_27 {dimension_numbers = #tpu.dot_dimension_numbers<[1], [1], [0], [0], [0, 0, 1, 0], [], []>, transpose_lhs_hint = false} : vector<400x128xf32>, vector<128x128xf32>, vector<400x128xf32> -> vector<400x128xf32>
    %get3A_29 = arith.constant 0 : index
    %get3A_30 = arith.constant 0 : index
    %get3A_31 = vector.load %arg7[%get3A_29, %get3A_30] : memref<1x128xf32, #tpu.memory_space<vmem>>, vector<1x128xf32>
    %add3A_32 = vector.broadcast %get3A_31 : vector<1x128xf32> to vector<400x128xf32>
    %add3A_33 = arith.addf %dot_general3A_28, %add3A_32 : vector<400x128xf32>
    %swap3A = arith.constant 0 : index
    %swap3A_34 = arith.constant 0 : index
    %swap3A_35 = vector.load %arg8[%swap3A, %swap3A_34] : memref<400x128xf32, #tpu.memory_space<vmem>>, vector<400x128xf32>
    tpu.vector_store %arg8[%swap3A, %swap3A_34], %add3A_33 {strides = array<i32>} : memref<400x128xf32, #tpu.memory_space<vmem>>, vector<400x128xf32>,
    return
  }
  func.func @transform_0(%arg0: i32) -> (i32, i32, i32) {
    %c0_i32 = arith.constant 0 : i32
    %c0_i32_0 = arith.constant 0 : i32
    %c0_i32_1 = arith.constant 0 : i32
    return %c0_i32, %arg0, %c0_i32_0 : i32, i32, i32
  }
  func.func @transform_1(%arg0: i32) -> (i32, i32, i32) {
    %c1_i32 = arith.constant 1 : i32
    %c0_i32 = arith.constant 0 : i32
    %c0_i32_0 = arith.constant 0 : i32
    return %c1_i32, %arg0, %c0_i32 : i32, i32, i32
  }
  func.func @transform_2(%arg0: i32) -> (i32, i32) {
    %c0_i32 = arith.constant 0 : i32
    %c0_i32_0 = arith.constant 0 : i32
    return %arg0, %c0_i32 : i32, i32
  }
  func.func @transform_3(%arg0: i32) -> (i32, i32) {
    %c0_i32 = arith.constant 0 : i32
    %c0_i32_0 = arith.constant 0 : i32
    %c0_i32_1 = arith.constant 0 : i32
    return %c0_i32, %c0_i32_0 : i32, i32
  }
  func.func @transform_4(%arg0: i32) -> (i32, i32) {
    %c0_i32 = arith.constant 0 : i32
    %c0_i32_0 = arith.constant 0 : i32
    %c0_i32_1 = arith.constant 0 : i32
    return %c0_i32, %c0_i32_0 : i32, i32
  }
  func.func @transform_5(%arg0: i32) -> (i32, i32) {
    %c0_i32 = arith.constant 0 : i32
    %c0_i32_0 = arith.constant 0 : i32
    %c0_i32_1 = arith.constant 0 : i32
    return %c0_i32, %c0_i32_0 : i32, i32
  }
  func.func @transform_6(%arg0: i32) -> (i32, i32) {
    %c0_i32 = arith.constant 0 : i32
    %c0_i32_0 = arith.constant 0 : i32
    %c0_i32_1 = arith.constant 0 : i32
    return %c0_i32, %c0_i32_0 : i32, i32
  }
  func.func @transform_7(%arg0: i32) -> (i32, i32) {
    %c0_i32 = arith.constant 0 : i32
    %c0_i32_0 = arith.constant 0 : i32
    return %arg0, %c0_i32 : i32, i32
  }
}

module attributes {stable_mosaic.version = 14 : i64} {
  func.func @_scale_mid_body(%arg0: i32, %arg1: memref<1x400x128xf32, #tpu.memory_space<vmem>>, %arg2: memref<1x400x128xf32, #tpu.memory_space<vmem>>, %arg3: memref<400x8xf32, #tpu.memory_space<vmem>>, %arg4: memref<400x128xf32, #tpu.memory_space<vmem>>) attributes {dimension_semantics = [#tpu.dimension_semantics<arbitrary>], iteration_bounds = array<i64: 25>, scalar_prefetch = 0 : i64, scratch_operands = 0 : i64, tpu.core_type = #tpu.core_type<tc>, window_params = [{transform_indices = @transform_0, window_bounds = array<i64: 1, 400, 128>}, {transform_indices = @transform_1, window_bounds = array<i64: 1, 400, 128>}, {transform_indices = @transform_2, window_bounds = array<i64: 400, 8>}, {transform_indices = @transform_3, window_bounds = array<i64: 400, 128>}]} {
    %get3A = arith.constant 0 : index
    %get3A_0 = arith.constant 0 : index
    %get3A_1 = arith.constant 0 : index
    %get3A_2 = vector.load %arg1[%get3A, %get3A_0, %get3A_1] : memref<1x400x128xf32, #tpu.memory_space<vmem>>, vector<1x400x128xf32>
    %get3A_3 = vector.shape_cast %get3A_2 : vector<1x400x128xf32> to vector<400x128xf32>
    %get3A_4 = arith.constant 0 : index
    %get3A_5 = arith.constant 0 : index
    %get3A_6 = arith.constant 0 : index
    %get3A_7 = vector.load %arg2[%get3A_4, %get3A_5, %get3A_6] : memref<1x400x128xf32, #tpu.memory_space<vmem>>, vector<1x400x128xf32>
    %get3A_8 = vector.shape_cast %get3A_7 : vector<1x400x128xf32> to vector<400x128xf32>
    %add3A = arith.addf %get3A_3, %get3A_8 : vector<400x128xf32>
    %get3A_9 = arith.constant 0 : index
    %get3A_10 = arith.constant 0 : index
    %get3A_11 = vector.load %arg3[%get3A_9, %get3A_10] : memref<400x8xf32, #tpu.memory_space<vmem>>, vector<400x1xf32>
    %div3A = vector.broadcast %get3A_11 : vector<400x1xf32> to vector<400x128xf32>
    %div3A_12 = arith.divf %add3A, %div3A : vector<400x128xf32>
    %swap3A = arith.constant 0 : index
    %swap3A_13 = arith.constant 0 : index
    %swap3A_14 = vector.load %arg4[%swap3A, %swap3A_13] : memref<400x128xf32, #tpu.memory_space<vmem>>, vector<400x128xf32>
    tpu.vector_store %arg4[%swap3A, %swap3A_13], %div3A_12 {strides = array<i32>} : memref<400x128xf32, #tpu.memory_space<vmem>>, vector<400x128xf32>,
    return
  }
  func.func @transform_0(%arg0: i32) -> (i32, i32, i32) {
    %c0_i32 = arith.constant 0 : i32
    %c0_i32_0 = arith.constant 0 : i32
    %c0_i32_1 = arith.constant 0 : i32
    return %c0_i32, %arg0, %c0_i32_0 : i32, i32, i32
  }
  func.func @transform_1(%arg0: i32) -> (i32, i32, i32) {
    %c1_i32 = arith.constant 1 : i32
    %c0_i32 = arith.constant 0 : i32
    %c0_i32_0 = arith.constant 0 : i32
    return %c1_i32, %arg0, %c0_i32 : i32, i32, i32
  }
  func.func @transform_2(%arg0: i32) -> (i32, i32) {
    %c0_i32 = arith.constant 0 : i32
    %c0_i32_0 = arith.constant 0 : i32
    return %arg0, %c0_i32 : i32, i32
  }
  func.func @transform_3(%arg0: i32) -> (i32, i32) {
    %c0_i32 = arith.constant 0 : i32
    %c0_i32_0 = arith.constant 0 : i32
    return %arg0, %c0_i32 : i32, i32
  }
}

</mosaic_0001>

<sc_bundles>
// kernel: kernel.11.cloned.1.call-start
scs
__scs_entry_jumppad:
0x0: {  	(pc) =	sbr.rel $0x88, $3  }
0x1: {  	(tag) =	ssettag $0x0;
	lr =	simm.s32 $0x1  }
0x2: {  	[smem:$0x3F9B] =	sst lr;
	_ =	strace $0xD0000000  }
0x3: {  	_ = 	snop  }
0x4: {  	_ = 	snop  }
0x5: {  	_ = 	snop  }
0x6: {  	_ = 	snop  }
0x7: {  	_ = 	snop  }
__scs_overlays_trampoline_lowered:
0x8: {  	[smem:$0x3FAA] =	sst s0  }
0x9: {  	[smem:$0x3FAB] =	sst s1  }
0xa: {  	[smem:$0x3FAC] =	sst s2  }
0xb: {  	[smem:$0x3FAD] =	sst s3  }
0xc: {  	[smem:$0x3FAE] =	sst s4  }
0xd: {  	[smem:$0x3FAF] =	sst s5  }
0xe: {  	[smem:$0x3FB0] =	sst s6  }
0xf: {  	[smem:$0x3FB1] =	sst s7  }
0x10: {  	[smem:$0x3FB2] =	sst s8  }
0x11: {  	[smem:$0x3FB3] =	sst s9;
	s0 =	simm.s32 @!p0 $0x0  }
0x12: {  	s1 =	sld [smem:$0x3F99];
	s0 =	simm.s32 @p0 $0x1  }
0x13: {  	[smem:$0x3FB4] =	sst s0;
	s0 =	simm.s32 @!p1 $0x0  }
0x14: {  	s2 =	sld [smem:$0x3F98];
	s0 =	simm.s32 @p1 $0x1  }
0x15: {  	[smem:$0x3FB5] =	sst s0;
	s0 =	simm.s32 @!p2 $0x0  }
0x16: {  	s3 =	sld [smem:$0x3FDB];
	s0 =	simm.s32 @p2 $0x1  }
0x17: {  	s4 =	simm.s32 $0x1BF5;
	[smem:$0x3FB7] =	sst s0  }
0x18: {  	s0 =	sld [smem:$0x3F9A];
	_ =	swait.ge [sflag:s4], $0x0  }
0x19: {  	s7 =	sld [smem:$0x3F9B]  }
0x1a: {  	s8 =	sadd.s32 $0xFFFFE003, lr  }
0x1b: {  	s9 =	sadd.s32 $0xFFFFFEF7, lr;
	s5 =	simm.s32 $0xFFFFFFFF;
	p2 =	slt.u32 s8, $0xFFFFF086  }
0x1c: {  	p1 =	slt.u32 s9, $0xF7A;
	s5 =	simm.s32 @!p2 $0x0  }
0x1d: {  	s5 =	simm.s32 @p1 $0x1;
	p0 =	seq.s32 s7, s2  }
0x1e: {  	s7 =	smul.u32 @!p0 $0xF7A, s2;
	p2 =	seq.s32 @!p0 s5, $0x0  }
0x1f: {  	s9 =	smul.u32 $0xF7A, s1;
	s8 =	simm.s32 @!p0 $0x1BF5;
	p2 =	por !p2, p0  }
0x20: {  	[sflag:s8] =	ssyncset.s32 @!p0 $0xFFFFF086;
	s6 =	sadd.s32 @!p0 s3, s7;
	s7 =	simm.s32 @!p0 $0x108  }
0x21: {  	s3 =	sadd.s32 s3, s9;
	s6 =	sadd.s32 @!p0 $0x88, s6;
	s7 =	simm.s32 @p2 $0x1082  }
0x22: {  	[simem:s7], [sflag:s8] =	dma.local @!p0 [hbm:s6], $0xF7A  }
0x23: {  	s9 =	sor.u32 $0xD0000000, s2;
	s6 =	simm.s32 $0x108;
	_ =	swait.ge @!p0 [sflag:s8], $0x0  }
0x24: {  	s3 =	sadd.s32 $0x88, s3;
	s6 =	simm.s32 @!p1 $0x1082;
	[sflag:s4] =	ssyncset.s32 $0xFFFFF086  }
0x25: {  	[simem:s6], [sflag:s4] =	dma.local [hbm:s3], $0xF7A  }
0x26: {  	[smem:$0x3F9B] =	sst s1;
	(tag) =	ssettag s2;
	_ =	strace s9  }
0x27: {  	s1 =	sld [smem:$0x3FAB]  }
0x28: {  	s2 =	sld [smem:$0x3FAC]  }
0x29: {  	s4 =	sld [smem:$0x3FAE]  }
0x2a: {  	p0 =	seq.s32 s5, $0x0;
	s5 =	sld [smem:$0x3FAF]  }
0x2b: {  	s6 =	sld [smem:$0x3FB0]  }
0x2c: {  	s7 =	sld [smem:$0x3FB1]  }
0x2d: {  	s3 =	simm.s32 $0x108;
	s8 =	sld [smem:$0x3FB2]  }
0x2e: {  	s3 =	simm.s32 @!p0 $0x1082;
	s9 =	sld [smem:$0x3FB3]  }
0x2f: {  	lr =	sadd.s32 s0, s3;
	s0 =	sld [smem:$0x3FAA]  }
0x30: {  	s3 =	sld [smem:$0x3FAD]  }
0x31: {  	[smem:$0x3FB6] =	sst s10  }
0x32: {  	s10 =	sld [smem:$0x3FB4];
	_ =	sdelay $0x3  }
0x33: {  	p0 =	seq.s32 s10, $0x1;
	s10 =	sld [smem:$0x3FB6];
	_ =	sdelay $0x3  }
0x34: {  	[smem:$0x3FB6] =	sst s10  }
0x35: {  	s10 =	sld [smem:$0x3FB5];
	_ =	sdelay $0x3  }
0x36: {  	p1 =	seq.s32 s10, $0x1;
	s10 =	sld [smem:$0x3FB6];
	_ =	sdelay $0x3  }
0x37: {  	[smem:$0x3FB6] =	sst s10  }
0x38: {  	s10 =	sld [smem:$0x3FB7]  }
0x39: {  	_ = 	snop;
	(pc) =	sbr.ind lr, $3  }
0x3a: {  	_ = 	snop  }
0x3b: {  	_ = 	snop  }
0x3c: {  	p2 =	seq.s32 s10, $0x1;
	s10 =	sld [smem:$0x3FB6]  }
0x3d: {  	_ =	shalt  }
0x3e: {  	_ =	shalt  }
0x3f: {  	_ =	shalt  }
0x40: {  	_ =	shalt  }
0x41: {  	_ =	shalt  }
0x42: {  	_ =	shalt  }
0x43: {  	_ =	shalt  }
0x44: {  	_ =	shalt  }
0x45: {  	_ =	shalt  }
0x46: {  	_ =	shalt  }
0x47: {  	_ =	shalt  }
0x48: {  	_ =	shalt  }
0x49: {  	_ =	shalt  }
0x4a: {  	_ =	shalt  }
0x4b: {  	_ =	shalt  }
0x4c: {  	_ =	shalt  }
0x4d: {  	_ =	shalt  }
0x4e: {  	_ =	shalt  }
0x4f: {  	_ =	shalt  }
0x50: {  	_ =	shalt  }
0x51: {  	_ =	shalt  }
0x52: {  	_ =	shalt  }
0x53: {  	_ =	shalt  }
0x54: {  	_ =	shalt  }
0x55: {  	_ =	shalt  }
0x56: {  	_ =	shalt  }
0x57: {  	_ =	shalt  }
0x58: {  	_ =	shalt  }
0x59: {  	_ =	shalt  }
0x5a: {  	_ =	shalt  }
0x5b: {  	_ =	shalt  }
0x5c: {  	_ =	shalt  }
0x5d: {  	_ =	shalt  }
0x5e: {  	_ =	shalt  }
0x5f: {  	_ =	shalt  }
0x60: {  	_ =	shalt  }
0x61: {  	_ =	shalt  }
0x62: {  	_ =	shalt  }
0x63: {  	_ =	shalt  }
0x64: {  	_ =	shalt  }
0x65: {  	_ =	shalt  }
0x66: {  	_ =	shalt  }
0x67: {  	_ =	shalt  }
0x68: {  	_ =	shalt  }
0x69: {  	_ =	shalt  }
0x6a: {  	_ =	shalt  }
0x6b: {  	_ =	shalt  }
0x6c: {  	_ =	shalt  }
0x6d: {  	_ =	shalt  }
0x6e: {  	_ =	shalt  }
0x6f: {  	_ =	shalt  }
0x70: {  	_ =	shalt  }
0x71: {  	_ =	shalt  }
0x72: {  	_ =	shalt  }
0x73: {  	_ =	shalt  }
0x74: {  	_ =	shalt  }
0x75: {  	_ =	shalt  }
0x76: {  	_ =	shalt  }
0x77: {  	_ =	shalt  }
0x78: {  	_ =	shalt  }
0x79: {  	_ =	shalt  }
0x7a: {  	_ =	shalt  }
0x7b: {  	_ =	shalt  }
0x7c: {  	_ =	shalt  }
0x7d: {  	_ =	shalt  }
0x7e: {  	_ =	shalt  }
0x7f: {  	_ =	shalt  }
0x80: {  	_ =	shalt  }
0x81: {  	_ =	shalt  }
0x82: {  	_ =	shalt  }
0x83: {  	_ =	shalt  }
0x84: {  	_ =	shalt  }
0x85: {  	_ =	shalt  }
0x86: {  	_ =	shalt  }
0x87: {  	_ =	shalt  }
.Lfunc_end0:
.L_simem_size_0:
called_computation.1_lowered:
.L_overlay_start_0:
0x88: {  	s2 =	sld [smem:$0x3FD9]  }
0x89: {  	s3 =	sld [smem:$0x3FFE];
	_ =	sdelay $0x1  }
0x8a: {  	s1 =	srdreg.scid  }
0x8b: {  	s0 =	sand.u32 $0x1, s1  }
0x8c: {  	s17 =	sshll.u32 s0, $0xA;
	s2 =	sadd.s32 s3, s2  }
0x8d: {  	s2 =	sadd.s32 s2, s17  }
0x8e: {  	[smem:$0x3FC2] =	sst s2  }
0x8f: {  	_ = 	snop  }
0x90: {  	s2 =	sld [smem:$0x3FD0];
	(tm) =	ssettm $0x1  }
0x91: {  	s18 =	sld [smem:$0x3FFB];
	_ =	sdelay $0x3  }
0x92: {  	_ =	strace s18  }
0x93: {  	s3 =	sld [smem:$0x3FFC];
	_ =	sdelay $0x3  }
0x94: {  	_ =	strace s3  }
0x95: {  	s3 =	sld [smem:$0x3FFD];
	_ =	sdelay $0x3  }
0x96: {  	_ =	strace s3  }
0x97: {  	_ =	strace $0x8FFFFFFF  }
0x98: {  	s19 =	sld [smem:$0x3FDB];
	_ =	sdelay $0x1  }
0x99: {  	s4 =	simm.s32 $_scs_section_size  }
0x9a: {  	s5 =	simm.s32 $_size__tile_overlayer_lowered;
	s6 =	simm.s32 $_tile_overlayer_lowered  }
0x9b: {  	s22 =	simm.s32 $0x1BFF;
	s21 =	sshll.u32 s6, $0x1;
	s3 =	sadd.s32 s4, s19  }
0x9c: {  	s7 =	simm.s32 $0x0;
	s20 =	sshll.u32 s5, $0x1;
	s5 =	sadd.s32 s21, s3  }
0x9d: {  	[timem:s7], [sflag:s22] =	dma.local [hbm:s5], s20  }
0x9e: {  	_ =	swait.ge [sflag:s22], s20  }
0x9f: {  	s4 =	ssub.s32 $0x0, s20;
	[sflag:s22] =	ssyncset.done $0x0  }
0xa0: {  	[sflag:s22] =	ssyncadd.s32 s4;
	_ =	sdelay $0x1  }
0xa1: {  	s23 =	simm.s32 $0x1B8B  }
0xa2: {  	_ =	swait.ge [sflag:s23], $0x1  }
0xa3: {  	[sflag:s23] =	ssyncset.done $0x0  }
0xa4: {  	s25 =	simm.s32 $0x1B8E;
	s24 =	sld [smem:$0x3FFE];
	[sflag:s23] =	ssyncadd.s32 $0xFFFFFFFF  }
0xa5: {  	s26 =	simm.s32 $execute0_lowered;
	[smem:$0x3FD2] =	sst s25  }
0xa6: {  	s5 =	sshll.u32 s26, $0x1;
	_ =	strace $0x80000049;
	[dreg:$0x1] =	wrdreg $0xFFFFFFFF  }
0xa7: {  	s28 =	simm.s32 $_size_execute0_lowered;
	s3 =	sadd.s32 s3, s5;
	[dreg:$0x0] =	wrdreg $0x0  }
0xa8: {  	s5 =	sshll.u32 s28, $0x1;
	[dreg:$0x2] =	wrdreg s3  }
0xa9: {  	[dreg:$0x3] =	wrdreg s5  }
0xaa: {  	[dreg:$0x4] =	wrdreg $0xC0  }
0xab: {  	_ =	task [dreg:s7], $0x5FFFF  }
0xac: {  	[dreg:$0x1] =	wrdreg $0xFFFFFFFF  }
0xad: {  	[dreg:$0x0] =	wrdreg $0x60  }
0xae: {  	[dreg:$0x2] =	wrdreg s24  }
0xaf: {  	[dreg:$0x3] =	wrdreg s2  }
0xb0: {  	[dreg:$0x4] =	wrdreg $0xA8000  }
0xb1: {  	[dreg:$0x5] =	wrdreg $0x9  }
0xb2: {  	_ =	task.clear_ibuf [dreg:s7], $0x6FFFF;
	_ =	strace $0x90000049  }
0xb3: {  	s29 =	simm.s32 $0x9;
	_ =	strace $0x8000004B  }
0xb4: {  	_ =	swait.ge [sflag:s29], $0x1  }
0xb5: {  	[sflag:s29] =	ssyncadd.s32 $0xFFFFFFFF  }
0xb6: {  	_ =	strace $0x9000004B  }
0xb7: {  	_ =	sfence  }
0xb8: {  	s30 =	sld [smem:$0x0];
	_ =	sdelay $0x2  }
0xb9: {  	s31 =	sshll.u32 s1, $0xD;
	s1 =	sshrl.u32 s1, $0x2  }
0xba: {  	s3 =	sand.u32 $0x4000, s31;
	s1 =	sadd.s32 s1, s30  }
0xbb: {  	s0 =	sor.u32 s3, s0;
	s1 =	sshll.u32 s1, $0x11  }
0xbc: {  	s0 =	sor.u32 s1, s0  }
0xbd: {  	s0 =	sadd.s32 $0x8F2B, s0  }
0xbe: {  	[sflag:s0] =	ssyncadd.remote.s32 $0x1  }
0xbf: {  	_ =	sfence.sel $0xFFFF  }
0xc0: {  	[dreg:$0x0] =	wrdreg $0xFFFFFFFF;
	(pc) =	sbr.abs _section_cstart, $3  }
0xc1: {  	[dreg:$0x1] =	wrdreg $0xFFFFFFFF  }
0xc2: {  	_ =	task.clear_ibuf [dreg:s7], $0x2FFFF;
	_ =	strace $0x9FFFFFFF  }
0xc3: {  	(tm) =	ssettm $0x7FFFFFFF  }
tec
execute0_lowered:
.L_overlay_start_1:
0x0: {  	(tag) =	ssettag $0x1  }
0x1: {  	s6 =	rddreg [dreg:$0x0]  }
0x2: {  	s12 =	rddreg [dreg:$0x1]  }
0x3: {  	s2 =	rddreg [dreg:$0x2]  }
0x4: {  	s0 =	rddreg [dreg:$0x3]  }
0x5: {  	s4 =	srdreg.scid;
	s1 =	stileid.u32  }
0x6: {  	s3 =	simm.s32 $0x0;
	s18 =	simm.s32 $0x5;
	s19 =	simm.s32 $0x1400  }
0x7: {  	s20 =	simm.s32 $0x80;
	s21 =	simm.s32 $0x6800;
	s22 =	simm.s32 $0x2  }
0x8: {  	s23 =	simm.s32 $0x3;
	s24 =	simm.s32 $0x100;
	s25 =	simm.s32 $0x1480  }
0x9: {  	s28 =	simm.s32 $0x0;
	s5 =	sand.u32 $0x1, s4;
	s7 =	smul.u32 $0x2800, s1  }
0xa: {  	[smem:$0x7FF] =	sst s3;
	s4 =	sadd.s32 $0xC000, s6;
	s9 =	smul.u32 $0x50000, s1  }
0xb: {  	s13 =	sadd.s32 $0x2000, s6;
	s8 =	smul.u32 $0x28000, s5;
	_ =	strace $0x8000004A  }
0xc: {  	s26 =	sshll.u32 s5, $0x4;
	s10 =	ssub.s32 $0x2, s5;
	s29 =	sshrl.u32 s9, $0x2  }
0xd: {  	s30 =	sshrl.u32 s10, $0x1;
	s7 =	sadd.s32 s7, s8;
	s8 =	sor.u32 s1, s26  }
0xe: {  	s5 =	sadd.s32 s29, s2;
	s15 =	ssub.s32 s10, s30;
	s11 =	smul.u32 $0x2800, s8  }
0xf: {  	s26 =	simm.s32 $0x4;
	s14 =	sadd.s32 s7, s6;
	s16 =	smul.u32 $0x500, s8  }
.Ltmp0:
0x10: {  	s6 =	sadd.s32 $0x4000, s5;
	s7 =	sadd.s32 $0x8000, s5;
	(pc) =	sbr.rel .LBB2_1-.Ltmp0, $4  }
0x11: {  	s8 =	sadd.s32 $0xC000, s5;
	s9 =	sadd.s32 $0x10000, s5;
	s15 =	smax.u32 s15, $0x1  }
0x12: {  	s14 =	sadd.s32 $0x34000, s14;
	s31 =	sshrl.u32 s11, $0x3;
	s10 =	sadd.s32 s12, s16  }
0x13: {  	s11 =	sadd.s32 s13, s16;
	s16 =	simm.s32 $0x2800;
	s17 =	sadd.s32 $0x280, s31  }
0x14: {  	v0 =	vimm.f32 $0.0e+00;
	s12 =	sadd.s32 s12, s17;
	s13 =	sadd.s32 s13, s17;
	s17 =	simm.s32 $0x1  }
.LBB2_9:
0x15: {  	[spmem:s2] =	stream.indirect.scatter.add.f32 [tilespmem:s21], [sflag:$0x4], $0x80, s31, s20, $0xb8;
	[tilespmem:$0x1E800] =	vst v63  }
0x16: {  	_ =	swait.ge [sflag:s26], $0x4000  }
0x17: {  	s29 =	sshll.u32 s1, $0x6;
	s28 =	sadd.s32 $0x1, s28;
	[sflag:s26] =	ssyncset.done $0x0  }
0x18: {  	s30 =	sshrl.u32 s5, $0x3;
	p0 =	sne.s32 s28, s15;
	[sflag:s26] =	ssyncadd.s32 $0xFFFFC000  }
.Ltmp1:
0x19: {  	s29 =	sor.u32 $0x1C05, s29;
	[bflag:$0x0] =	sbarrier.arrive $0xFFFF;
	(pc) =	sbr.rel @!p0 .LBB2_10-.Ltmp1, $4  }
0x1a: {  	[hbm:s14], [sflag:s29] =	dma.local [spmem:s30], $0x2800  }
0x1b: {  	_ =	swait.ge [sflag:s18], $0x2800  }
0x1c: {  	[sflag:s18] =	ssyncset.done $0x0  }
0x1d: {  	[sflag:s18] =	ssyncadd.s32 $0xFFFFD800  }
.LBB2_1:
0x1e: {  	s29 =	simm.s32 $0x0;
	s30 =	simm.s32 $0x200  }
.LBB2_2:
0x1f: {  	p0 =	sne.s32 s30, $0xFE00;
	[tilespmem:s29+$0x2870] =	vst v0  }
0x20: {  	[tilespmem:s29+$0x2800] =	vst v0  }
0x21: {  	[tilespmem:s29+$0x2810] =	vst v0  }
.Ltmp2:
0x22: {  	[tilespmem:s29+$0x2820] =	vst v0;
	(pc) =	sbr.rel @p0 .LBB2_2-.Ltmp2, $4  }
0x23: {  	[tilespmem:s29+$0x2830] =	vst v0  }
0x24: {  	[tilespmem:s29+$0x2840] =	vst v0  }
0x25: {  	[tilespmem:s29+$0x2850] =	vst v0  }
0x26: {  	[tilespmem:s29+$0x2860] =	vst v0;
	s29 =	sshra.s32 s30, $0x2;
	s30 =	sadd.s32 $0x200, s30  }
0x27: {  	[tilespmem:s29+$0x2870] =	vst v0  }
0x28: {  	[tilespmem:s29+$0x2800] =	vst v0  }
0x29: {  	[tilespmem:s29+$0x2810] =	vst v0  }
0x2a: {  	[tilespmem:s29+$0x2820] =	vst v0  }
0x2b: {  	[tilespmem:s29+$0x2830] =	vst v0  }
0x2c: {  	[tilespmem:s29+$0x2840] =	vst v0  }
0x2d: {  	[tilespmem:s29+$0x2850] =	vst v0  }
0x2e: {  	[tilespmem:s29+$0x2860] =	vst v0  }
0x2f: {  	[spmem:s5] =	stream.linear.scatter [tilespmem:s16], [sflag:$0x1], $0x4000, $0x38;
	[tilespmem:$0x1E800] =	vst v63  }
0x30: {  	_ = 	snop  }
0x31: {  	[spmem:s6] =	stream.linear.scatter [tilespmem:s16], [sflag:$0x1], $0x4000, $0x38;
	[tilespmem:$0x1E800] =	vst v63  }
0x32: {  	_ = 	snop  }
0x33: {  	[spmem:s7] =	stream.linear.scatter [tilespmem:s16], [sflag:$0x1], $0x4000, $0x38;
	[tilespmem:$0x1E800] =	vst v63  }
0x34: {  	_ = 	snop  }
0x35: {  	[spmem:s8] =	stream.linear.scatter [tilespmem:s16], [sflag:$0x1], $0x4000, $0x38;
	[tilespmem:$0x1E800] =	vst v63  }
0x36: {  	_ = 	snop  }
0x37: {  	[spmem:s9] =	stream.linear.scatter [tilespmem:s16], [sflag:$0x1], $0x4000, $0x38;
	[tilespmem:$0x1E800] =	vst v63  }
0x38: {  	_ =	swait.ge [sflag:s17], $0x4000  }
0x39: {  	[sflag:s17] =	ssyncset.done $0x0  }
0x3a: {  	[sflag:s17] =	ssyncadd.s32 $0xFFFFC000  }
0x3b: {  	_ =	swait.ge [sflag:s17], $0x4000  }
0x3c: {  	[sflag:s17] =	ssyncset.done $0x0  }
0x3d: {  	[sflag:s17] =	ssyncadd.s32 $0xFFFFC000  }
0x3e: {  	_ =	swait.ge [sflag:s17], $0x4000  }
0x3f: {  	[sflag:s17] =	ssyncset.done $0x0  }
0x40: {  	[sflag:s17] =	ssyncadd.s32 $0xFFFFC000  }
0x41: {  	_ =	swait.ge [sflag:s17], $0x4000  }
0x42: {  	[sflag:s17] =	ssyncset.done $0x0  }
0x43: {  	[sflag:s17] =	ssyncadd.s32 $0xFFFFC000  }
0x44: {  	_ =	swait.ge [sflag:s17], $0x4000  }
0x45: {  	[sflag:s17] =	ssyncset.done $0x0  }
0x46: {  	[sflag:s17] =	ssyncadd.s32 $0xFFFFC000  }
0x47: {  	[bflag:$0x0] =	sbarrier.arrive $0xFFFF  }
0x48: {  	[tilespmem:s3], [sflag:$0x5] =	stream.linear.gather [hbm4b:s10+s3], $0x1400, $0x38;
	[tilespmem:$0x1E800] =	vst v63  }
0x49: {  	_ =	swait.ge [sflag:s18], $0x1400  }
0x4a: {  	[sflag:s18] =	ssyncset.done $0x0  }
0x4b: {  	[sflag:s18] =	ssyncadd.s32 $0xFFFFEC00  }
0x4c: {  	[tilespmem:s19], [sflag:$0x5] =	stream.linear.gather [hbm4b:s11+s3], $0x1400, $0x38;
	[tilespmem:$0x1E800] =	vst v63  }
0x4d: {  	_ =	swait.ge [sflag:s18], $0x1400  }
0x4e: {  	[sflag:s18] =	ssyncset.done $0x0  }
0x4f: {  	[sflag:s18] =	ssyncadd.s32 $0xFFFFEC00  }
0x50: {  	[tilespmem:s16], [sflag:$0x1] =	stream.indirect.gather [hbm4b:s4+s20], $0x80, s3, s20, $0xb8;
	[tilespmem:$0x1E800] =	vst v63  }
0x51: {  	_ = 	snop  }
0x52: {  	[tilespmem:s21], [sflag:$0x2] =	stream.indirect.gather [hbm4b:s4+s20], $0x80, s20, s20, $0xb8;
	[tilespmem:$0x1E800] =	vst v63  }
0x53: {  	_ =	swait.ge [sflag:s17], $0x4000  }
0x54: {  	[sflag:s17] =	ssyncset.done $0x0  }
0x55: {  	[sflag:s17] =	ssyncadd.s32 $0xFFFFC000  }
0x56: {  	[spmem:s2] =	stream.indirect.scatter.add.f32 [tilespmem:s16], [sflag:$0x3], $0x80, s19, s20, $0xb8;
	[tilespmem:$0x1E800] =	vst v63  }
0x57: {  	_ =	swait.ge [sflag:s22], $0x4000  }
0x58: {  	[sflag:s22] =	ssyncset.done $0x0  }
0x59: {  	[sflag:s22] =	ssyncadd.s32 $0xFFFFC000  }
0x5a: {  	_ =	swait.ge [sflag:s23], $0x4000  }
0x5b: {  	[sflag:s23] =	ssyncset.done $0x0  }
0x5c: {  	[sflag:s23] =	ssyncadd.s32 $0xFFFFC000  }
0x5d: {  	[tilespmem:s16], [sflag:$0x1] =	stream.indirect.gather [hbm4b:s4+s20], $0x80, s24, s20, $0xb8;
	[tilespmem:$0x1E800] =	vst v63  }
0x5e: {  	s29 =	simm.s32 $0xFFFFB800  }
0x5f: {  	[spmem:s2] =	stream.indirect.scatter.add.f32 [tilespmem:s21], [sflag:$0x4], $0x80, s25, s20, $0xb8;
	[tilespmem:$0x1E800] =	vst v63  }
.LBB2_4:
0x60: {  	_ =	swait.ge [sflag:s26], $0x4000  }
0x61: {  	s30 =	sshra.s32 s29, $0x2;
	[sflag:s26] =	ssyncset.done $0x0  }
0x62: {  	s31 =	sadd.s32 $0x1380, s30;
	[sflag:s26] =	ssyncadd.s32 $0xFFFFC000  }
0x63: {  	[tilespmem:s21], [sflag:$0x2] =	stream.indirect.gather [hbm4b:s4+s20], $0x80, s31, s20, $0xb8;
	[tilespmem:$0x1E800] =	vst v63  }
0x64: {  	_ =	swait.ge [sflag:s17], $0x4000  }
0x65: {  	[sflag:s17] =	ssyncset.done $0x0  }
0x66: {  	s31 =	sadd.s32 $0x2700, s30;
	[sflag:s17] =	ssyncadd.s32 $0xFFFFC000  }
0x67: {  	[spmem:s2] =	stream.indirect.scatter.add.f32 [tilespmem:s16], [sflag:$0x3], $0x80, s31, s20, $0xb8;
	[tilespmem:$0x1E800] =	vst v63  }
0x68: {  	p0 =	seq.s32 s29, $0x0;
	_ =	swait.ge [sflag:s22], $0x4000  }
.Ltmp3:
0x69: {  	[sflag:s22] =	ssyncset.done $0x0;
	(pc) =	sbr.rel @p0 .LBB2_6-.Ltmp3, $4  }
0x6a: {  	[sflag:s22] =	ssyncadd.s32 $0xFFFFC000  }
0x6b: {  	_ =	swait.ge [sflag:s23], $0x4000  }
0x6c: {  	[sflag:s23] =	ssyncset.done $0x0  }
0x6d: {  	s31 =	sadd.s32 $0x2780, s30;
	[sflag:s23] =	ssyncadd.s32 $0xFFFFC000  }
.Ltmp4:
0x6e: {  	(pc) =	sbr.rel .LBB2_4-.Ltmp4, $4  }
0x6f: {  	s30 =	sadd.s32 $0x1400, s30  }
0x70: {  	[tilespmem:s16], [sflag:$0x1] =	stream.indirect.gather [hbm4b:s4+s20], $0x80, s30, s20, $0xb8;
	[tilespmem:$0x1E800] =	vst v63  }
0x71: {  	s29 =	sadd.s32 $0x400, s29  }
0x72: {  	[spmem:s2] =	stream.indirect.scatter.add.f32 [tilespmem:s21], [sflag:$0x4], $0x80, s31, s20, $0xb8;
	[tilespmem:$0x1E800] =	vst v63  }
.LBB2_6:
0x73: {  	[spmem:s2] =	stream.indirect.scatter.add.f32 [tilespmem:s21], [sflag:$0x4], $0x80, s31, s20, $0xb8;
	[tilespmem:$0x1E800] =	vst v63  }
0x74: {  	_ =	swait.ge [sflag:s26], $0x4000  }
0x75: {  	[sflag:s26] =	ssyncset.done $0x0  }
0x76: {  	[sflag:s26] =	ssyncadd.s32 $0xFFFFC000  }
0x77: {  	[tilespmem:s3], [sflag:$0x5] =	stream.linear.gather [hbm4b:s12+s3], $0x1400, $0x38;
	[tilespmem:$0x1E800] =	vst v63  }
0x78: {  	_ =	swait.ge [sflag:s18], $0x1400  }
0x79: {  	[sflag:s18] =	ssyncset.done $0x0  }
0x7a: {  	[sflag:s18] =	ssyncadd.s32 $0xFFFFEC00  }
0x7b: {  	[tilespmem:s19], [sflag:$0x5] =	stream.linear.gather [hbm4b:s13+s3], $0x1400, $0x38;
	[tilespmem:$0x1E800] =	vst v63  }
0x7c: {  	_ =	swait.ge [sflag:s18], $0x1400  }
0x7d: {  	[sflag:s18] =	ssyncset.done $0x0  }
0x7e: {  	[sflag:s18] =	ssyncadd.s32 $0xFFFFEC00  }
0x7f: {  	[tilespmem:s16], [sflag:$0x1] =	stream.indirect.gather [hbm4b:s4+s20], $0x80, s3, s20, $0xb8;
	[tilespmem:$0x1E800] =	vst v63  }
0x80: {  	_ = 	snop  }
0x81: {  	[tilespmem:s21], [sflag:$0x2] =	stream.indirect.gather [hbm4b:s4+s20], $0x80, s20, s20, $0xb8;
	[tilespmem:$0x1E800] =	vst v63  }
0x82: {  	_ =	swait.ge [sflag:s17], $0x4000  }
0x83: {  	[sflag:s17] =	ssyncset.done $0x0  }
0x84: {  	[sflag:s17] =	ssyncadd.s32 $0xFFFFC000  }
0x85: {  	[spmem:s2] =	stream.indirect.scatter.add.f32 [tilespmem:s16], [sflag:$0x3], $0x80, s19, s20, $0xb8;
	[tilespmem:$0x1E800] =	vst v63  }
0x86: {  	_ =	swait.ge [sflag:s22], $0x4000  }
0x87: {  	[sflag:s22] =	ssyncset.done $0x0  }
0x88: {  	[sflag:s22] =	ssyncadd.s32 $0xFFFFC000  }
0x89: {  	_ =	swait.ge [sflag:s23], $0x4000  }
0x8a: {  	[sflag:s23] =	ssyncset.done $0x0  }
0x8b: {  	[sflag:s23] =	ssyncadd.s32 $0xFFFFC000  }
0x8c: {  	[tilespmem:s16], [sflag:$0x1] =	stream.indirect.gather [hbm4b:s4+s20], $0x80, s24, s20, $0xb8;
	[tilespmem:$0x1E800] =	vst v63  }
0x8d: {  	s29 =	simm.s32 $0xFFFFB800  }
0x8e: {  	[spmem:s2] =	stream.indirect.scatter.add.f32 [tilespmem:s21], [sflag:$0x4], $0x80, s25, s20, $0xb8;
	[tilespmem:$0x1E800] =	vst v63  }
.LBB2_7:
0x8f: {  	_ =	swait.ge [sflag:s26], $0x4000  }
0x90: {  	s30 =	sshra.s32 s29, $0x2;
	[sflag:s26] =	ssyncset.done $0x0  }
0x91: {  	s31 =	sadd.s32 $0x1380, s30;
	[sflag:s26] =	ssyncadd.s32 $0xFFFFC000  }
0x92: {  	[tilespmem:s21], [sflag:$0x2] =	stream.indirect.gather [hbm4b:s4+s20], $0x80, s31, s20, $0xb8;
	[tilespmem:$0x1E800] =	vst v63  }
0x93: {  	_ =	swait.ge [sflag:s17], $0x4000  }
0x94: {  	[sflag:s17] =	ssyncset.done $0x0  }
0x95: {  	s31 =	sadd.s32 $0x2700, s30;
	[sflag:s17] =	ssyncadd.s32 $0xFFFFC000  }
0x96: {  	[spmem:s2] =	stream.indirect.scatter.add.f32 [tilespmem:s16], [sflag:$0x3], $0x80, s31, s20, $0xb8;
	[tilespmem:$0x1E800] =	vst v63  }
0x97: {  	p0 =	seq.s32 s29, $0x0;
	_ =	swait.ge [sflag:s22], $0x4000  }
.Ltmp5:
0x98: {  	[sflag:s22] =	ssyncset.done $0x0;
	(pc) =	sbr.rel @p0 .LBB2_9-.Ltmp5, $4  }
0x99: {  	[sflag:s22] =	ssyncadd.s32 $0xFFFFC000  }
0x9a: {  	_ =	swait.ge [sflag:s23], $0x4000  }
0x9b: {  	[sflag:s23] =	ssyncset.done $0x0  }
0x9c: {  	s31 =	sadd.s32 $0x2780, s30;
	[sflag:s23] =	ssyncadd.s32 $0xFFFFC000  }
.Ltmp6:
0x9d: {  	(pc) =	sbr.rel .LBB2_7-.Ltmp6, $4  }
0x9e: {  	s30 =	sadd.s32 $0x1400, s30  }
0x9f: {  	[tilespmem:s16], [sflag:$0x1] =	stream.indirect.gather [hbm4b:s4+s20], $0x80, s30, s20, $0xb8;
	[tilespmem:$0x1E800] =	vst v63  }
0xa0: {  	s29 =	sadd.s32 $0x400, s29  }
0xa1: {  	[spmem:s2] =	stream.indirect.scatter.add.f32 [tilespmem:s21], [sflag:$0x4], $0x80, s31, s20, $0xb8;
	[tilespmem:$0x1E800] =	vst v63  }
.LBB2_10:
0xa2: {  	_ =	sfence.sel $0x180000  }
0xa3: {  	[bflag:$0x0] =	sbarrier.arrive $0xFFFF  }
0xa4: {  	p0 =	sne.s32 s1, $0x0;
	_ =	strace $0x9000004A  }
0xa5: {  	s0 =	sadd.s32 @!p0 $0x100000, s0;
	[bflag:$0x2] =	sbarrier.arrive $0xFFFF  }
0xa6: {  	[sflag:s0] =	ssyncadd.tile.s32 @!p0 $0x1;
	_ =	shalt  }
.Lfunc_end2:
_tile_overlayer_lowered:
.L_overlay_start_2:
0xa7: {  	(tag) =	ssettag $0x2  }
0xa8: {  	s0 =	rddreg [dreg:$0x0];
	s2 =	stileid.u32  }
0xa9: {  	s1 =	rddreg [dreg:$0x1];
	p0 =	sne.s32 s2, $0x0  }
0xaa: {  	s3 =	rddreg [dreg:$0x2];
	[bflag:$0x3] =	sbarrier.arrive $0xFFFF;
	s2 =	simm.s32 @!p0 $0x1C05  }
0xab: {  	[timem:s3], [sflag:s2] =	dma.local @!p0 [hbm:s0], s1  }
0xac: {  	s0 =	simm.s32 @!p0 $0x5  }
0xad: {  	_ =	swait.ge @!p0 [sflag:s0], s1  }
0xae: {  	s1 =	ssub.s32 @!p0 $0x0, s1;
	[sflag:s0] =	ssyncset.done @!p0 $0x0  }
0xaf: {  	[sflag:s0] =	ssyncadd.s32 @!p0 s1  }
0xb0: {  	[bflag:$0x3] =	sbarrier.arrive $0xFFFF  }
0xb1: {  	_ =	shalt  }

// kernel: kernel.14.cloned.1.call-start
scs
__scs_entry_jumppad:
0x0: {  	(pc) =	sbr.rel $0x88, $3  }
0x1: {  	(tag) =	ssettag $0x0;
	lr =	simm.s32 $0x1  }
0x2: {  	[smem:$0x3F9B] =	sst lr;
	_ =	strace $0xD0000000  }
0x3: {  	_ = 	snop  }
0x4: {  	_ = 	snop  }
0x5: {  	_ = 	snop  }
0x6: {  	_ = 	snop  }
0x7: {  	_ = 	snop  }
__scs_overlays_trampoline_lowered:
0x8: {  	[smem:$0x3FAA] =	sst s0  }
0x9: {  	[smem:$0x3FAB] =	sst s1  }
0xa: {  	[smem:$0x3FAC] =	sst s2  }
0xb: {  	[smem:$0x3FAD] =	sst s3  }
0xc: {  	[smem:$0x3FAE] =	sst s4  }
0xd: {  	[smem:$0x3FAF] =	sst s5  }
0xe: {  	[smem:$0x3FB0] =	sst s6  }
0xf: {  	[smem:$0x3FB1] =	sst s7  }
0x10: {  	[smem:$0x3FB2] =	sst s8  }
0x11: {  	[smem:$0x3FB3] =	sst s9;
	s0 =	simm.s32 @!p0 $0x0  }
0x12: {  	s1 =	sld [smem:$0x3F99];
	s0 =	simm.s32 @p0 $0x1  }
0x13: {  	[smem:$0x3FB4] =	sst s0;
	s0 =	simm.s32 @!p1 $0x0  }
0x14: {  	s2 =	sld [smem:$0x3F98];
	s0 =	simm.s32 @p1 $0x1  }
0x15: {  	[smem:$0x3FB5] =	sst s0;
	s0 =	simm.s32 @!p2 $0x0  }
0x16: {  	s3 =	sld [smem:$0x3FDB];
	s0 =	simm.s32 @p2 $0x1  }
0x17: {  	s4 =	simm.s32 $0x1BF5;
	[smem:$0x3FB7] =	sst s0  }
0x18: {  	s0 =	sld [smem:$0x3F9A];
	_ =	swait.ge [sflag:s4], $0x0  }
0x19: {  	s7 =	sld [smem:$0x3F9B]  }
0x1a: {  	s8 =	sadd.s32 $0xFFFFE003, lr  }
0x1b: {  	s9 =	sadd.s32 $0xFFFFFEF7, lr;
	s5 =	simm.s32 $0xFFFFFFFF;
	p2 =	slt.u32 s8, $0xFFFFF086  }
0x1c: {  	p1 =	slt.u32 s9, $0xF7A;
	s5 =	simm.s32 @!p2 $0x0  }
0x1d: {  	s5 =	simm.s32 @p1 $0x1;
	p0 =	seq.s32 s7, s2  }
0x1e: {  	s7 =	smul.u32 @!p0 $0xF7A, s2;
	p2 =	seq.s32 @!p0 s5, $0x0  }
0x1f: {  	s9 =	smul.u32 $0xF7A, s1;
	s8 =	simm.s32 @!p0 $0x1BF5;
	p2 =	por !p2, p0  }
0x20: {  	[sflag:s8] =	ssyncset.s32 @!p0 $0xFFFFF086;
	s6 =	sadd.s32 @!p0 s3, s7;
	s7 =	simm.s32 @!p0 $0x108  }
0x21: {  	s3 =	sadd.s32 s3, s9;
	s6 =	sadd.s32 @!p0 $0x88, s6;
	s7 =	simm.s32 @p2 $0x1082  }
0x22: {  	[simem:s7], [sflag:s8] =	dma.local @!p0 [hbm:s6], $0xF7A  }
0x23: {  	s9 =	sor.u32 $0xD0000000, s2;
	s6 =	simm.s32 $0x108;
	_ =	swait.ge @!p0 [sflag:s8], $0x0  }
0x24: {  	s3 =	sadd.s32 $0x88, s3;
	s6 =	simm.s32 @!p1 $0x1082;
	[sflag:s4] =	ssyncset.s32 $0xFFFFF086  }
0x25: {  	[simem:s6], [sflag:s4] =	dma.local [hbm:s3], $0xF7A  }
0x26: {  	[smem:$0x3F9B] =	sst s1;
	(tag) =	ssettag s2;
	_ =	strace s9  }
0x27: {  	s1 =	sld [smem:$0x3FAB]  }
0x28: {  	s2 =	sld [smem:$0x3FAC]  }
0x29: {  	s4 =	sld [smem:$0x3FAE]  }
0x2a: {  	p0 =	seq.s32 s5, $0x0;
	s5 =	sld [smem:$0x3FAF]  }
0x2b: {  	s6 =	sld [smem:$0x3FB0]  }
0x2c: {  	s7 =	sld [smem:$0x3FB1]  }
0x2d: {  	s3 =	simm.s32 $0x108;
	s8 =	sld [smem:$0x3FB2]  }
0x2e: {  	s3 =	simm.s32 @!p0 $0x1082;
	s9 =	sld [smem:$0x3FB3]  }
0x2f: {  	lr =	sadd.s32 s0, s3;
	s0 =	sld [smem:$0x3FAA]  }
0x30: {  	s3 =	sld [smem:$0x3FAD]  }
0x31: {  	[smem:$0x3FB6] =	sst s10  }
0x32: {  	s10 =	sld [smem:$0x3FB4];
	_ =	sdelay $0x3  }
0x33: {  	p0 =	seq.s32 s10, $0x1;
	s10 =	sld [smem:$0x3FB6];
	_ =	sdelay $0x3  }
0x34: {  	[smem:$0x3FB6] =	sst s10  }
0x35: {  	s10 =	sld [smem:$0x3FB5];
	_ =	sdelay $0x3  }
0x36: {  	p1 =	seq.s32 s10, $0x1;
	s10 =	sld [smem:$0x3FB6];
	_ =	sdelay $0x3  }
0x37: {  	[smem:$0x3FB6] =	sst s10  }
0x38: {  	s10 =	sld [smem:$0x3FB7]  }
0x39: {  	_ = 	snop;
	(pc) =	sbr.ind lr, $3  }
0x3a: {  	_ = 	snop  }
0x3b: {  	_ = 	snop  }
0x3c: {  	p2 =	seq.s32 s10, $0x1;
	s10 =	sld [smem:$0x3FB6]  }
0x3d: {  	_ =	shalt  }
0x3e: {  	_ =	shalt  }
0x3f: {  	_ =	shalt  }
0x40: {  	_ =	shalt  }
0x41: {  	_ =	shalt  }
0x42: {  	_ =	shalt  }
0x43: {  	_ =	shalt  }
0x44: {  	_ =	shalt  }
0x45: {  	_ =	shalt  }
0x46: {  	_ =	shalt  }
0x47: {  	_ =	shalt  }
0x48: {  	_ =	shalt  }
0x49: {  	_ =	shalt  }
0x4a: {  	_ =	shalt  }
0x4b: {  	_ =	shalt  }
0x4c: {  	_ =	shalt  }
0x4d: {  	_ =	shalt  }
0x4e: {  	_ =	shalt  }
0x4f: {  	_ =	shalt  }
0x50: {  	_ =	shalt  }
0x51: {  	_ =	shalt  }
0x52: {  	_ =	shalt  }
0x53: {  	_ =	shalt  }
0x54: {  	_ =	shalt  }
0x55: {  	_ =	shalt  }
0x56: {  	_ =	shalt  }
0x57: {  	_ =	shalt  }
0x58: {  	_ =	shalt  }
0x59: {  	_ =	shalt  }
0x5a: {  	_ =	shalt  }
0x5b: {  	_ =	shalt  }
0x5c: {  	_ =	shalt  }
0x5d: {  	_ =	shalt  }
0x5e: {  	_ =	shalt  }
0x5f: {  	_ =	shalt  }
0x60: {  	_ =	shalt  }
0x61: {  	_ =	shalt  }
0x62: {  	_ =	shalt  }
0x63: {  	_ =	shalt  }
0x64: {  	_ =	shalt  }
0x65: {  	_ =	shalt  }
0x66: {  	_ =	shalt  }
0x67: {  	_ =	shalt  }
0x68: {  	_ =	shalt  }
0x69: {  	_ =	shalt  }
0x6a: {  	_ =	shalt  }
0x6b: {  	_ =	shalt  }
0x6c: {  	_ =	shalt  }
0x6d: {  	_ =	shalt  }
0x6e: {  	_ =	shalt  }
0x6f: {  	_ =	shalt  }
0x70: {  	_ =	shalt  }
0x71: {  	_ =	shalt  }
0x72: {  	_ =	shalt  }
0x73: {  	_ =	shalt  }
0x74: {  	_ =	shalt  }
0x75: {  	_ =	shalt  }
0x76: {  	_ =	shalt  }
0x77: {  	_ =	shalt  }
0x78: {  	_ =	shalt  }
0x79: {  	_ =	shalt  }
0x7a: {  	_ =	shalt  }
0x7b: {  	_ =	shalt  }
0x7c: {  	_ =	shalt  }
0x7d: {  	_ =	shalt  }
0x7e: {  	_ =	shalt  }
0x7f: {  	_ =	shalt  }
0x80: {  	_ =	shalt  }
0x81: {  	_ =	shalt  }
0x82: {  	_ =	shalt  }
0x83: {  	_ =	shalt  }
0x84: {  	_ =	shalt  }
0x85: {  	_ =	shalt  }
0x86: {  	_ =	shalt  }
0x87: {  	_ =	shalt  }
.Lfunc_end0:
.L_simem_size_0:
called_computation.2_lowered:
.L_overlay_start_0:
0x88: {  	s2 =	sld [smem:$0x3FD9]  }
0x89: {  	s3 =	sld [smem:$0x3FFE];
	_ =	sdelay $0x1  }
0x8a: {  	s1 =	srdreg.scid  }
0x8b: {  	s0 =	sand.u32 $0x1, s1  }
0x8c: {  	s17 =	sshll.u32 s0, $0xA;
	s2 =	sadd.s32 s3, s2  }
0x8d: {  	s2 =	sadd.s32 s2, s17  }
0x8e: {  	[smem:$0x3FC2] =	sst s2  }
0x8f: {  	_ = 	snop  }
0x90: {  	s2 =	sld [smem:$0x3FD0];
	(tm) =	ssettm $0x1  }
0x91: {  	s18 =	sld [smem:$0x3FFB];
	_ =	sdelay $0x3  }
0x92: {  	_ =	strace s18  }
0x93: {  	s3 =	sld [smem:$0x3FFC];
	_ =	sdelay $0x3  }
0x94: {  	_ =	strace s3  }
0x95: {  	s3 =	sld [smem:$0x3FFD];
	_ =	sdelay $0x3  }
0x96: {  	_ =	strace s3  }
0x97: {  	_ =	strace $0x8FFFFFFF  }
0x98: {  	s19 =	sld [smem:$0x3FDB];
	_ =	sdelay $0x1  }
0x99: {  	s4 =	simm.s32 $_scs_section_size  }
0x9a: {  	s5 =	simm.s32 $_size__tile_overlayer_lowered;
	s6 =	simm.s32 $_tile_overlayer_lowered  }
0x9b: {  	s22 =	simm.s32 $0x1BFF;
	s21 =	sshll.u32 s6, $0x1;
	s3 =	sadd.s32 s4, s19  }
0x9c: {  	s7 =	simm.s32 $0x0;
	s20 =	sshll.u32 s5, $0x1;
	s5 =	sadd.s32 s21, s3  }
0x9d: {  	[timem:s7], [sflag:s22] =	dma.local [hbm:s5], s20  }
0x9e: {  	_ =	swait.ge [sflag:s22], s20  }
0x9f: {  	s4 =	ssub.s32 $0x0, s20;
	[sflag:s22] =	ssyncset.done $0x0  }
0xa0: {  	[sflag:s22] =	ssyncadd.s32 s4;
	_ =	sdelay $0x1  }
0xa1: {  	s23 =	simm.s32 $0x1B8B  }
0xa2: {  	_ =	swait.ge [sflag:s23], $0x1  }
0xa3: {  	[sflag:s23] =	ssyncset.done $0x0  }
0xa4: {  	s25 =	simm.s32 $0x1B8E;
	s24 =	sld [smem:$0x3FFE];
	[sflag:s23] =	ssyncadd.s32 $0xFFFFFFFF  }
0xa5: {  	s26 =	simm.s32 $execute0_lowered;
	[smem:$0x3FD2] =	sst s25  }
0xa6: {  	s5 =	sshll.u32 s26, $0x1;
	_ =	strace $0x8000004C;
	[dreg:$0x1] =	wrdreg $0xFFFFFFFF  }
0xa7: {  	s28 =	simm.s32 $_size_execute0_lowered;
	s3 =	sadd.s32 s3, s5;
	[dreg:$0x0] =	wrdreg $0x0  }
0xa8: {  	s5 =	sshll.u32 s28, $0x1;
	[dreg:$0x2] =	wrdreg s3  }
0xa9: {  	[dreg:$0x3] =	wrdreg s5  }
0xaa: {  	[dreg:$0x4] =	wrdreg $0xC0  }
0xab: {  	_ =	task [dreg:s7], $0x5FFFF  }
0xac: {  	[dreg:$0x1] =	wrdreg $0xFFFFFFFF  }
0xad: {  	[dreg:$0x0] =	wrdreg $0x60  }
0xae: {  	[dreg:$0x2] =	wrdreg s24  }
0xaf: {  	[dreg:$0x3] =	wrdreg s2  }
0xb0: {  	[dreg:$0x4] =	wrdreg $0xA8000  }
0xb1: {  	[dreg:$0x5] =	wrdreg $0x9  }
0xb2: {  	_ =	task.clear_ibuf [dreg:s7], $0x6FFFF;
	_ =	strace $0x9000004C  }
0xb3: {  	s29 =	simm.s32 $0x9;
	_ =	strace $0x8000004E  }
0xb4: {  	_ =	swait.ge [sflag:s29], $0x1  }
0xb5: {  	[sflag:s29] =	ssyncadd.s32 $0xFFFFFFFF  }
0xb6: {  	_ =	strace $0x9000004E  }
0xb7: {  	_ =	sfence  }
0xb8: {  	s30 =	sld [smem:$0x0];
	_ =	sdelay $0x2  }
0xb9: {  	s31 =	sshll.u32 s1, $0xD;
	s1 =	sshrl.u32 s1, $0x2  }
0xba: {  	s3 =	sand.u32 $0x4000, s31;
	s1 =	sadd.s32 s1, s30  }
0xbb: {  	s0 =	sor.u32 s3, s0;
	s1 =	sshll.u32 s1, $0x11  }
0xbc: {  	s0 =	sor.u32 s1, s0  }
0xbd: {  	s0 =	sadd.s32 $0x8F2B, s0  }
0xbe: {  	[sflag:s0] =	ssyncadd.remote.s32 $0x1  }
0xbf: {  	_ =	sfence.sel $0xFFFF  }
0xc0: {  	[dreg:$0x0] =	wrdreg $0xFFFFFFFF;
	(pc) =	sbr.abs _section_cstart, $3  }
0xc1: {  	[dreg:$0x1] =	wrdreg $0xFFFFFFFF  }
0xc2: {  	_ =	task.clear_ibuf [dreg:s7], $0x2FFFF;
	_ =	strace $0x9FFFFFFF  }
0xc3: {  	(tm) =	ssettm $0x7FFFFFFF  }
tec
execute0_lowered:
.L_overlay_start_1:
0x0: {  	(tag) =	ssettag $0x1  }
0x1: {  	s6 =	rddreg [dreg:$0x0]  }
0x2: {  	s12 =	rddreg [dreg:$0x1]  }
0x3: {  	s2 =	rddreg [dreg:$0x2]  }
0x4: {  	s0 =	rddreg [dreg:$0x3]  }
0x5: {  	s4 =	srdreg.scid;
	s1 =	stileid.u32  }
0x6: {  	s3 =	simm.s32 $0x0;
	s18 =	simm.s32 $0x5;
	s19 =	simm.s32 $0x1400  }
0x7: {  	s20 =	simm.s32 $0x80;
	s21 =	simm.s32 $0x6800;
	s22 =	simm.s32 $0x2  }
0x8: {  	s23 =	simm.s32 $0x3;
	s24 =	simm.s32 $0x100;
	s25 =	simm.s32 $0x1480  }
0x9: {  	s28 =	simm.s32 $0x0;
	s5 =	sand.u32 $0x1, s4;
	s7 =	smul.u32 $0x2800, s1  }
0xa: {  	[smem:$0x7FF] =	sst s3;
	s4 =	sadd.s32 $0xC000, s6;
	s9 =	smul.u32 $0x50000, s1  }
0xb: {  	s13 =	sadd.s32 $0x2000, s6;
	s8 =	smul.u32 $0x28000, s5;
	_ =	strace $0x8000004D  }
0xc: {  	s26 =	sshll.u32 s5, $0x4;
	s10 =	ssub.s32 $0x2, s5;
	s29 =	sshrl.u32 s9, $0x2  }
0xd: {  	s30 =	sshrl.u32 s10, $0x1;
	s7 =	sadd.s32 s7, s8;
	s8 =	sor.u32 s1, s26  }
0xe: {  	s5 =	sadd.s32 s29, s2;
	s15 =	ssub.s32 s10, s30;
	s11 =	smul.u32 $0x2800, s8  }
0xf: {  	s26 =	simm.s32 $0x4;
	s14 =	sadd.s32 s7, s6;
	s16 =	smul.u32 $0x500, s8  }
.Ltmp0:
0x10: {  	s6 =	sadd.s32 $0x4000, s5;
	s7 =	sadd.s32 $0x8000, s5;
	(pc) =	sbr.rel .LBB2_1-.Ltmp0, $4  }
0x11: {  	s8 =	sadd.s32 $0xC000, s5;
	s9 =	sadd.s32 $0x10000, s5;
	s15 =	smax.u32 s15, $0x1  }
0x12: {  	s14 =	sadd.s32 $0x34000, s14;
	s31 =	sshrl.u32 s11, $0x3;
	s10 =	sadd.s32 s12, s16  }
0x13: {  	s11 =	sadd.s32 s13, s16;
	s16 =	simm.s32 $0x2800;
	s17 =	sadd.s32 $0x280, s31  }
0x14: {  	v0 =	vimm.f32 $0.0e+00;
	s12 =	sadd.s32 s12, s17;
	s13 =	sadd.s32 s13, s17;
	s17 =	simm.s32 $0x1  }
.LBB2_9:
0x15: {  	[spmem:s2] =	stream.indirect.scatter.add.f32 [tilespmem:s21], [sflag:$0x4], $0x80, s31, s20, $0xb8;
	[tilespmem:$0x1E800] =	vst v63  }
0x16: {  	_ =	swait.ge [sflag:s26], $0x4000  }
0x17: {  	s29 =	sshll.u32 s1, $0x6;
	s28 =	sadd.s32 $0x1, s28;
	[sflag:s26] =	ssyncset.done $0x0  }
0x18: {  	s30 =	sshrl.u32 s5, $0x3;
	p0 =	sne.s32 s28, s15;
	[sflag:s26] =	ssyncadd.s32 $0xFFFFC000  }
.Ltmp1:
0x19: {  	s29 =	sor.u32 $0x1C05, s29;
	[bflag:$0x0] =	sbarrier.arrive $0xFFFF;
	(pc) =	sbr.rel @!p0 .LBB2_10-.Ltmp1, $4  }
0x1a: {  	[hbm:s14], [sflag:s29] =	dma.local [spmem:s30], $0x2800  }
0x1b: {  	_ =	swait.ge [sflag:s18], $0x2800  }
0x1c: {  	[sflag:s18] =	ssyncset.done $0x0  }
0x1d: {  	[sflag:s18] =	ssyncadd.s32 $0xFFFFD800  }
.LBB2_1:
0x1e: {  	s29 =	simm.s32 $0x0;
	s30 =	simm.s32 $0x200  }
.LBB2_2:
0x1f: {  	p0 =	sne.s32 s30, $0xFE00;
	[tilespmem:s29+$0x2870] =	vst v0  }
0x20: {  	[tilespmem:s29+$0x2800] =	vst v0  }
0x21: {  	[tilespmem:s29+$0x2810] =	vst v0  }
.Ltmp2:
0x22: {  	[tilespmem:s29+$0x2820] =	vst v0;
	(pc) =	sbr.rel @p0 .LBB2_2-.Ltmp2, $4  }
0x23: {  	[tilespmem:s29+$0x2830] =	vst v0  }
0x24: {  	[tilespmem:s29+$0x2840] =	vst v0  }
0x25: {  	[tilespmem:s29+$0x2850] =	vst v0  }
0x26: {  	[tilespmem:s29+$0x2860] =	vst v0;
	s29 =	sshra.s32 s30, $0x2;
	s30 =	sadd.s32 $0x200, s30  }
0x27: {  	[tilespmem:s29+$0x2870] =	vst v0  }
0x28: {  	[tilespmem:s29+$0x2800] =	vst v0  }
0x29: {  	[tilespmem:s29+$0x2810] =	vst v0  }
0x2a: {  	[tilespmem:s29+$0x2820] =	vst v0  }
0x2b: {  	[tilespmem:s29+$0x2830] =	vst v0  }
0x2c: {  	[tilespmem:s29+$0x2840] =	vst v0  }
0x2d: {  	[tilespmem:s29+$0x2850] =	vst v0  }
0x2e: {  	[tilespmem:s29+$0x2860] =	vst v0  }
0x2f: {  	[spmem:s5] =	stream.linear.scatter [tilespmem:s16], [sflag:$0x1], $0x4000, $0x38;
	[tilespmem:$0x1E800] =	vst v63  }
0x30: {  	_ = 	snop  }
0x31: {  	[spmem:s6] =	stream.linear.scatter [tilespmem:s16], [sflag:$0x1], $0x4000, $0x38;
	[tilespmem:$0x1E800] =	vst v63  }
0x32: {  	_ = 	snop  }
0x33: {  	[spmem:s7] =	stream.linear.scatter [tilespmem:s16], [sflag:$0x1], $0x4000, $0x38;
	[tilespmem:$0x1E800] =	vst v63  }
0x34: {  	_ = 	snop  }
0x35: {  	[spmem:s8] =	stream.linear.scatter [tilespmem:s16], [sflag:$0x1], $0x4000, $0x38;
	[tilespmem:$0x1E800] =	vst v63  }
0x36: {  	_ = 	snop  }
0x37: {  	[spmem:s9] =	stream.linear.scatter [tilespmem:s16], [sflag:$0x1], $0x4000, $0x38;
	[tilespmem:$0x1E800] =	vst v63  }
0x38: {  	_ =	swait.ge [sflag:s17], $0x4000  }
0x39: {  	[sflag:s17] =	ssyncset.done $0x0  }
0x3a: {  	[sflag:s17] =	ssyncadd.s32 $0xFFFFC000  }
0x3b: {  	_ =	swait.ge [sflag:s17], $0x4000  }
0x3c: {  	[sflag:s17] =	ssyncset.done $0x0  }
0x3d: {  	[sflag:s17] =	ssyncadd.s32 $0xFFFFC000  }
0x3e: {  	_ =	swait.ge [sflag:s17], $0x4000  }
0x3f: {  	[sflag:s17] =	ssyncset.done $0x0  }
0x40: {  	[sflag:s17] =	ssyncadd.s32 $0xFFFFC000  }
0x41: {  	_ =	swait.ge [sflag:s17], $0x4000  }
0x42: {  	[sflag:s17] =	ssyncset.done $0x0  }
0x43: {  	[sflag:s17] =	ssyncadd.s32 $0xFFFFC000  }
0x44: {  	_ =	swait.ge [sflag:s17], $0x4000  }
0x45: {  	[sflag:s17] =	ssyncset.done $0x0  }
0x46: {  	[sflag:s17] =	ssyncadd.s32 $0xFFFFC000  }
0x47: {  	[bflag:$0x0] =	sbarrier.arrive $0xFFFF  }
0x48: {  	[tilespmem:s3], [sflag:$0x5] =	stream.linear.gather [hbm4b:s10+s3], $0x1400, $0x38;
	[tilespmem:$0x1E800] =	vst v63  }
0x49: {  	_ =	swait.ge [sflag:s18], $0x1400  }
0x4a: {  	[sflag:s18] =	ssyncset.done $0x0  }
0x4b: {  	[sflag:s18] =	ssyncadd.s32 $0xFFFFEC00  }
0x4c: {  	[tilespmem:s19], [sflag:$0x5] =	stream.linear.gather [hbm4b:s11+s3], $0x1400, $0x38;
	[tilespmem:$0x1E800] =	vst v63  }
0x4d: {  	_ =	swait.ge [sflag:s18], $0x1400  }
0x4e: {  	[sflag:s18] =	ssyncset.done $0x0  }
0x4f: {  	[sflag:s18] =	ssyncadd.s32 $0xFFFFEC00  }
0x50: {  	[tilespmem:s16], [sflag:$0x1] =	stream.indirect.gather [hbm4b:s4+s20], $0x80, s3, s20, $0xb8;
	[tilespmem:$0x1E800] =	vst v63  }
0x51: {  	_ = 	snop  }
0x52: {  	[tilespmem:s21], [sflag:$0x2] =	stream.indirect.gather [hbm4b:s4+s20], $0x80, s20, s20, $0xb8;
	[tilespmem:$0x1E800] =	vst v63  }
0x53: {  	_ =	swait.ge [sflag:s17], $0x4000  }
0x54: {  	[sflag:s17] =	ssyncset.done $0x0  }
0x55: {  	[sflag:s17] =	ssyncadd.s32 $0xFFFFC000  }
0x56: {  	[spmem:s2] =	stream.indirect.scatter.add.f32 [tilespmem:s16], [sflag:$0x3], $0x80, s19, s20, $0xb8;
	[tilespmem:$0x1E800] =	vst v63  }
0x57: {  	_ =	swait.ge [sflag:s22], $0x4000  }
0x58: {  	[sflag:s22] =	ssyncset.done $0x0  }
0x59: {  	[sflag:s22] =	ssyncadd.s32 $0xFFFFC000  }
0x5a: {  	_ =	swait.ge [sflag:s23], $0x4000  }
0x5b: {  	[sflag:s23] =	ssyncset.done $0x0  }
0x5c: {  	[sflag:s23] =	ssyncadd.s32 $0xFFFFC000  }
0x5d: {  	[tilespmem:s16], [sflag:$0x1] =	stream.indirect.gather [hbm4b:s4+s20], $0x80, s24, s20, $0xb8;
	[tilespmem:$0x1E800] =	vst v63  }
0x5e: {  	s29 =	simm.s32 $0xFFFFB800  }
0x5f: {  	[spmem:s2] =	stream.indirect.scatter.add.f32 [tilespmem:s21], [sflag:$0x4], $0x80, s25, s20, $0xb8;
	[tilespmem:$0x1E800] =	vst v63  }
.LBB2_4:
0x60: {  	_ =	swait.ge [sflag:s26], $0x4000  }
0x61: {  	s30 =	sshra.s32 s29, $0x2;
	[sflag:s26] =	ssyncset.done $0x0  }
0x62: {  	s31 =	sadd.s32 $0x1380, s30;
	[sflag:s26] =	ssyncadd.s32 $0xFFFFC000  }
0x63: {  	[tilespmem:s21], [sflag:$0x2] =	stream.indirect.gather [hbm4b:s4+s20], $0x80, s31, s20, $0xb8;
	[tilespmem:$0x1E800] =	vst v63  }
0x64: {  	_ =	swait.ge [sflag:s17], $0x4000  }
0x65: {  	[sflag:s17] =	ssyncset.done $0x0  }
0x66: {  	s31 =	sadd.s32 $0x2700, s30;
	[sflag:s17] =	ssyncadd.s32 $0xFFFFC000  }
0x67: {  	[spmem:s2] =	stream.indirect.scatter.add.f32 [tilespmem:s16], [sflag:$0x3], $0x80, s31, s20, $0xb8;
	[tilespmem:$0x1E800] =	vst v63  }
0x68: {  	p0 =	seq.s32 s29, $0x0;
	_ =	swait.ge [sflag:s22], $0x4000  }
.Ltmp3:
0x69: {  	[sflag:s22] =	ssyncset.done $0x0;
	(pc) =	sbr.rel @p0 .LBB2_6-.Ltmp3, $4  }
0x6a: {  	[sflag:s22] =	ssyncadd.s32 $0xFFFFC000  }
0x6b: {  	_ =	swait.ge [sflag:s23], $0x4000  }
0x6c: {  	[sflag:s23] =	ssyncset.done $0x0  }
0x6d: {  	s31 =	sadd.s32 $0x2780, s30;
	[sflag:s23] =	ssyncadd.s32 $0xFFFFC000  }
.Ltmp4:
0x6e: {  	(pc) =	sbr.rel .LBB2_4-.Ltmp4, $4  }
0x6f: {  	s30 =	sadd.s32 $0x1400, s30  }
0x70: {  	[tilespmem:s16], [sflag:$0x1] =	stream.indirect.gather [hbm4b:s4+s20], $0x80, s30, s20, $0xb8;
	[tilespmem:$0x1E800] =	vst v63  }
0x71: {  	s29 =	sadd.s32 $0x400, s29  }
0x72: {  	[spmem:s2] =	stream.indirect.scatter.add.f32 [tilespmem:s21], [sflag:$0x4], $0x80, s31, s20, $0xb8;
	[tilespmem:$0x1E800] =	vst v63  }
.LBB2_6:
0x73: {  	[spmem:s2] =	stream.indirect.scatter.add.f32 [tilespmem:s21], [sflag:$0x4], $0x80, s31, s20, $0xb8;
	[tilespmem:$0x1E800] =	vst v63  }
0x74: {  	_ =	swait.ge [sflag:s26], $0x4000  }
0x75: {  	[sflag:s26] =	ssyncset.done $0x0  }
0x76: {  	[sflag:s26] =	ssyncadd.s32 $0xFFFFC000  }
0x77: {  	[tilespmem:s3], [sflag:$0x5] =	stream.linear.gather [hbm4b:s12+s3], $0x1400, $0x38;
	[tilespmem:$0x1E800] =	vst v63  }
0x78: {  	_ =	swait.ge [sflag:s18], $0x1400  }
0x79: {  	[sflag:s18] =	ssyncset.done $0x0  }
0x7a: {  	[sflag:s18] =	ssyncadd.s32 $0xFFFFEC00  }
0x7b: {  	[tilespmem:s19], [sflag:$0x5] =	stream.linear.gather [hbm4b:s13+s3], $0x1400, $0x38;
	[tilespmem:$0x1E800] =	vst v63  }
0x7c: {  	_ =	swait.ge [sflag:s18], $0x1400  }
0x7d: {  	[sflag:s18] =	ssyncset.done $0x0  }
0x7e: {  	[sflag:s18] =	ssyncadd.s32 $0xFFFFEC00  }
0x7f: {  	[tilespmem:s16], [sflag:$0x1] =	stream.indirect.gather [hbm4b:s4+s20], $0x80, s3, s20, $0xb8;
	[tilespmem:$0x1E800] =	vst v63  }
0x80: {  	_ = 	snop  }
0x81: {  	[tilespmem:s21], [sflag:$0x2] =	stream.indirect.gather [hbm4b:s4+s20], $0x80, s20, s20, $0xb8;
	[tilespmem:$0x1E800] =	vst v63  }
0x82: {  	_ =	swait.ge [sflag:s17], $0x4000  }
0x83: {  	[sflag:s17] =	ssyncset.done $0x0  }
0x84: {  	[sflag:s17] =	ssyncadd.s32 $0xFFFFC000  }
0x85: {  	[spmem:s2] =	stream.indirect.scatter.add.f32 [tilespmem:s16], [sflag:$0x3], $0x80, s19, s20, $0xb8;
	[tilespmem:$0x1E800] =	vst v63  }
0x86: {  	_ =	swait.ge [sflag:s22], $0x4000  }
0x87: {  	[sflag:s22] =	ssyncset.done $0x0  }
0x88: {  	[sflag:s22] =	ssyncadd.s32 $0xFFFFC000  }
0x89: {  	_ =	swait.ge [sflag:s23], $0x4000  }
0x8a: {  	[sflag:s23] =	ssyncset.done $0x0  }
0x8b: {  	[sflag:s23] =	ssyncadd.s32 $0xFFFFC000  }
0x8c: {  	[tilespmem:s16], [sflag:$0x1] =	stream.indirect.gather [hbm4b:s4+s20], $0x80, s24, s20, $0xb8;
	[tilespmem:$0x1E800] =	vst v63  }
0x8d: {  	s29 =	simm.s32 $0xFFFFB800  }
0x8e: {  	[spmem:s2] =	stream.indirect.scatter.add.f32 [tilespmem:s21], [sflag:$0x4], $0x80, s25, s20, $0xb8;
	[tilespmem:$0x1E800] =	vst v63  }
.LBB2_7:
0x8f: {  	_ =	swait.ge [sflag:s26], $0x4000  }
0x90: {  	s30 =	sshra.s32 s29, $0x2;
	[sflag:s26] =	ssyncset.done $0x0  }
0x91: {  	s31 =	sadd.s32 $0x1380, s30;
	[sflag:s26] =	ssyncadd.s32 $0xFFFFC000  }
0x92: {  	[tilespmem:s21], [sflag:$0x2] =	stream.indirect.gather [hbm4b:s4+s20], $0x80, s31, s20, $0xb8;
	[tilespmem:$0x1E800] =	vst v63  }
0x93: {  	_ =	swait.ge [sflag:s17], $0x4000  }
0x94: {  	[sflag:s17] =	ssyncset.done $0x0  }
0x95: {  	s31 =	sadd.s32 $0x2700, s30;
	[sflag:s17] =	ssyncadd.s32 $0xFFFFC000  }
0x96: {  	[spmem:s2] =	stream.indirect.scatter.add.f32 [tilespmem:s16], [sflag:$0x3], $0x80, s31, s20, $0xb8;
	[tilespmem:$0x1E800] =	vst v63  }
0x97: {  	p0 =	seq.s32 s29, $0x0;
	_ =	swait.ge [sflag:s22], $0x4000  }
.Ltmp5:
0x98: {  	[sflag:s22] =	ssyncset.done $0x0;
	(pc) =	sbr.rel @p0 .LBB2_9-.Ltmp5, $4  }
0x99: {  	[sflag:s22] =	ssyncadd.s32 $0xFFFFC000  }
0x9a: {  	_ =	swait.ge [sflag:s23], $0x4000  }
0x9b: {  	[sflag:s23] =	ssyncset.done $0x0  }
0x9c: {  	s31 =	sadd.s32 $0x2780, s30;
	[sflag:s23] =	ssyncadd.s32 $0xFFFFC000  }
.Ltmp6:
0x9d: {  	(pc) =	sbr.rel .LBB2_7-.Ltmp6, $4  }
0x9e: {  	s30 =	sadd.s32 $0x1400, s30  }
0x9f: {  	[tilespmem:s16], [sflag:$0x1] =	stream.indirect.gather [hbm4b:s4+s20], $0x80, s30, s20, $0xb8;
	[tilespmem:$0x1E800] =	vst v63  }
0xa0: {  	s29 =	sadd.s32 $0x400, s29  }
0xa1: {  	[spmem:s2] =	stream.indirect.scatter.add.f32 [tilespmem:s21], [sflag:$0x4], $0x80, s31, s20, $0xb8;
	[tilespmem:$0x1E800] =	vst v63  }
.LBB2_10:
0xa2: {  	_ =	sfence.sel $0x180000  }
0xa3: {  	[bflag:$0x0] =	sbarrier.arrive $0xFFFF  }
0xa4: {  	p0 =	sne.s32 s1, $0x0;
	_ =	strace $0x9000004D  }
0xa5: {  	s0 =	sadd.s32 @!p0 $0x100000, s0;
	[bflag:$0x2] =	sbarrier.arrive $0xFFFF  }
0xa6: {  	[sflag:s0] =	ssyncadd.tile.s32 @!p0 $0x1;
	_ =	shalt  }
.Lfunc_end2:
_tile_overlayer_lowered:
.L_overlay_start_2:
0xa7: {  	(tag) =	ssettag $0x2  }
0xa8: {  	s0 =	rddreg [dreg:$0x0];
	s2 =	stileid.u32  }
0xa9: {  	s1 =	rddreg [dreg:$0x1];
	p0 =	sne.s32 s2, $0x0  }
0xaa: {  	s3 =	rddreg [dreg:$0x2];
	[bflag:$0x3] =	sbarrier.arrive $0xFFFF;
	s2 =	simm.s32 @!p0 $0x1C05  }
0xab: {  	[timem:s3], [sflag:s2] =	dma.local @!p0 [hbm:s0], s1  }
0xac: {  	s0 =	simm.s32 @!p0 $0x5  }
0xad: {  	_ =	swait.ge @!p0 [sflag:s0], s1  }
0xae: {  	s1 =	ssub.s32 @!p0 $0x0, s1;
	[sflag:s0] =	ssyncset.done @!p0 $0x0  }
0xaf: {  	[sflag:s0] =	ssyncadd.s32 @!p0 s1  }
0xb0: {  	[bflag:$0x3] =	sbarrier.arrive $0xFFFF  }
0xb1: {  	_ =	shalt  }

// kernel: kernel.8.cloned.1.call-start
scs
__scs_entry_jumppad:
0x0: {  	(pc) =	sbr.rel $0x88, $3  }
0x1: {  	(tag) =	ssettag $0x0;
	lr =	simm.s32 $0x1  }
0x2: {  	[smem:$0x3F9B] =	sst lr;
	_ =	strace $0xD0000000  }
0x3: {  	_ = 	snop  }
0x4: {  	_ = 	snop  }
0x5: {  	_ = 	snop  }
0x6: {  	_ = 	snop  }
0x7: {  	_ = 	snop  }
__scs_overlays_trampoline_lowered:
0x8: {  	[smem:$0x3FAA] =	sst s0  }
0x9: {  	[smem:$0x3FAB] =	sst s1  }
0xa: {  	[smem:$0x3FAC] =	sst s2  }
0xb: {  	[smem:$0x3FAD] =	sst s3  }
0xc: {  	[smem:$0x3FAE] =	sst s4  }
0xd: {  	[smem:$0x3FAF] =	sst s5  }
0xe: {  	[smem:$0x3FB0] =	sst s6  }
0xf: {  	[smem:$0x3FB1] =	sst s7  }
0x10: {  	[smem:$0x3FB2] =	sst s8  }
0x11: {  	[smem:$0x3FB3] =	sst s9;
	s0 =	simm.s32 @!p0 $0x0  }
0x12: {  	s1 =	sld [smem:$0x3F99];
	s0 =	simm.s32 @p0 $0x1  }
0x13: {  	[smem:$0x3FB4] =	sst s0;
	s0 =	simm.s32 @!p1 $0x0  }
0x14: {  	s2 =	sld [smem:$0x3F98];
	s0 =	simm.s32 @p1 $0x1  }
0x15: {  	[smem:$0x3FB5] =	sst s0;
	s0 =	simm.s32 @!p2 $0x0  }
0x16: {  	s3 =	sld [smem:$0x3FDB];
	s0 =	simm.s32 @p2 $0x1  }
0x17: {  	s4 =	simm.s32 $0x1BF5;
	[smem:$0x3FB7] =	sst s0  }
0x18: {  	s0 =	sld [smem:$0x3F9A];
	_ =	swait.ge [sflag:s4], $0x0  }
0x19: {  	s7 =	sld [smem:$0x3F9B]  }
0x1a: {  	s8 =	sadd.s32 $0xFFFFE003, lr  }
0x1b: {  	s9 =	sadd.s32 $0xFFFFFEF7, lr;
	s5 =	simm.s32 $0xFFFFFFFF;
	p2 =	slt.u32 s8, $0xFFFFF086  }
0x1c: {  	p1 =	slt.u32 s9, $0xF7A;
	s5 =	simm.s32 @!p2 $0x0  }
0x1d: {  	s5 =	simm.s32 @p1 $0x1;
	p0 =	seq.s32 s7, s2  }
0x1e: {  	s7 =	smul.u32 @!p0 $0xF7A, s2;
	p2 =	seq.s32 @!p0 s5, $0x0  }
0x1f: {  	s9 =	smul.u32 $0xF7A, s1;
	s8 =	simm.s32 @!p0 $0x1BF5;
	p2 =	por !p2, p0  }
0x20: {  	[sflag:s8] =	ssyncset.s32 @!p0 $0xFFFFF086;
	s6 =	sadd.s32 @!p0 s3, s7;
	s7 =	simm.s32 @!p0 $0x108  }
0x21: {  	s3 =	sadd.s32 s3, s9;
	s6 =	sadd.s32 @!p0 $0x88, s6;
	s7 =	simm.s32 @p2 $0x1082  }
0x22: {  	[simem:s7], [sflag:s8] =	dma.local @!p0 [hbm:s6], $0xF7A  }
0x23: {  	s9 =	sor.u32 $0xD0000000, s2;
	s6 =	simm.s32 $0x108;
	_ =	swait.ge @!p0 [sflag:s8], $0x0  }
0x24: {  	s3 =	sadd.s32 $0x88, s3;
	s6 =	simm.s32 @!p1 $0x1082;
	[sflag:s4] =	ssyncset.s32 $0xFFFFF086  }
0x25: {  	[simem:s6], [sflag:s4] =	dma.local [hbm:s3], $0xF7A  }
0x26: {  	[smem:$0x3F9B] =	sst s1;
	(tag) =	ssettag s2;
	_ =	strace s9  }
0x27: {  	s1 =	sld [smem:$0x3FAB]  }
0x28: {  	s2 =	sld [smem:$0x3FAC]  }
0x29: {  	s4 =	sld [smem:$0x3FAE]  }
0x2a: {  	p0 =	seq.s32 s5, $0x0;
	s5 =	sld [smem:$0x3FAF]  }
0x2b: {  	s6 =	sld [smem:$0x3FB0]  }
0x2c: {  	s7 =	sld [smem:$0x3FB1]  }
0x2d: {  	s3 =	simm.s32 $0x108;
	s8 =	sld [smem:$0x3FB2]  }
0x2e: {  	s3 =	simm.s32 @!p0 $0x1082;
	s9 =	sld [smem:$0x3FB3]  }
0x2f: {  	lr =	sadd.s32 s0, s3;
	s0 =	sld [smem:$0x3FAA]  }
0x30: {  	s3 =	sld [smem:$0x3FAD]  }
0x31: {  	[smem:$0x3FB6] =	sst s10  }
0x32: {  	s10 =	sld [smem:$0x3FB4];
	_ =	sdelay $0x3  }
0x33: {  	p0 =	seq.s32 s10, $0x1;
	s10 =	sld [smem:$0x3FB6];
	_ =	sdelay $0x3  }
0x34: {  	[smem:$0x3FB6] =	sst s10  }
0x35: {  	s10 =	sld [smem:$0x3FB5];
	_ =	sdelay $0x3  }
0x36: {  	p1 =	seq.s32 s10, $0x1;
	s10 =	sld [smem:$0x3FB6];
	_ =	sdelay $0x3  }
0x37: {  	[smem:$0x3FB6] =	sst s10  }
0x38: {  	s10 =	sld [smem:$0x3FB7]  }
0x39: {  	_ = 	snop;
	(pc) =	sbr.ind lr, $3  }
0x3a: {  	_ = 	snop  }
0x3b: {  	_ = 	snop  }
0x3c: {  	p2 =	seq.s32 s10, $0x1;
	s10 =	sld [smem:$0x3FB6]  }
0x3d: {  	_ =	shalt  }
0x3e: {  	_ =	shalt  }
0x3f: {  	_ =	shalt  }
0x40: {  	_ =	shalt  }
0x41: {  	_ =	shalt  }
0x42: {  	_ =	shalt  }
0x43: {  	_ =	shalt  }
0x44: {  	_ =	shalt  }
0x45: {  	_ =	shalt  }
0x46: {  	_ =	shalt  }
0x47: {  	_ =	shalt  }
0x48: {  	_ =	shalt  }
0x49: {  	_ =	shalt  }
0x4a: {  	_ =	shalt  }
0x4b: {  	_ =	shalt  }
0x4c: {  	_ =	shalt  }
0x4d: {  	_ =	shalt  }
0x4e: {  	_ =	shalt  }
0x4f: {  	_ =	shalt  }
0x50: {  	_ =	shalt  }
0x51: {  	_ =	shalt  }
0x52: {  	_ =	shalt  }
0x53: {  	_ =	shalt  }
0x54: {  	_ =	shalt  }
0x55: {  	_ =	shalt  }
0x56: {  	_ =	shalt  }
0x57: {  	_ =	shalt  }
0x58: {  	_ =	shalt  }
0x59: {  	_ =	shalt  }
0x5a: {  	_ =	shalt  }
0x5b: {  	_ =	shalt  }
0x5c: {  	_ =	shalt  }
0x5d: {  	_ =	shalt  }
0x5e: {  	_ =	shalt  }
0x5f: {  	_ =	shalt  }
0x60: {  	_ =	shalt  }
0x61: {  	_ =	shalt  }
0x62: {  	_ =	shalt  }
0x63: {  	_ =	shalt  }
0x64: {  	_ =	shalt  }
0x65: {  	_ =	shalt  }
0x66: {  	_ =	shalt  }
0x67: {  	_ =	shalt  }
0x68: {  	_ =	shalt  }
0x69: {  	_ =	shalt  }
0x6a: {  	_ =	shalt  }
0x6b: {  	_ =	shalt  }
0x6c: {  	_ =	shalt  }
0x6d: {  	_ =	shalt  }
0x6e: {  	_ =	shalt  }
0x6f: {  	_ =	shalt  }
0x70: {  	_ =	shalt  }
0x71: {  	_ =	shalt  }
0x72: {  	_ =	shalt  }
0x73: {  	_ =	shalt  }
0x74: {  	_ =	shalt  }
0x75: {  	_ =	shalt  }
0x76: {  	_ =	shalt  }
0x77: {  	_ =	shalt  }
0x78: {  	_ =	shalt  }
0x79: {  	_ =	shalt  }
0x7a: {  	_ =	shalt  }
0x7b: {  	_ =	shalt  }
0x7c: {  	_ =	shalt  }
0x7d: {  	_ =	shalt  }
0x7e: {  	_ =	shalt  }
0x7f: {  	_ =	shalt  }
0x80: {  	_ =	shalt  }
0x81: {  	_ =	shalt  }
0x82: {  	_ =	shalt  }
0x83: {  	_ =	shalt  }
0x84: {  	_ =	shalt  }
0x85: {  	_ =	shalt  }
0x86: {  	_ =	shalt  }
0x87: {  	_ =	shalt  }
.Lfunc_end0:
.L_simem_size_0:
called_computation_lowered:
.L_overlay_start_0:
0x88: {  	s2 =	sld [smem:$0x3FD9]  }
0x89: {  	s3 =	sld [smem:$0x3FFE];
	_ =	sdelay $0x1  }
0x8a: {  	s1 =	srdreg.scid  }
0x8b: {  	s0 =	sand.u32 $0x1, s1  }
0x8c: {  	s16 =	sshll.u32 s0, $0xA;
	s2 =	sadd.s32 s3, s2  }
0x8d: {  	s2 =	sadd.s32 s2, s16  }
0x8e: {  	[smem:$0x3FC2] =	sst s2  }
0x8f: {  	_ = 	snop  }
0x90: {  	(tm) =	ssettm $0x1  }
0x91: {  	s17 =	sld [smem:$0x3FFB];
	_ =	sdelay $0x3  }
0x92: {  	_ =	strace s17  }
0x93: {  	s2 =	sld [smem:$0x3FFC];
	_ =	sdelay $0x3  }
0x94: {  	_ =	strace s2  }
0x95: {  	s2 =	sld [smem:$0x3FFD];
	_ =	sdelay $0x3  }
0x96: {  	_ =	strace s2  }
0x97: {  	_ =	strace $0x8FFFFFFF  }
0x98: {  	s18 =	sld [smem:$0x3FDB];
	_ =	sdelay $0x1  }
0x99: {  	s19 =	simm.s32 $_scs_section_size  }
0x9a: {  	s4 =	simm.s32 $_size__tile_overlayer_lowered;
	s5 =	simm.s32 $_tile_overlayer_lowered  }
0x9b: {  	s22 =	simm.s32 $0x1BFF;
	s21 =	sshll.u32 s5, $0x1;
	s2 =	sadd.s32 s19, s18  }
0x9c: {  	s6 =	simm.s32 $0x0;
	s20 =	sshll.u32 s4, $0x1;
	s4 =	sadd.s32 s21, s2  }
0x9d: {  	[timem:s6], [sflag:s22] =	dma.local [hbm:s4], s20  }
0x9e: {  	_ =	swait.ge [sflag:s22], s20  }
0x9f: {  	s3 =	ssub.s32 $0x0, s20;
	[sflag:s22] =	ssyncset.done $0x0  }
0xa0: {  	[sflag:s22] =	ssyncadd.s32 s3;
	_ =	sdelay $0x1  }
0xa1: {  	s23 =	simm.s32 $0x1B8B  }
0xa2: {  	_ =	swait.ge [sflag:s23], $0x1  }
0xa3: {  	[sflag:s23] =	ssyncset.done $0x0  }
0xa4: {  	s25 =	simm.s32 $0x1B8E;
	s24 =	sld [smem:$0x3FFE];
	[sflag:s23] =	ssyncadd.s32 $0xFFFFFFFF  }
0xa5: {  	s26 =	simm.s32 $execute0_lowered;
	[smem:$0x3FD2] =	sst s25  }
0xa6: {  	s4 =	sshll.u32 s26, $0x1;
	_ =	strace $0x80000046;
	[dreg:$0x1] =	wrdreg $0xFFFFFFFF  }
0xa7: {  	s28 =	simm.s32 $_size_execute0_lowered;
	s2 =	sadd.s32 s2, s4;
	[dreg:$0x0] =	wrdreg $0x0  }
0xa8: {  	s4 =	sshll.u32 s28, $0x1;
	[dreg:$0x2] =	wrdreg s2  }
0xa9: {  	[dreg:$0x3] =	wrdreg s4  }
0xaa: {  	[dreg:$0x4] =	wrdreg $0xC0  }
0xab: {  	_ =	task [dreg:s6], $0x5FFFF  }
0xac: {  	[dreg:$0x1] =	wrdreg $0xFFFFFFFF  }
0xad: {  	[dreg:$0x0] =	wrdreg $0x60  }
0xae: {  	[dreg:$0x2] =	wrdreg s24  }
0xaf: {  	[dreg:$0x3] =	wrdreg $0x68000  }
0xb0: {  	[dreg:$0x4] =	wrdreg $0x9  }
0xb1: {  	_ =	task.clear_ibuf [dreg:s6], $0x5FFFF;
	_ =	strace $0x90000046  }
0xb2: {  	s29 =	simm.s32 $0x9;
	_ =	strace $0x80000048  }
0xb3: {  	_ =	swait.ge [sflag:s29], $0x1  }
0xb4: {  	[sflag:s29] =	ssyncadd.s32 $0xFFFFFFFF  }
0xb5: {  	_ =	strace $0x90000048  }
0xb6: {  	_ =	sfence  }
0xb7: {  	s30 =	sld [smem:$0x0];
	_ =	sdelay $0x2  }
0xb8: {  	s31 =	sshll.u32 s1, $0xD;
	s1 =	sshrl.u32 s1, $0x2  }
0xb9: {  	s3 =	sand.u32 $0x4000, s31;
	s1 =	sadd.s32 s1, s30  }
0xba: {  	s0 =	sor.u32 s3, s0;
	s1 =	sshll.u32 s1, $0x11  }
0xbb: {  	s0 =	sor.u32 s1, s0  }
0xbc: {  	s0 =	sadd.s32 $0x8F2B, s0  }
0xbd: {  	[sflag:s0] =	ssyncadd.remote.s32 $0x1  }
0xbe: {  	_ =	sfence.sel $0xFFFF  }
0xbf: {  	[dreg:$0x0] =	wrdreg $0xFFFFFFFF;
	(pc) =	sbr.abs _section_cstart, $3  }
0xc0: {  	[dreg:$0x1] =	wrdreg $0xFFFFFFFF  }
0xc1: {  	_ =	task.clear_ibuf [dreg:s6], $0x2FFFF;
	_ =	strace $0x9FFFFFFF  }
0xc2: {  	(tm) =	ssettm $0x7FFFFFFF  }
0xc3: {  	_ =	shalt  }
tec
execute0_lowered:
.L_overlay_start_1:
0x0: {  	(tag) =	ssettag $0x1  }
0x1: {  	s5 =	rddreg [dreg:$0x0]  }
0x2: {  	s0 =	srdreg.scid;
	s2 =	rddreg [dreg:$0x1];
	s3 =	simm.s32 $0x0  }
0x3: {  	s13 =	simm.s32 $0x1;
	s4 =	sand.u32 $0x1, s0;
	s0 =	stileid.u32  }
0x4: {  	s14 =	simm.s32 $0x2;
	s15 =	simm.s32 $0x80;
	s7 =	smul.u32 $0x2800, s0  }
0x5: {  	[smem:$0x7FF] =	sst s3;
	s1 =	sshll.u32 s4, $0x4;
	s8 =	smul.u32 $0x28000, s4  }
0x6: {  	s9 =	smul.u32 $0x50000, s0;
	s29 =	ssub.s32 $0x2, s4;
	s16 =	sshll.u32 s0, $0x6  }
0x7: {  	s1 =	sor.u32 s0, s1;
	s31 =	sshrl.u32 s29, $0x1;
	s16 =	sor.u32 $0x1C02, s16  }
0x8: {  	s6 =	smul.u32 $0x500, s1;
	s1 =	rddreg [dreg:$0x2];
	_ =	strace $0x80000047  }
0x9: {  	s28 =	sadd.s32 s7, s8;
	s30 =	sshrl.u32 s9, $0x2;
	s12 =	ssub.s32 s29, s31  }
0xa: {  	s11 =	sadd.s32 s28, s5;
	s4 =	sadd.s32 s30, s2;
	s10 =	sadd.s32 s6, s5  }
0xb: {  	s5 =	sadd.s32 $0x4000, s4;
	s6 =	sadd.s32 $0x8000, s4;
	s7 =	sadd.s32 $0xC000, s4  }
0xc: {  	s8 =	sadd.s32 $0x10000, s4;
	s17 =	sshrl.u32 s4, $0x3;
	s9 =	sadd.s32 $0x2000, s10  }
0xd: {  	v0 =	vimm.f32 $0.0e+00;
	v1 =	vimm.f32 $1.000000000e+00;
	s10 =	sadd.s32 $0xC000, s11;
	s11 =	smax.u32 s12, $0x1;
	s12 =	simm.s32 $0x2800  }
.LBB2_1:
0xe: {  	s18 =	simm.s32 $0x0;
	s19 =	simm.s32 $0x200  }
.LBB2_2:
0xf: {  	p0 =	sne.s32 s19, $0xFE00;
	[tilespmem:s18+$0x2870] =	vst v0  }
0x10: {  	[tilespmem:s18+$0x2800] =	vst v0  }
0x11: {  	[tilespmem:s18+$0x2810] =	vst v0  }
.Ltmp0:
0x12: {  	[tilespmem:s18+$0x2820] =	vst v0;
	(pc) =	sbr.rel @p0 .LBB2_2-.Ltmp0, $4  }
0x13: {  	[tilespmem:s18+$0x2830] =	vst v0  }
0x14: {  	[tilespmem:s18+$0x2840] =	vst v0  }
0x15: {  	[tilespmem:s18+$0x2850] =	vst v0  }
0x16: {  	[tilespmem:s18+$0x2860] =	vst v0;
	s18 =	sshra.s32 s19, $0x2;
	s19 =	sadd.s32 $0x200, s19  }
0x17: {  	[tilespmem:s18+$0x2870] =	vst v0  }
0x18: {  	[tilespmem:s18+$0x2800] =	vst v0  }
0x19: {  	[tilespmem:s18+$0x2810] =	vst v0  }
0x1a: {  	[tilespmem:s18+$0x2820] =	vst v0  }
0x1b: {  	[tilespmem:s18+$0x2830] =	vst v0  }
0x1c: {  	[tilespmem:s18+$0x2840] =	vst v0  }
0x1d: {  	[tilespmem:s18+$0x2850] =	vst v0  }
0x1e: {  	[tilespmem:s18+$0x2860] =	vst v0  }
0x1f: {  	[spmem:s4] =	stream.linear.scatter [tilespmem:s12], [sflag:$0x1], $0x4000, $0x38;
	[tilespmem:$0x1A800] =	vst v63  }
0x20: {  	_ = 	snop  }
0x21: {  	[spmem:s5] =	stream.linear.scatter [tilespmem:s12], [sflag:$0x1], $0x4000, $0x38;
	[tilespmem:$0x1A800] =	vst v63  }
0x22: {  	_ = 	snop  }
0x23: {  	[spmem:s6] =	stream.linear.scatter [tilespmem:s12], [sflag:$0x1], $0x4000, $0x38;
	[tilespmem:$0x1A800] =	vst v63  }
0x24: {  	_ = 	snop  }
0x25: {  	[spmem:s7] =	stream.linear.scatter [tilespmem:s12], [sflag:$0x1], $0x4000, $0x38;
	[tilespmem:$0x1A800] =	vst v63  }
0x26: {  	_ = 	snop  }
0x27: {  	[spmem:s8] =	stream.linear.scatter [tilespmem:s12], [sflag:$0x1], $0x4000, $0x38;
	[tilespmem:$0x1A800] =	vst v63  }
0x28: {  	_ =	swait.ge [sflag:s13], $0x4000  }
0x29: {  	[sflag:s13] =	ssyncset.done $0x0  }
0x2a: {  	[sflag:s13] =	ssyncadd.s32 $0xFFFFC000  }
0x2b: {  	_ =	swait.ge [sflag:s13], $0x4000  }
0x2c: {  	[sflag:s13] =	ssyncset.done $0x0  }
0x2d: {  	[sflag:s13] =	ssyncadd.s32 $0xFFFFC000  }
0x2e: {  	_ =	swait.ge [sflag:s13], $0x4000  }
0x2f: {  	[sflag:s13] =	ssyncset.done $0x0  }
0x30: {  	[sflag:s13] =	ssyncadd.s32 $0xFFFFC000  }
0x31: {  	_ =	swait.ge [sflag:s13], $0x4000  }
0x32: {  	[sflag:s13] =	ssyncset.done $0x0  }
0x33: {  	[sflag:s13] =	ssyncadd.s32 $0xFFFFC000  }
0x34: {  	_ =	swait.ge [sflag:s13], $0x4000  }
0x35: {  	[sflag:s13] =	ssyncset.done $0x0  }
0x36: {  	s18 =	simm.s32 $0x0;
	s19 =	simm.s32 $0x200;
	[sflag:s13] =	ssyncadd.s32 $0xFFFFC000  }
.LBB2_4:
0x37: {  	p0 =	sne.s32 s19, $0xFE00;
	[tilespmem:s18+$0x2870] =	vst v1  }
0x38: {  	[tilespmem:s18+$0x2800] =	vst v1  }
0x39: {  	[tilespmem:s18+$0x2810] =	vst v1  }
.Ltmp1:
0x3a: {  	[tilespmem:s18+$0x2820] =	vst v1;
	(pc) =	sbr.rel @p0 .LBB2_4-.Ltmp1, $4  }
0x3b: {  	[tilespmem:s18+$0x2830] =	vst v1  }
0x3c: {  	[tilespmem:s18+$0x2840] =	vst v1  }
0x3d: {  	[tilespmem:s18+$0x2850] =	vst v1  }
0x3e: {  	[tilespmem:s18+$0x2860] =	vst v1;
	s18 =	sshra.s32 s19, $0x2;
	s19 =	sadd.s32 $0x200, s19  }
0x3f: {  	[tilespmem:s18+$0x2870] =	vst v1  }
0x40: {  	[tilespmem:s18+$0x2800] =	vst v1  }
0x41: {  	[tilespmem:s18+$0x2810] =	vst v1  }
0x42: {  	[tilespmem:s18+$0x2820] =	vst v1  }
0x43: {  	[tilespmem:s18+$0x2830] =	vst v1  }
0x44: {  	[tilespmem:s18+$0x2840] =	vst v1  }
0x45: {  	[tilespmem:s18+$0x2850] =	vst v1  }
0x46: {  	[tilespmem:s18+$0x2860] =	vst v1;
	s18 =	simm.s32 $0x0  }
0x47: {  	[tilespmem:s18], [sflag:$0x2] =	stream.linear.gather [hbm4b:s9+s18], $0x2800, $0x38;
	[tilespmem:$0x1A800] =	vst v63  }
0x48: {  	_ =	swait.ge [sflag:s14], $0x2800  }
0x49: {  	[sflag:s14] =	ssyncset.done $0x0  }
0x4a: {  	[sflag:s14] =	ssyncadd.s32 $0xFFFFD800  }
0x4b: {  	[bflag:$0x0] =	sbarrier.arrive $0xFFFF  }
.LBB2_6:
0x4c: {  	p0 =	sne.s32 s18, $0x9E00  }
.Ltmp2:
0x4d: {  	_ = 	snop;
	(pc) =	sbr.rel @p0 .LBB2_6-.Ltmp2, $3  }
0x4e: {  	_ =	sdelay $0x1  }
0x4f: {  	s19 =	sshra.s32 s18, $0x2;
	s18 =	sadd.s32 $0x200, s18  }
0x50: {  	[spmem:s2] =	stream.indirect.scatter.add.f32 [tilespmem:s12], [sflag:$0x1], $0x80, s19, s15, $0xb8;
	[tilespmem:$0x1A800] =	vst v63  }
0x51: {  	_ =	swait.ge [sflag:s13], $0x4000  }
0x52: {  	s18 =	simm.s32 $0x4F;
	[sflag:s13] =	ssyncset.done $0x0  }
.LBB2_8:
0x53: {  	p0 =	sne.s32 s18, $0x1;
	s18 =	sadd.s32 $0xFFFFFFFF, s18;
	[sflag:s13] =	ssyncadd.s32 $0xFFFFC000  }
.Ltmp3:
0x54: {  	(pc) =	sbr.rel @p0 .LBB2_8-.Ltmp3, $3  }
0x55: {  	_ =	sdelay $0x1  }
0x56: {  	_ =	swait.ge [sflag:s13], $0x4000  }
0x57: {  	[sflag:s13] =	ssyncset.done $0x0  }
0x58: {  	s3 =	sadd.s32 $0x1, s3  }
0x59: {  	[sflag:s13] =	ssyncadd.s32 $0xFFFFC000;
	p0 =	sne.s32 s3, s11  }
.Ltmp4:
0x5a: {  	[bflag:$0x0] =	sbarrier.arrive $0xFFFF;
	(pc) =	sbr.rel @p0 .LBB2_1-.Ltmp4, $4  }
0x5b: {  	[hbm:s10], [sflag:s16] =	dma.local [spmem:s17], $0x2800  }
0x5c: {  	_ =	swait.ge [sflag:s14], $0x2800  }
0x5d: {  	[sflag:s14] =	ssyncset.done $0x0  }
0x5e: {  	[sflag:s14] =	ssyncadd.s32 $0xFFFFD800  }
0x5f: {  	_ =	sfence.sel $0x180000  }
0x60: {  	[bflag:$0x0] =	sbarrier.arrive $0xFFFF  }
0x61: {  	p0 =	sne.s32 s0, $0x0;
	_ =	strace $0x90000047  }
0x62: {  	s0 =	sadd.s32 @!p0 $0x100000, s1;
	[bflag:$0x2] =	sbarrier.arrive $0xFFFF  }
0x63: {  	[sflag:s0] =	ssyncadd.tile.s32 @!p0 $0x1;
	_ =	shalt  }
.Lfunc_end2:
_tile_overlayer_lowered:
.L_overlay_start_2:
0x64: {  	(tag) =	ssettag $0x2  }
0x65: {  	s0 =	rddreg [dreg:$0x0];
	s2 =	stileid.u32  }
0x66: {  	s1 =	rddreg [dreg:$0x1];
	p0 =	sne.s32 s2, $0x0  }
0x67: {  	s3 =	rddreg [dreg:$0x2];
	[bflag:$0x3] =	sbarrier.arrive $0xFFFF;
	s2 =	simm.s32 @!p0 $0x1C02  }
0x68: {  	[timem:s3], [sflag:s2] =	dma.local @!p0 [hbm:s0], s1  }
0x69: {  	s0 =	simm.s32 @!p0 $0x2  }
0x6a: {  	_ =	swait.ge @!p0 [sflag:s0], s1  }
0x6b: {  	s1 =	ssub.s32 @!p0 $0x0, s1;
	[sflag:s0] =	ssyncset.done @!p0 $0x0  }
0x6c: {  	[sflag:s0] =	ssyncadd.s32 @!p0 s1  }
0x6d: {  	[bflag:$0x3] =	sbarrier.arrive $0xFFFF  }
0x6e: {  	_ =	shalt  }

</sc_bundles>
